<compile_context>
chip_gen: v7x
topology: tpu7x:2x2x1
jax: 0.10.2.dev20260603
libtpu: 0.0.44.dev20260713+nightly
codegen_flags: <defaults>
</compile_context>

<pallas_src>
import numpy as np
import jax
import jax.numpy as jnp
from jax.experimental import pallas as pl
from jax.experimental.pallas import tpu as pltpu
from jax.experimental.pallas import tpu_sc as plsc

_FEAT_STRIDE = 16
_NUM_ANCHORS = 9
_PRE = 6000
_POST = 300
_THRESH = 0.7
_H = 128
_W = 128
_N = _H * _W * _NUM_ANCHORS
_LANES = 128
_ROWS = _N // _LANES
_NEG = float("-inf")
_INF = float("inf")

_NC = 2
_NS = 16
_NW = _NC * _NS
_CHUNK = _N // _NW
_CSTEPS = _CHUNK // 16
_CAP = 384
_CB = _NW * _CAP
_CROWS = _CB // _LANES


def _base_anchors(base_size=16, ratios=(0.5, 1.0, 2.0), scales=(8.0, 16.0, 32.0)):
    base = np.array([1, 1, base_size, base_size], dtype=np.float32) - 1.0
    w = base[2] - base[0] + 1.0
    h = base[3] - base[1] + 1.0
    x_ctr = base[0] + 0.5 * (w - 1.0)
    y_ctr = base[1] + 0.5 * (h - 1.0)
    size = w * h
    ratios = np.array(ratios, dtype=np.float32)
    scales = np.array(scales, dtype=np.float32)
    size_ratios = size / ratios
    ws = np.round(np.sqrt(size_ratios))
    hs = np.round(ws * ratios)
    ratio_anchors = np.stack(
        [x_ctr - 0.5 * (ws - 1.0), y_ctr - 0.5 * (hs - 1.0),
         x_ctr + 0.5 * (ws - 1.0), y_ctr + 0.5 * (hs - 1.0)], axis=1)
    out = []
    for ra in ratio_anchors:
        aw = ra[2] - ra[0] + 1.0
        ah = ra[3] - ra[1] + 1.0
        axc = ra[0] + 0.5 * (aw - 1.0)
        ayc = ra[1] + 0.5 * (ah - 1.0)
        ws2 = aw * scales
        hs2 = ah * scales
        out.append(np.stack(
            [axc - 0.5 * (ws2 - 1.0), ayc - 0.5 * (hs2 - 1.0),
             axc + 0.5 * (ws2 - 1.0), ayc + 0.5 * (hs2 - 1.0)], axis=1))
    return np.concatenate(out, axis=0).astype(np.float32)


_BA = _base_anchors(_FEAT_STRIDE)
_AW = [float(np.float32(_BA[a, 2] - _BA[a, 0] + 1.0)) for a in range(9)]
_AH = [float(np.float32(_BA[a, 3] - _BA[a, 1] + 1.0)) for a in range(9)]
_ACX0 = [float(np.float32(_BA[a, 0]) + np.float32(0.5) * np.float32(_AW[a]))
         for a in range(9)]
_ACY0 = [float(np.float32(_BA[a, 1]) + np.float32(0.5) * np.float32(_AH[a]))
         for a in range(9)]



def _transform_kernel(params_ref, sc_ref, bd_ref,
                      so_ref, x1_ref, y1_ref, x2_ref, y2_ref, oi_ref):
    img = pl.program_id(0)
    wmax = params_ref[img, 0]
    hmax = params_ref[img, 1]
    min_a = params_ref[img, 2]
    max_a = params_ref[img, 3]

    hgrid = (jax.lax.broadcasted_iota(jnp.int32, (_H, _W), 0)
             .astype(jnp.float32) * float(_FEAT_STRIDE))
    wgrid = (jax.lax.broadcasted_iota(jnp.int32, (_H, _W), 1)
             .astype(jnp.float32) * float(_FEAT_STRIDE))

    for a in range(_NUM_ANCHORS):
        dx = bd_ref[4 * a]
        dy = bd_ref[4 * a + 1]
        dw = bd_ref[4 * a + 2]
        dh = bd_ref[4 * a + 3]
        sca = sc_ref[_NUM_ANCHORS + a]
        pcx = dx * _AW[a] + (wgrid + _ACX0[a])
        pcy = dy * _AH[a] + (hgrid + _ACY0[a])
        pw = jnp.exp(dw) * _AW[a]
        ph = jnp.exp(dh) * _AH[a]
        x1 = jnp.minimum(jnp.maximum(pcx - 0.5 * pw, 0.0), wmax)
        y1 = jnp.minimum(jnp.maximum(pcy - 0.5 * ph, 0.0), hmax)
        x2 = jnp.minimum(jnp.maximum(pcx + 0.5 * pw, 0.0), wmax)
        y2 = jnp.minimum(jnp.maximum(pcy + 0.5 * ph, 0.0), hmax)
        area_f = (x2 - x1) * (y2 - y1)
        sva = jnp.where((area_f < min_a) | (area_f > max_a), -1.0, sca)
        rows = pl.ds(a * _H, _H)
        so_ref[rows, :] = sva
        x1_ref[rows, :] = x1
        y1_ref[rows, :] = y1
        x2_ref[rows, :] = x2
        y2_ref[rows, :] = y2

    r_iota = jax.lax.broadcasted_iota(jnp.int32, (_ROWS, _LANES), 0)
    l_iota = jax.lax.broadcasted_iota(jnp.int32, (_ROWS, _LANES), 1)
    a_i = r_iota // _H
    h_i = r_iota % _H
    idx = (h_i * _W + l_iota) * _NUM_ANCHORS + a_i

    sc = so_ref[...]
    smin = jnp.min(sc)
    smax = jnp.max(sc) + 1.0

    def _bis_val(_, lohi):
        lo, hi = lohi
        mid = 0.5 * (lo + hi)
        cnt = jnp.sum((sc >= mid).astype(jnp.int32))
        ok = cnt >= _PRE
        return jnp.where(ok, mid, lo), jnp.where(ok, hi, mid)

    t, _ = jax.lax.fori_loop(0, 60, _bis_val, (smin, smax))
    c_gt = jnp.sum((sc > t).astype(jnp.int32))
    need = _PRE - c_gt
    eq = sc == t

    def _bis_idx(_, lohi):
        lo, hi = lohi
        mid = (lo + hi) // 2
        c = jnp.sum((eq & (idx <= mid)).astype(jnp.int32))
        ok = c >= need
        return jnp.where(ok, lo, mid), jnp.where(ok, mid, hi)

    _, m = jax.lax.fori_loop(0, 18, _bis_idx,
                             (jnp.int32(-1), jnp.int32(_N - 1)))
    keep = (sc > t) | (eq & (idx <= m))

    so_ref[...] = jnp.where(keep, sc, _NEG)
    oi_ref[...] = jnp.where(keep, idx.astype(jnp.float32), _INF)


def _stage1(scores_in, bbox_deltas, im_info, valid_range):
    B = scores_in.shape[0]
    params = jnp.stack([im_info[:, 1] - 1.0, im_info[:, 0] - 1.0,
                        valid_range[:, 0] ** 2, valid_range[:, 1] ** 2],
                       axis=1)
    outs = pl.pallas_call(
        _transform_kernel,
        grid=(B,),
        in_specs=[
            pl.BlockSpec((B, 4), lambda b: (0, 0), memory_space=pltpu.SMEM),
            pl.BlockSpec((None, 2 * _NUM_ANCHORS, _H, _W), lambda b: (b, 0, 0, 0)),
            pl.BlockSpec((None, 4 * _NUM_ANCHORS, _H, _W), lambda b: (b, 0, 0, 0)),
        ],
        out_specs=[pl.BlockSpec((None, _ROWS, _LANES), lambda b: (b, 0, 0))] * 6,
        out_shape=[jax.ShapeDtypeStruct((B, _ROWS, _LANES), jnp.float32)] * 6,
        compiler_params=pltpu.CompilerParams(
            dimension_semantics=("arbitrary",)),
    )(params, scores_in, bbox_deltas)
    return [o.reshape(B, _N) for o in outs]



def _make_compact(B):
    def _compact_body(s_hbm, x1_hbm, y1_hbm, x2_hbm, y2_hbm, oi_hbm,
                      so_hbm, x1o_hbm, y1o_hbm, x2o_hbm, y2o_hbm, oio_hbm,
                      s_v, x1_v, y1_v, x2_v, y2_v, oi_v,
                      so_v, x1o_v, y1o_v, x2o_v, y2o_v, oio_v):
        cid = jax.lax.axis_index("c")
        sid = jax.lax.axis_index("s")
        wid = sid * _NC + cid
        base = wid * _CHUNK
        neg16 = jnp.full((16,), _NEG, dtype=jnp.float32)
        inf16 = jnp.full((16,), _INF, dtype=jnp.float32)
        zero16 = jnp.zeros((16,), dtype=jnp.float32)
        for b in range(B):
            pltpu.sync_copy(s_hbm.at[b, pl.ds(base, _CHUNK)], s_v)
            pltpu.sync_copy(x1_hbm.at[b, pl.ds(base, _CHUNK)], x1_v)
            pltpu.sync_copy(y1_hbm.at[b, pl.ds(base, _CHUNK)], y1_v)
            pltpu.sync_copy(x2_hbm.at[b, pl.ds(base, _CHUNK)], x2_v)
            pltpu.sync_copy(y2_hbm.at[b, pl.ds(base, _CHUNK)], y2_v)
            pltpu.sync_copy(oi_hbm.at[b, pl.ds(base, _CHUNK)], oi_v)

            def _init(j, carry):
                so_v[pl.ds(j * 16, 16)] = neg16
                x1o_v[pl.ds(j * 16, 16)] = zero16
                y1o_v[pl.ds(j * 16, 16)] = zero16
                x2o_v[pl.ds(j * 16, 16)] = zero16
                y2o_v[pl.ds(j * 16, 16)] = zero16
                oio_v[pl.ds(j * 16, 16)] = inf16
                return carry

            jax.lax.fori_loop(0, (_CAP + 32) // 16, _init, 0)

            lane16 = jax.lax.broadcasted_iota(jnp.int32, (16,), 0)

            def _step(i, off):
                sv = s_v[pl.ds(i * 16, 16)]
                msk = sv > jnp.float32(-1e30)
                ranks = plsc.cumsum(msk.astype(jnp.int32))
                tgt = jnp.where(msk, off + ranks - 1, _CAP + 16 + lane16)
                plsc.store_scatter(so_v, [tgt], sv)
                plsc.store_scatter(x1o_v, [tgt], x1_v[pl.ds(i * 16, 16)])
                plsc.store_scatter(y1o_v, [tgt], y1_v[pl.ds(i * 16, 16)])
                plsc.store_scatter(x2o_v, [tgt], x2_v[pl.ds(i * 16, 16)])
                plsc.store_scatter(y2o_v, [tgt], y2_v[pl.ds(i * 16, 16)])
                plsc.store_scatter(oio_v, [tgt], oi_v[pl.ds(i * 16, 16)])
                cnt = jnp.max(ranks)
                return jnp.minimum(off + cnt, jnp.int32(_CAP))

            jax.lax.fori_loop(0, _CSTEPS, _step, jnp.int32(0))

            obase = wid * _CAP
            pltpu.sync_copy(so_v.at[pl.ds(0, _CAP)], so_hbm.at[b, pl.ds(obase, _CAP)])
            pltpu.sync_copy(x1o_v.at[pl.ds(0, _CAP)], x1o_hbm.at[b, pl.ds(obase, _CAP)])
            pltpu.sync_copy(y1o_v.at[pl.ds(0, _CAP)], y1o_hbm.at[b, pl.ds(obase, _CAP)])
            pltpu.sync_copy(x2o_v.at[pl.ds(0, _CAP)], x2o_hbm.at[b, pl.ds(obase, _CAP)])
            pltpu.sync_copy(y2o_v.at[pl.ds(0, _CAP)], y2o_hbm.at[b, pl.ds(obase, _CAP)])
            pltpu.sync_copy(oio_v.at[pl.ds(0, _CAP)], oio_hbm.at[b, pl.ds(obase, _CAP)])

    return pl.kernel(
        _compact_body,
        out_type=[jax.ShapeDtypeStruct((B, _CB), jnp.float32)] * 6,
        mesh=plsc.VectorSubcoreMesh(core_axis_name="c", subcore_axis_name="s",
                                    num_cores=_NC, num_subcores=_NS),
        scratch_types=([pltpu.VMEM((_CHUNK,), jnp.float32)] * 6
                       + [pltpu.VMEM((_CAP + 32,), jnp.float32)] * 6),
        compiler_params=pltpu.CompilerParams(needs_layout_passes=False),
    )



def _make_nms_kernel(B):
    def _nms_kernel(s_ref, x1_ref, y1_ref, x2_ref, y2_ref, oi_ref, out_ref):
        x1v = [x1_ref[b] for b in range(B)]
        y1v = [y1_ref[b] for b in range(B)]
        x2v = [x2_ref[b] + 1.0 for b in range(B)]
        y2v = [y2_ref[b] + 1.0 for b in range(B)]
        oiv = [oi_ref[b] for b in range(B)]
        arv = [(x2v[b] - x1v[b]) * (y2v[b] - y1v[b]) for b in range(B)]

        lane5 = jax.lax.broadcasted_iota(jnp.int32, (1, 5), 1)

        def _pick(k, ss):
            out = []
            for b in range(B):
                s = ss[b]
                mval = jnp.max(s)
                bi = jnp.min(jnp.where(s == mval, oiv[b], _INF))
                onehot = oiv[b] == bi

                bx1 = jnp.max(jnp.where(onehot, x1v[b], _NEG))
                by1 = jnp.max(jnp.where(onehot, y1v[b], _NEG))
                bx2p = jnp.max(jnp.where(onehot, x2v[b], _NEG))
                by2p = jnp.max(jnp.where(onehot, y2v[b], _NEG))
                barea = (bx2p - bx1) * (by2p - by1)

                valid = mval > -1e8
                z = jnp.float32(0.0)
                vx1 = jnp.where(valid, bx1, z)
                vy1 = jnp.where(valid, by1, z)
                vx2 = jnp.where(valid, bx2p - 1.0, z)
                vy2 = jnp.where(valid, by2p - 1.0, z)
                row = jnp.where(lane5 == 0, jnp.float32(b),
                      jnp.where(lane5 == 1, vx1,
                      jnp.where(lane5 == 2, vy1,
                      jnp.where(lane5 == 3, vx2, vy2))))
                out_ref[b, pl.ds(k, 1), :] = row

                iw = jnp.maximum(
                    0.0, jnp.minimum(x2v[b], bx2p) - jnp.maximum(x1v[b], bx1))
                ih = jnp.maximum(
                    0.0, jnp.minimum(y2v[b], by2p) - jnp.maximum(y1v[b], by1))
                inter = iw * ih
                hit = inter > _THRESH * (arv[b] + barea - inter)
                out.append(jnp.where(hit | onehot, _NEG, s))
            return tuple(out)

        jax.lax.fori_loop(0, _POST, _pick,
                          tuple(s_ref[b] for b in range(B)))

    return _nms_kernel


def _stage3(so, x1o, y1o, x2o, y2o, oio):
    B = so.shape[0]
    rs = lambda a: a.reshape(B, _CROWS, _LANES)
    return pl.pallas_call(
        _make_nms_kernel(B),
        out_shape=jax.ShapeDtypeStruct((B, _POST, 5), jnp.float32),
    )(rs(so), rs(x1o), rs(y1o), rs(x2o), rs(y2o), rs(oio))


def kernel(scores_in, bbox_deltas, im_info, valid_range):
    B = scores_in.shape[0]
    s, x1, y1, x2, y2, oi = _stage1(scores_in, bbox_deltas, im_info, valid_range)
    so, x1o, y1o, x2o, y2o, oio = _make_compact(B)(s, x1, y1, x2, y2, oi)
    return _stage3(so, x1o, y1o, x2o, y2o, oio)

# --- scband reference (transcript-rebuilt; emitter-appended) ---
"""Pipeline reference for scband-proposal-layer-62861141344464 (READ-ONLY COPY).

The authoritative reference and input builder live on the scoring server;
editing this copy changes nothing except your own understanding.
"""

import jax, jax.numpy as jnp
import numpy as np

FEAT_STRIDE = 16
NUM_ANCHORS = 9
PRE_NMS_TOP_N = 6000
POST_NMS_TOP_N = 300
NMS_THRESH = 0.7

def generate_anchors(base_size=16, ratios=(0.5, 1.0, 2.0), scales=(8.0, 16.0, 32.0)):
    base = np.array([1, 1, base_size, base_size], dtype=np.float32) - 1.0
    w = base[2] - base[0] + 1.0
    h = base[3] - base[1] + 1.0
    x_ctr = base[0] + 0.5 * (w - 1.0)
    y_ctr = base[1] + 0.5 * (h - 1.0)
    size = w * h
    ratios = np.array(ratios, dtype=np.float32)
    scales = np.array(scales, dtype=np.float32)
    size_ratios = size / ratios
    ws = np.round(np.sqrt(size_ratios))
    hs = np.round(ws * ratios)
    ratio_anchors = np.stack([x_ctr - 0.5 * (ws - 1.0), y_ctr - 0.5 * (hs - 1.0), x_ctr + 0.5 * (ws - 1.0), y_ctr + 0.5 * (hs - 1.0)], axis=1)
    out = []
    for ra in ratio_anchors:
        aw = ra[2] - ra[0] + 1.0
        ah = ra[3] - ra[1] + 1.0
        axc = ra[0] + 0.5 * (aw - 1.0)
        ayc = ra[1] + 0.5 * (ah - 1.0)
        ws2 = aw * scales
        hs2 = ah * scales
        out.append(np.stack([axc - 0.5 * (ws2 - 1.0), ayc - 0.5 * (hs2 - 1.0), axc + 0.5 * (ws2 - 1.0), ayc + 0.5 * (hs2 - 1.0)], axis=1))
    return np.concatenate(out, axis=0).astype(np.float32)

def _proposal_forward(scores_in, bbox_deltas, im_info, valid_range):
    B = scores_in.shape[0]
    H = scores_in.shape[2]
    W = scores_in.shape[3]
    scores = scores_in[:, NUM_ANCHORS:, :, :]
    base_anchors = generate_anchors(FEAT_STRIDE)
    sx = np.arange(W, dtype=np.float32) * FEAT_STRIDE
    sy = np.arange(H, dtype=np.float32) * FEAT_STRIDE
    mx, my = np.meshgrid(sx, sy)
    shifts = np.stack([mx.ravel(), my.ravel(), mx.ravel(), my.ravel()], axis=1)
    anchors = jnp.asarray((shifts[:, None, :] + base_anchors[None, :, :]).reshape(-1, 4))
    deltas = jnp.transpose(bbox_deltas, (0, 2, 3, 1)).reshape(B, -1, 4)
    sc = jnp.transpose(scores, (0, 2, 3, 1)).reshape(B, -1)
    aw = anchors[:, 2] - anchors[:, 0] + 1.0
    ah = anchors[:, 3] - anchors[:, 1] + 1.0
    acx = anchors[:, 0] + 0.5 * aw
    acy = anchors[:, 1] + 0.5 * ah
    dx = deltas[:, :, 0]
    dy = deltas[:, :, 1]
    dw = deltas[:, :, 2]
    dh = deltas[:, :, 3]
    pcx = dx * aw[None, :] + acx[None, :]
    pcy = dy * ah[None, :] + acy[None, :]
    pw = jnp.exp(dw) * aw[None, :]
    ph = jnp.exp(dh) * ah[None, :]
    x1 = pcx - 0.5 * pw
    y1 = pcy - 0.5 * ph
    x2 = pcx + 0.5 * pw
    y2 = pcy + 0.5 * ph
    wmax = im_info[:, 1][:, None] - 1.0
    hmax = im_info[:, 0][:, None] - 1.0
    x1 = jnp.minimum(jnp.maximum(x1, 0.0), wmax)
    y1 = jnp.minimum(jnp.maximum(y1, 0.0), hmax)
    x2 = jnp.minimum(jnp.maximum(x2, 0.0), wmax)
    y2 = jnp.minimum(jnp.maximum(y2, 0.0), hmax)
    proposals = jnp.stack([x1, y1, x2, y2], axis=2)
    area = (x2 - x1) * (y2 - y1)
    min_a = (valid_range[:, 0] ** 2)[:, None]
    max_a = (valid_range[:, 1] ** 2)[:, None]
    sc = jnp.where((area < min_a) | (area > max_a), -1.0, sc)
    order = jnp.argsort(-sc, axis=1)[:, :PRE_NMS_TOP_N]
    outs = []
    for i in range(B):
        props = proposals[i][order[i]]
        s = sc[i][order[i]]
        bx1 = props[:, 0]
        by1 = props[:, 1]
        bx2 = props[:, 2]
        by2 = props[:, 3]
        areas = (bx2 - bx1 + 1.0) * (by2 - by1 + 1.0)
        rows = []
        for _ in range(POST_NMS_TOP_N):
            best = jnp.argmax(s)
            bscore = s[best]
            valid = bscore > -1e8
            bb = props[best]
            row = jnp.concatenate([jnp.array([float(i)], dtype=jnp.float32), jnp.where(valid, bb, jnp.zeros(4, dtype=jnp.float32))])
            rows.append(row)
            xx1 = jnp.maximum(bx1, bb[0])
            yy1 = jnp.maximum(by1, bb[1])
            xx2 = jnp.minimum(bx2, bb[2])
            yy2 = jnp.minimum(by2, bb[3])
            iw = jnp.maximum(0.0, xx2 - xx1 + 1.0)
            ih = jnp.maximum(0.0, yy2 - yy1 + 1.0)
            inter = iw * ih
            iou = inter / (areas + areas[best] - inter)
            s = jnp.where(iou > NMS_THRESH, -jnp.inf, s)
            s = s.at[best].set(-jnp.inf)
        outs.append(jnp.stack(rows, axis=0))
    return jnp.stack(outs, axis=0)

def setup_inputs(seed: int = 0):
    key = jax.random.key(seed)
    k1, k2 = jax.random.split(key)
    scores_in = jax.random.normal(k1, (2, 18, 128, 128), dtype=jnp.float32)
    bbox_deltas = jax.random.normal(k2, (2, 36, 128, 128), dtype=jnp.float32) * 0.1
    im_info = jnp.tile(jnp.array([[2048.0, 2048.0, 1.0]], dtype=jnp.float32), (2, 1))
    valid_range = jnp.tile(jnp.array([[0.0, 100000.0]], dtype=jnp.float32), (2, 1))
    return {'scores_in': scores_in, 'bbox_deltas': bbox_deltas, 'im_info': im_info, 'valid_range': valid_range}

def reference(scores_in, bbox_deltas, im_info, valid_range):
    return _proposal_forward(scores_in, bbox_deltas, im_info, valid_range)

if __name__ == "__main__":
    import jax
    _d = setup_inputs()
    print(jax.jit(kernel)(*tuple(_d.values())))

</pallas_src>

<mosaic_0001>
#map = affine_map<(d0, d1) -> (0, 0)>
module attributes {stable_mosaic.version = 14 : i64} {
  func.func @_compact_body(%arg0: i32, %arg1: i32, %arg2: memref<2x147456xf32, #tpu.memory_space<hbm>>, %arg3: memref<2x147456xf32, #tpu.memory_space<hbm>>, %arg4: memref<2x147456xf32, #tpu.memory_space<hbm>>, %arg5: memref<2x147456xf32, #tpu.memory_space<hbm>>, %arg6: memref<2x147456xf32, #tpu.memory_space<hbm>>, %arg7: memref<2x147456xf32, #tpu.memory_space<hbm>>, %arg8: memref<2x12288xf32, #tpu.memory_space<hbm>>, %arg9: memref<2x12288xf32, #tpu.memory_space<hbm>>, %arg10: memref<2x12288xf32, #tpu.memory_space<hbm>>, %arg11: memref<2x12288xf32, #tpu.memory_space<hbm>>, %arg12: memref<2x12288xf32, #tpu.memory_space<hbm>>, %arg13: memref<2x12288xf32, #tpu.memory_space<hbm>>, %arg14: memref<4608xf32, #tpu.memory_space<vmem>>, %arg15: memref<4608xf32, #tpu.memory_space<vmem>>, %arg16: memref<4608xf32, #tpu.memory_space<vmem>>, %arg17: memref<4608xf32, #tpu.memory_space<vmem>>, %arg18: memref<4608xf32, #tpu.memory_space<vmem>>, %arg19: memref<4608xf32, #tpu.memory_space<vmem>>, %arg20: memref<416xf32, #tpu.memory_space<vmem>>, %arg21: memref<416xf32, #tpu.memory_space<vmem>>, %arg22: memref<416xf32, #tpu.memory_space<vmem>>, %arg23: memref<416xf32, #tpu.memory_space<vmem>>, %arg24: memref<416xf32, #tpu.memory_space<vmem>>, %arg25: memref<416xf32, #tpu.memory_space<vmem>>) attributes {dimension_semantics = [#tpu.dimension_semantics<core_parallel>, #tpu.dimension_semantics<subcore_parallel>], iteration_bounds = array<i64: 2, 16>, scalar_prefetch = 0 : i64, scratch_operands = 12 : i64, tpu.core_type = #tpu.core_type<sc_vector_subcore>, window_params = [{transform_indices = #map}, {transform_indices = #map}, {transform_indices = #map}, {transform_indices = #map}, {transform_indices = #map}, {transform_indices = #map}, {transform_indices = #map}, {transform_indices = #map}, {transform_indices = #map}, {transform_indices = #map}, {transform_indices = #map}, {transform_indices = #map}]} {
    %mul3A = arith.constant 2 : i32
    %mul3A_0 = arith.muli %arg1, %mul3A : i32
    %add3A = arith.addi %mul3A_0, %arg0 : i32
    %mul3A_1 = arith.constant 4608 : i32
    %mul3A_2 = arith.muli %add3A, %mul3A_1 : i32
    %broadcast_in_dim3A = arith.constant 0xFF800000 : f32
    %broadcast_in_dim3A_3 = vector.broadcast %broadcast_in_dim3A : f32 to vector<16xf32>
    %broadcast_in_dim3A_4 = arith.constant 0x7F800000 : f32
    %broadcast_in_dim3A_5 = vector.broadcast %broadcast_in_dim3A_4 : f32 to vector<16xf32>
    %broadcast_in_dim3A_6 = arith.constant 0.000000e+00 : f32
    %broadcast_in_dim3A_7 = vector.broadcast %broadcast_in_dim3A_6 : f32 to vector<16xf32>
    %run_scoped3A = arith.constant 0 : i32
    "tpu.region"() ({
      %run_scoped3A_61 = tpu.sem_alloc : memref<!tpu.dma_semaphore, #tpu.memory_space<semaphore_mem>>
      %dma_start3A = tpu.memref_slice %arg2[%run_scoped3A, %mul3A_2] : memref<2x147456xf32, #tpu.memory_space<hbm>> -> memref<1x4608xf32, #tpu.memory_space<hbm>>
      %dma_start3A_62 = tpu.memref_squeeze %dma_start3A : memref<1x4608xf32, #tpu.memory_space<hbm>> -> memref<4608xf32, #tpu.memory_space<hbm>>
      %dma_start3A_63 = tpu.memref_slice %arg2[%run_scoped3A, %mul3A_2] : memref<2x147456xf32, #tpu.memory_space<hbm>> -> memref<1x4608xf32, #tpu.memory_space<hbm>>
      %dma_start3A_64 = tpu.memref_squeeze %dma_start3A_63 : memref<1x4608xf32, #tpu.memory_space<hbm>> -> memref<4608xf32, #tpu.memory_space<hbm>>
      tpu.enqueue_dma source(%dma_start3A_64 : memref<4608xf32, #tpu.memory_space<hbm>>) target(%arg14 : memref<4608xf32, #tpu.memory_space<vmem>>) target_semaphore(%run_scoped3A_61 : memref<!tpu.dma_semaphore, #tpu.memory_space<semaphore_mem>>)
      %dma_wait3A = tpu.memref_slice %arg2[%run_scoped3A, %mul3A_2] : memref<2x147456xf32, #tpu.memory_space<hbm>> -> memref<1x4608xf32, #tpu.memory_space<hbm>>
      %dma_wait3A_65 = tpu.memref_squeeze %dma_wait3A : memref<1x4608xf32, #tpu.memory_space<hbm>> -> memref<4608xf32, #tpu.memory_space<hbm>>
      %dma_wait3A_66 = tpu.memref_slice %arg2[%run_scoped3A, %mul3A_2] : memref<2x147456xf32, #tpu.memory_space<hbm>> -> memref<1x4608xf32, #tpu.memory_space<hbm>>
      %dma_wait3A_67 = tpu.memref_squeeze %dma_wait3A_66 : memref<1x4608xf32, #tpu.memory_space<hbm>> -> memref<4608xf32, #tpu.memory_space<hbm>>
      tpu.wait_dma2 semaphore(%run_scoped3A_61 : memref<!tpu.dma_semaphore, #tpu.memory_space<semaphore_mem>>) src(%dma_wait3A_67 : memref<4608xf32, #tpu.memory_space<hbm>>) dst(%arg14 : memref<4608xf32, #tpu.memory_space<vmem>>)
      tpu.yield
    }) : () -> ()
    %run_scoped3A_8 = arith.constant 0 : i32
    "tpu.region"() ({
      %run_scoped3A_61 = tpu.sem_alloc : memref<!tpu.dma_semaphore, #tpu.memory_space<semaphore_mem>>
      %dma_start3A = tpu.memref_slice %arg3[%run_scoped3A_8, %mul3A_2] : memref<2x147456xf32, #tpu.memory_space<hbm>> -> memref<1x4608xf32, #tpu.memory_space<hbm>>
      %dma_start3A_62 = tpu.memref_squeeze %dma_start3A : memref<1x4608xf32, #tpu.memory_space<hbm>> -> memref<4608xf32, #tpu.memory_space<hbm>>
      %dma_start3A_63 = tpu.memref_slice %arg3[%run_scoped3A_8, %mul3A_2] : memref<2x147456xf32, #tpu.memory_space<hbm>> -> memref<1x4608xf32, #tpu.memory_space<hbm>>
      %dma_start3A_64 = tpu.memref_squeeze %dma_start3A_63 : memref<1x4608xf32, #tpu.memory_space<hbm>> -> memref<4608xf32, #tpu.memory_space<hbm>>
      tpu.enqueue_dma source(%dma_start3A_64 : memref<4608xf32, #tpu.memory_space<hbm>>) target(%arg15 : memref<4608xf32, #tpu.memory_space<vmem>>) target_semaphore(%run_scoped3A_61 : memref<!tpu.dma_semaphore, #tpu.memory_space<semaphore_mem>>)
      %dma_wait3A = tpu.memref_slice %arg3[%run_scoped3A_8, %mul3A_2] : memref<2x147456xf32, #tpu.memory_space<hbm>> -> memref<1x4608xf32, #tpu.memory_space<hbm>>
      %dma_wait3A_65 = tpu.memref_squeeze %dma_wait3A : memref<1x4608xf32, #tpu.memory_space<hbm>> -> memref<4608xf32, #tpu.memory_space<hbm>>
      %dma_wait3A_66 = tpu.memref_slice %arg3[%run_scoped3A_8, %mul3A_2] : memref<2x147456xf32, #tpu.memory_space<hbm>> -> memref<1x4608xf32, #tpu.memory_space<hbm>>
      %dma_wait3A_67 = tpu.memref_squeeze %dma_wait3A_66 : memref<1x4608xf32, #tpu.memory_space<hbm>> -> memref<4608xf32, #tpu.memory_space<hbm>>
      tpu.wait_dma2 semaphore(%run_scoped3A_61 : memref<!tpu.dma_semaphore, #tpu.memory_space<semaphore_mem>>) src(%dma_wait3A_67 : memref<4608xf32, #tpu.memory_space<hbm>>) dst(%arg15 : memref<4608xf32, #tpu.memory_space<vmem>>)
      tpu.yield
    }) : () -> ()
    %run_scoped3A_9 = arith.constant 0 : i32
    "tpu.region"() ({
      %run_scoped3A_61 = tpu.sem_alloc : memref<!tpu.dma_semaphore, #tpu.memory_space<semaphore_mem>>
      %dma_start3A = tpu.memref_slice %arg4[%run_scoped3A_9, %mul3A_2] : memref<2x147456xf32, #tpu.memory_space<hbm>> -> memref<1x4608xf32, #tpu.memory_space<hbm>>
      %dma_start3A_62 = tpu.memref_squeeze %dma_start3A : memref<1x4608xf32, #tpu.memory_space<hbm>> -> memref<4608xf32, #tpu.memory_space<hbm>>
      %dma_start3A_63 = tpu.memref_slice %arg4[%run_scoped3A_9, %mul3A_2] : memref<2x147456xf32, #tpu.memory_space<hbm>> -> memref<1x4608xf32, #tpu.memory_space<hbm>>
      %dma_start3A_64 = tpu.memref_squeeze %dma_start3A_63 : memref<1x4608xf32, #tpu.memory_space<hbm>> -> memref<4608xf32, #tpu.memory_space<hbm>>
      tpu.enqueue_dma source(%dma_start3A_64 : memref<4608xf32, #tpu.memory_space<hbm>>) target(%arg16 : memref<4608xf32, #tpu.memory_space<vmem>>) target_semaphore(%run_scoped3A_61 : memref<!tpu.dma_semaphore, #tpu.memory_space<semaphore_mem>>)
      %dma_wait3A = tpu.memref_slice %arg4[%run_scoped3A_9, %mul3A_2] : memref<2x147456xf32, #tpu.memory_space<hbm>> -> memref<1x4608xf32, #tpu.memory_space<hbm>>
      %dma_wait3A_65 = tpu.memref_squeeze %dma_wait3A : memref<1x4608xf32, #tpu.memory_space<hbm>> -> memref<4608xf32, #tpu.memory_space<hbm>>
      %dma_wait3A_66 = tpu.memref_slice %arg4[%run_scoped3A_9, %mul3A_2] : memref<2x147456xf32, #tpu.memory_space<hbm>> -> memref<1x4608xf32, #tpu.memory_space<hbm>>
      %dma_wait3A_67 = tpu.memref_squeeze %dma_wait3A_66 : memref<1x4608xf32, #tpu.memory_space<hbm>> -> memref<4608xf32, #tpu.memory_space<hbm>>
      tpu.wait_dma2 semaphore(%run_scoped3A_61 : memref<!tpu.dma_semaphore, #tpu.memory_space<semaphore_mem>>) src(%dma_wait3A_67 : memref<4608xf32, #tpu.memory_space<hbm>>) dst(%arg16 : memref<4608xf32, #tpu.memory_space<vmem>>)
      tpu.yield
    }) : () -> ()
    %run_scoped3A_10 = arith.constant 0 : i32
    "tpu.region"() ({
      %run_scoped3A_61 = tpu.sem_alloc : memref<!tpu.dma_semaphore, #tpu.memory_space<semaphore_mem>>
      %dma_start3A = tpu.memref_slice %arg5[%run_scoped3A_10, %mul3A_2] : memref<2x147456xf32, #tpu.memory_space<hbm>> -> memref<1x4608xf32, #tpu.memory_space<hbm>>
      %dma_start3A_62 = tpu.memref_squeeze %dma_start3A : memref<1x4608xf32, #tpu.memory_space<hbm>> -> memref<4608xf32, #tpu.memory_space<hbm>>
      %dma_start3A_63 = tpu.memref_slice %arg5[%run_scoped3A_10, %mul3A_2] : memref<2x147456xf32, #tpu.memory_space<hbm>> -> memref<1x4608xf32, #tpu.memory_space<hbm>>
      %dma_start3A_64 = tpu.memref_squeeze %dma_start3A_63 : memref<1x4608xf32, #tpu.memory_space<hbm>> -> memref<4608xf32, #tpu.memory_space<hbm>>
      tpu.enqueue_dma source(%dma_start3A_64 : memref<4608xf32, #tpu.memory_space<hbm>>) target(%arg17 : memref<4608xf32, #tpu.memory_space<vmem>>) target_semaphore(%run_scoped3A_61 : memref<!tpu.dma_semaphore, #tpu.memory_space<semaphore_mem>>)
      %dma_wait3A = tpu.memref_slice %arg5[%run_scoped3A_10, %mul3A_2] : memref<2x147456xf32, #tpu.memory_space<hbm>> -> memref<1x4608xf32, #tpu.memory_space<hbm>>
      %dma_wait3A_65 = tpu.memref_squeeze %dma_wait3A : memref<1x4608xf32, #tpu.memory_space<hbm>> -> memref<4608xf32, #tpu.memory_space<hbm>>
      %dma_wait3A_66 = tpu.memref_slice %arg5[%run_scoped3A_10, %mul3A_2] : memref<2x147456xf32, #tpu.memory_space<hbm>> -> memref<1x4608xf32, #tpu.memory_space<hbm>>
      %dma_wait3A_67 = tpu.memref_squeeze %dma_wait3A_66 : memref<1x4608xf32, #tpu.memory_space<hbm>> -> memref<4608xf32, #tpu.memory_space<hbm>>
      tpu.wait_dma2 semaphore(%run_scoped3A_61 : memref<!tpu.dma_semaphore, #tpu.memory_space<semaphore_mem>>) src(%dma_wait3A_67 : memref<4608xf32, #tpu.memory_space<hbm>>) dst(%arg17 : memref<4608xf32, #tpu.memory_space<vmem>>)
      tpu.yield
    }) : () -> ()
    %run_scoped3A_11 = arith.constant 0 : i32
    "tpu.region"() ({
      %run_scoped3A_61 = tpu.sem_alloc : memref<!tpu.dma_semaphore, #tpu.memory_space<semaphore_mem>>
      %dma_start3A = tpu.memref_slice %arg6[%run_scoped3A_11, %mul3A_2] : memref<2x147456xf32, #tpu.memory_space<hbm>> -> memref<1x4608xf32, #tpu.memory_space<hbm>>
      %dma_start3A_62 = tpu.memref_squeeze %dma_start3A : memref<1x4608xf32, #tpu.memory_space<hbm>> -> memref<4608xf32, #tpu.memory_space<hbm>>
      %dma_start3A_63 = tpu.memref_slice %arg6[%run_scoped3A_11, %mul3A_2] : memref<2x147456xf32, #tpu.memory_space<hbm>> -> memref<1x4608xf32, #tpu.memory_space<hbm>>
      %dma_start3A_64 = tpu.memref_squeeze %dma_start3A_63 : memref<1x4608xf32, #tpu.memory_space<hbm>> -> memref<4608xf32, #tpu.memory_space<hbm>>
      tpu.enqueue_dma source(%dma_start3A_64 : memref<4608xf32, #tpu.memory_space<hbm>>) target(%arg18 : memref<4608xf32, #tpu.memory_space<vmem>>) target_semaphore(%run_scoped3A_61 : memref<!tpu.dma_semaphore, #tpu.memory_space<semaphore_mem>>)
      %dma_wait3A = tpu.memref_slice %arg6[%run_scoped3A_11, %mul3A_2] : memref<2x147456xf32, #tpu.memory_space<hbm>> -> memref<1x4608xf32, #tpu.memory_space<hbm>>
      %dma_wait3A_65 = tpu.memref_squeeze %dma_wait3A : memref<1x4608xf32, #tpu.memory_space<hbm>> -> memref<4608xf32, #tpu.memory_space<hbm>>
      %dma_wait3A_66 = tpu.memref_slice %arg6[%run_scoped3A_11, %mul3A_2] : memref<2x147456xf32, #tpu.memory_space<hbm>> -> memref<1x4608xf32, #tpu.memory_space<hbm>>
      %dma_wait3A_67 = tpu.memref_squeeze %dma_wait3A_66 : memref<1x4608xf32, #tpu.memory_space<hbm>> -> memref<4608xf32, #tpu.memory_space<hbm>>
      tpu.wait_dma2 semaphore(%run_scoped3A_61 : memref<!tpu.dma_semaphore, #tpu.memory_space<semaphore_mem>>) src(%dma_wait3A_67 : memref<4608xf32, #tpu.memory_space<hbm>>) dst(%arg18 : memref<4608xf32, #tpu.memory_space<vmem>>)
      tpu.yield
    }) : () -> ()
    %run_scoped3A_12 = arith.constant 0 : i32
    "tpu.region"() ({
      %run_scoped3A_61 = tpu.sem_alloc : memref<!tpu.dma_semaphore, #tpu.memory_space<semaphore_mem>>
      %dma_start3A = tpu.memref_slice %arg7[%run_scoped3A_12, %mul3A_2] : memref<2x147456xf32, #tpu.memory_space<hbm>> -> memref<1x4608xf32, #tpu.memory_space<hbm>>
      %dma_start3A_62 = tpu.memref_squeeze %dma_start3A : memref<1x4608xf32, #tpu.memory_space<hbm>> -> memref<4608xf32, #tpu.memory_space<hbm>>
      %dma_start3A_63 = tpu.memref_slice %arg7[%run_scoped3A_12, %mul3A_2] : memref<2x147456xf32, #tpu.memory_space<hbm>> -> memref<1x4608xf32, #tpu.memory_space<hbm>>
      %dma_start3A_64 = tpu.memref_squeeze %dma_start3A_63 : memref<1x4608xf32, #tpu.memory_space<hbm>> -> memref<4608xf32, #tpu.memory_space<hbm>>
      tpu.enqueue_dma source(%dma_start3A_64 : memref<4608xf32, #tpu.memory_space<hbm>>) target(%arg19 : memref<4608xf32, #tpu.memory_space<vmem>>) target_semaphore(%run_scoped3A_61 : memref<!tpu.dma_semaphore, #tpu.memory_space<semaphore_mem>>)
      %dma_wait3A = tpu.memref_slice %arg7[%run_scoped3A_12, %mul3A_2] : memref<2x147456xf32, #tpu.memory_space<hbm>> -> memref<1x4608xf32, #tpu.memory_space<hbm>>
      %dma_wait3A_65 = tpu.memref_squeeze %dma_wait3A : memref<1x4608xf32, #tpu.memory_space<hbm>> -> memref<4608xf32, #tpu.memory_space<hbm>>
      %dma_wait3A_66 = tpu.memref_slice %arg7[%run_scoped3A_12, %mul3A_2] : memref<2x147456xf32, #tpu.memory_space<hbm>> -> memref<1x4608xf32, #tpu.memory_space<hbm>>
      %dma_wait3A_67 = tpu.memref_squeeze %dma_wait3A_66 : memref<1x4608xf32, #tpu.memory_space<hbm>> -> memref<4608xf32, #tpu.memory_space<hbm>>
      tpu.wait_dma2 semaphore(%run_scoped3A_61 : memref<!tpu.dma_semaphore, #tpu.memory_space<semaphore_mem>>) src(%dma_wait3A_67 : memref<4608xf32, #tpu.memory_space<hbm>>) dst(%arg19 : memref<4608xf32, #tpu.memory_space<vmem>>)
      tpu.yield
    }) : () -> ()
    %scan3A = arith.constant 0 : i32
    %scan3A_13 = arith.constant 0 : i32
    %scan3A_14 = arith.constant 26 : i32
    %scan3A_15 = arith.addi %scan3A_13, %scan3A_14 : i32
    %scan3A_16 = arith.constant 1 : i32
    scf.for %scan3A_61 = %scan3A_13 to %scan3A_15 step %scan3A_16  : i32 {
      %mul3A_62 = arith.constant 16 : i32
      %mul3A_63 = arith.muli %scan3A_61, %mul3A_62 : i32
      %swap3A = arith.index_cast %mul3A_63 : i32 to index
      %swap3A_64 = tpu.vector_load %arg20[%swap3A] {strides = array<i32>} : memref<416xf32, #tpu.memory_space<vmem>>, vector<16xf32>,
      tpu.vector_store %arg20[%swap3A], %broadcast_in_dim3A_3 {strides = array<i32>} : memref<416xf32, #tpu.memory_space<vmem>>, vector<16xf32>,
      %mul3A_65 = arith.constant 16 : i32
      %mul3A_66 = arith.muli %scan3A_61, %mul3A_65 : i32
      %swap3A_67 = arith.index_cast %mul3A_66 : i32 to index
      %swap3A_68 = tpu.vector_load %arg21[%swap3A_67] {strides = array<i32>} : memref<416xf32, #tpu.memory_space<vmem>>, vector<16xf32>,
      tpu.vector_store %arg21[%swap3A_67], %broadcast_in_dim3A_7 {strides = array<i32>} : memref<416xf32, #tpu.memory_space<vmem>>, vector<16xf32>,
      %mul3A_69 = arith.constant 16 : i32
      %mul3A_70 = arith.muli %scan3A_61, %mul3A_69 : i32
      %swap3A_71 = arith.index_cast %mul3A_70 : i32 to index
      %swap3A_72 = tpu.vector_load %arg22[%swap3A_71] {strides = array<i32>} : memref<416xf32, #tpu.memory_space<vmem>>, vector<16xf32>,
      tpu.vector_store %arg22[%swap3A_71], %broadcast_in_dim3A_7 {strides = array<i32>} : memref<416xf32, #tpu.memory_space<vmem>>, vector<16xf32>,
      %mul3A_73 = arith.constant 16 : i32
      %mul3A_74 = arith.muli %scan3A_61, %mul3A_73 : i32
      %swap3A_75 = arith.index_cast %mul3A_74 : i32 to index
      %swap3A_76 = tpu.vector_load %arg23[%swap3A_75] {strides = array<i32>} : memref<416xf32, #tpu.memory_space<vmem>>, vector<16xf32>,
      tpu.vector_store %arg23[%swap3A_75], %broadcast_in_dim3A_7 {strides = array<i32>} : memref<416xf32, #tpu.memory_space<vmem>>, vector<16xf32>,
      %mul3A_77 = arith.constant 16 : i32
      %mul3A_78 = arith.muli %scan3A_61, %mul3A_77 : i32
      %swap3A_79 = arith.index_cast %mul3A_78 : i32 to index
      %swap3A_80 = tpu.vector_load %arg24[%swap3A_79] {strides = array<i32>} : memref<416xf32, #tpu.memory_space<vmem>>, vector<16xf32>,
      tpu.vector_store %arg24[%swap3A_79], %broadcast_in_dim3A_7 {strides = array<i32>} : memref<416xf32, #tpu.memory_space<vmem>>, vector<16xf32>,
      %mul3A_81 = arith.constant 16 : i32
      %mul3A_82 = arith.muli %scan3A_61, %mul3A_81 : i32
      %swap3A_83 = arith.index_cast %mul3A_82 : i32 to index
      %swap3A_84 = tpu.vector_load %arg25[%swap3A_83] {strides = array<i32>} : memref<416xf32, #tpu.memory_space<vmem>>, vector<16xf32>,
      tpu.vector_store %arg25[%swap3A_83], %broadcast_in_dim3A_5 {strides = array<i32>} : memref<416xf32, #tpu.memory_space<vmem>>, vector<16xf32>,
    }
    %scan3A_17 = arith.constant 26 : i32
    %iota3A = tpu.iota {dimensions = array<i32: 0>} : vector<16xi32>
    %scan3A_18 = arith.constant 0 : i32
    %scan3A_19 = arith.constant 0 : i32
    %scan3A_20 = arith.constant 288 : i32
    %scan3A_21 = arith.addi %scan3A_19, %scan3A_20 : i32
    %scan3A_22 = arith.constant 1 : i32
    %scan3A_23 = scf.for %scan3A_61 = %scan3A_19 to %scan3A_21 step %scan3A_22 iter_args(%scan3A_62 = %scan3A_18) -> (i32)  : i32 {
      %mul3A_63 = arith.constant 16 : i32
      %mul3A_64 = arith.muli %scan3A_61, %mul3A_63 : i32
      %get3A = arith.index_cast %mul3A_64 : i32 to index
      %get3A_65 = tpu.vector_load %arg14[%get3A] {strides = array<i32>} : memref<4608xf32, #tpu.memory_space<vmem>>, vector<16xf32>,
      %gt3A = arith.constant -1.000000e+30 : f32
      %gt3A_66 = vector.broadcast %gt3A : f32 to vector<16xf32>
      %gt3A_67 = arith.cmpf ogt, %get3A_65, %gt3A_66 : vector<16xf32>
      %convert_element_type3A = arith.extui %gt3A_67 : vector<16xi1> to vector<16xi32>
      %broadcast_in_dim3A_68 = arith.constant true
      %broadcast_in_dim3A_69 = vector.broadcast %broadcast_in_dim3A_68 : i1 to vector<16xi1>
      %masked_cumsum3A = tpu.scan <sum>, %convert_element_type3A masked %broadcast_in_dim3A_69 : vector<16xi32>, vector<16xi1> -> vector<16xi32>
      %add3A_70 = vector.broadcast %scan3A_62 : i32 to vector<16xi32>
      %add3A_71 = arith.addi %add3A_70, %masked_cumsum3A : vector<16xi32>
      %sub3A = arith.constant 1 : i32
      %sub3A_72 = vector.broadcast %sub3A : i32 to vector<16xi32>
      %sub3A_73 = arith.subi %add3A_71, %sub3A_72 : vector<16xi32>
      %add3A_74 = arith.constant 400 : i32
      %add3A_75 = vector.broadcast %add3A_74 : i32 to vector<16xi32>
      %add3A_76 = arith.addi %add3A_75, %iota3A : vector<16xi32>
      %select_n3A = arith.select %gt3A_67, %sub3A_73, %add3A_76 : vector<16xi1>, vector<16xi32>
      tpu.vector_store_idx %arg20[%select_n3A], %get3A_65 : memref<416xf32, #tpu.memory_space<vmem>>[vector<16xi32>], vector<16xf32>,
      %mul3A_77 = arith.constant 16 : i32
      %mul3A_78 = arith.muli %scan3A_61, %mul3A_77 : i32
      %get3A_79 = arith.index_cast %mul3A_78 : i32 to index
      %get3A_80 = tpu.vector_load %arg15[%get3A_79] {strides = array<i32>} : memref<4608xf32, #tpu.memory_space<vmem>>, vector<16xf32>,
      tpu.vector_store_idx %arg21[%select_n3A], %get3A_80 : memref<416xf32, #tpu.memory_space<vmem>>[vector<16xi32>], vector<16xf32>,
      %mul3A_81 = arith.constant 16 : i32
      %mul3A_82 = arith.muli %scan3A_61, %mul3A_81 : i32
      %get3A_83 = arith.index_cast %mul3A_82 : i32 to index
      %get3A_84 = tpu.vector_load %arg16[%get3A_83] {strides = array<i32>} : memref<4608xf32, #tpu.memory_space<vmem>>, vector<16xf32>,
      tpu.vector_store_idx %arg22[%select_n3A], %get3A_84 : memref<416xf32, #tpu.memory_space<vmem>>[vector<16xi32>], vector<16xf32>,
      %mul3A_85 = arith.constant 16 : i32
      %mul3A_86 = arith.muli %scan3A_61, %mul3A_85 : i32
      %get3A_87 = arith.index_cast %mul3A_86 : i32 to index
      %get3A_88 = tpu.vector_load %arg17[%get3A_87] {strides = array<i32>} : memref<4608xf32, #tpu.memory_space<vmem>>, vector<16xf32>,
      tpu.vector_store_idx %arg23[%select_n3A], %get3A_88 : memref<416xf32, #tpu.memory_space<vmem>>[vector<16xi32>], vector<16xf32>,
      %mul3A_89 = arith.constant 16 : i32
      %mul3A_90 = arith.muli %scan3A_61, %mul3A_89 : i32
      %get3A_91 = arith.index_cast %mul3A_90 : i32 to index
      %get3A_92 = tpu.vector_load %arg18[%get3A_91] {strides = array<i32>} : memref<4608xf32, #tpu.memory_space<vmem>>, vector<16xf32>,
      tpu.vector_store_idx %arg24[%select_n3A], %get3A_92 : memref<416xf32, #tpu.memory_space<vmem>>[vector<16xi32>], vector<16xf32>,
      %mul3A_93 = arith.constant 16 : i32
      %mul3A_94 = arith.muli %scan3A_61, %mul3A_93 : i32
      %get3A_95 = arith.index_cast %mul3A_94 : i32 to index
      %get3A_96 = tpu.vector_load %arg19[%get3A_95] {strides = array<i32>} : memref<4608xf32, #tpu.memory_space<vmem>>, vector<16xf32>,
      tpu.vector_store_idx %arg25[%select_n3A], %get3A_96 : memref<416xf32, #tpu.memory_space<vmem>>[vector<16xi32>], vector<16xf32>,
      %reduce_max3A = arith.constant true
      %reduce_max3A_97 = vector.broadcast %reduce_max3A : i1 to vector<16xi1>
      %reduce_max3A_98 = arith.constant -2147483648 : i32
      %reduce_max3A_99 = vector.broadcast %reduce_max3A_98 : i32 to vector<16xi32>
      %reduce_max3A_100 = arith.xori %masked_cumsum3A, %reduce_max3A_99 : vector<16xi32>
      %reduce_max3A_101 = tpu.scan <max>, %reduce_max3A_100 masked %reduce_max3A_97 : vector<16xi32>, vector<16xi1> -> vector<16xi32>
      %reduce_max3A_102 = arith.xori %reduce_max3A_101, %reduce_max3A_99 : vector<16xi32>
      %reduce_max3A_103 = vector.extract %reduce_max3A_102[15] : i32 from vector<16xi32>
      %add3A_104 = arith.addi %scan3A_62, %reduce_max3A_103 : i32
      %min3A = arith.constant 384 : i32
      %min3A_105 = arith.minsi %add3A_104, %min3A : i32
      scf.yield %min3A_105 : i32
    }
    %scan3A_24 = arith.constant 288 : i32
    %mul3A_25 = arith.constant 384 : i32
    %mul3A_26 = arith.muli %add3A, %mul3A_25 : i32
    %run_scoped3A_27 = arith.constant 0 : i32
    "tpu.region"() ({
      %run_scoped3A_61 = tpu.sem_alloc : memref<!tpu.dma_semaphore, #tpu.memory_space<semaphore_mem>>
      %dma_start3A = arith.constant 0 : i32
      %dma_start3A_62 = tpu.memref_slice %arg20[%dma_start3A] : memref<416xf32, #tpu.memory_space<vmem>> -> memref<384xf32, #tpu.memory_space<vmem>>
      %dma_start3A_63 = tpu.memref_slice %arg8[%run_scoped3A_27, %mul3A_26] : memref<2x12288xf32, #tpu.memory_space<hbm>> -> memref<1x384xf32, #tpu.memory_space<hbm>>
      %dma_start3A_64 = tpu.memref_squeeze %dma_start3A_63 : memref<1x384xf32, #tpu.memory_space<hbm>> -> memref<384xf32, #tpu.memory_space<hbm>>
      %dma_start3A_65 = tpu.memref_slice %arg8[%run_scoped3A_27, %mul3A_26] : memref<2x12288xf32, #tpu.memory_space<hbm>> -> memref<1x384xf32, #tpu.memory_space<hbm>>
      %dma_start3A_66 = tpu.memref_squeeze %dma_start3A_65 : memref<1x384xf32, #tpu.memory_space<hbm>> -> memref<384xf32, #tpu.memory_space<hbm>>
      %dma_start3A_67 = arith.constant 0 : i32
      %dma_start3A_68 = tpu.memref_slice %arg20[%dma_start3A_67] : memref<416xf32, #tpu.memory_space<vmem>> -> memref<384xf32, #tpu.memory_space<vmem>>
      tpu.enqueue_dma source(%dma_start3A_68 : memref<384xf32, #tpu.memory_space<vmem>>) target(%dma_start3A_66 : memref<384xf32, #tpu.memory_space<hbm>>) target_semaphore(%run_scoped3A_61 : memref<!tpu.dma_semaphore, #tpu.memory_space<semaphore_mem>>)
      %dma_wait3A = arith.constant 0 : i32
      %dma_wait3A_69 = tpu.memref_slice %arg20[%dma_wait3A] : memref<416xf32, #tpu.memory_space<vmem>> -> memref<384xf32, #tpu.memory_space<vmem>>
      %dma_wait3A_70 = tpu.memref_slice %arg8[%run_scoped3A_27, %mul3A_26] : memref<2x12288xf32, #tpu.memory_space<hbm>> -> memref<1x384xf32, #tpu.memory_space<hbm>>
      %dma_wait3A_71 = tpu.memref_squeeze %dma_wait3A_70 : memref<1x384xf32, #tpu.memory_space<hbm>> -> memref<384xf32, #tpu.memory_space<hbm>>
      %dma_wait3A_72 = tpu.memref_slice %arg8[%run_scoped3A_27, %mul3A_26] : memref<2x12288xf32, #tpu.memory_space<hbm>> -> memref<1x384xf32, #tpu.memory_space<hbm>>
      %dma_wait3A_73 = tpu.memref_squeeze %dma_wait3A_72 : memref<1x384xf32, #tpu.memory_space<hbm>> -> memref<384xf32, #tpu.memory_space<hbm>>
      %dma_wait3A_74 = arith.constant 0 : i32
      %dma_wait3A_75 = tpu.memref_slice %arg20[%dma_wait3A_74] : memref<416xf32, #tpu.memory_space<vmem>> -> memref<384xf32, #tpu.memory_space<vmem>>
      tpu.wait_dma2 semaphore(%run_scoped3A_61 : memref<!tpu.dma_semaphore, #tpu.memory_space<semaphore_mem>>) src(%dma_wait3A_75 : memref<384xf32, #tpu.memory_space<vmem>>) dst(%dma_wait3A_73 : memref<384xf32, #tpu.memory_space<hbm>>)
      tpu.yield
    }) : () -> ()
    %run_scoped3A_28 = arith.constant 0 : i32
    "tpu.region"() ({
      %run_scoped3A_61 = tpu.sem_alloc : memref<!tpu.dma_semaphore, #tpu.memory_space<semaphore_mem>>
      %dma_start3A = arith.constant 0 : i32
      %dma_start3A_62 = tpu.memref_slice %arg21[%dma_start3A] : memref<416xf32, #tpu.memory_space<vmem>> -> memref<384xf32, #tpu.memory_space<vmem>>
      %dma_start3A_63 = tpu.memref_slice %arg9[%run_scoped3A_28, %mul3A_26] : memref<2x12288xf32, #tpu.memory_space<hbm>> -> memref<1x384xf32, #tpu.memory_space<hbm>>
      %dma_start3A_64 = tpu.memref_squeeze %dma_start3A_63 : memref<1x384xf32, #tpu.memory_space<hbm>> -> memref<384xf32, #tpu.memory_space<hbm>>
      %dma_start3A_65 = tpu.memref_slice %arg9[%run_scoped3A_28, %mul3A_26] : memref<2x12288xf32, #tpu.memory_space<hbm>> -> memref<1x384xf32, #tpu.memory_space<hbm>>
      %dma_start3A_66 = tpu.memref_squeeze %dma_start3A_65 : memref<1x384xf32, #tpu.memory_space<hbm>> -> memref<384xf32, #tpu.memory_space<hbm>>
      %dma_start3A_67 = arith.constant 0 : i32
      %dma_start3A_68 = tpu.memref_slice %arg21[%dma_start3A_67] : memref<416xf32, #tpu.memory_space<vmem>> -> memref<384xf32, #tpu.memory_space<vmem>>
      tpu.enqueue_dma source(%dma_start3A_68 : memref<384xf32, #tpu.memory_space<vmem>>) target(%dma_start3A_66 : memref<384xf32, #tpu.memory_space<hbm>>) target_semaphore(%run_scoped3A_61 : memref<!tpu.dma_semaphore, #tpu.memory_space<semaphore_mem>>)
      %dma_wait3A = arith.constant 0 : i32
      %dma_wait3A_69 = tpu.memref_slice %arg21[%dma_wait3A] : memref<416xf32, #tpu.memory_space<vmem>> -> memref<384xf32, #tpu.memory_space<vmem>>
      %dma_wait3A_70 = tpu.memref_slice %arg9[%run_scoped3A_28, %mul3A_26] : memref<2x12288xf32, #tpu.memory_space<hbm>> -> memref<1x384xf32, #tpu.memory_space<hbm>>
      %dma_wait3A_71 = tpu.memref_squeeze %dma_wait3A_70 : memref<1x384xf32, #tpu.memory_space<hbm>> -> memref<384xf32, #tpu.memory_space<hbm>>
      %dma_wait3A_72 = tpu.memref_slice %arg9[%run_scoped3A_28, %mul3A_26] : memref<2x12288xf32, #tpu.memory_space<hbm>> -> memref<1x384xf32, #tpu.memory_space<hbm>>
      %dma_wait3A_73 = tpu.memref_squeeze %dma_wait3A_72 : memref<1x384xf32, #tpu.memory_space<hbm>> -> memref<384xf32, #tpu.memory_space<hbm>>
      %dma_wait3A_74 = arith.constant 0 : i32
      %dma_wait3A_75 = tpu.memref_slice %arg21[%dma_wait3A_74] : memref<416xf32, #tpu.memory_space<vmem>> -> memref<384xf32, #tpu.memory_space<vmem>>
      tpu.wait_dma2 semaphore(%run_scoped3A_61 : memref<!tpu.dma_semaphore, #tpu.memory_space<semaphore_mem>>) src(%dma_wait3A_75 : memref<384xf32, #tpu.memory_space<vmem>>) dst(%dma_wait3A_73 : memref<384xf32, #tpu.memory_space<hbm>>)
      tpu.yield
    }) : () -> ()
    %run_scoped3A_29 = arith.constant 0 : i32
    "tpu.region"() ({
      %run_scoped3A_61 = tpu.sem_alloc : memref<!tpu.dma_semaphore, #tpu.memory_space<semaphore_mem>>
      %dma_start3A = arith.constant 0 : i32
      %dma_start3A_62 = tpu.memref_slice %arg22[%dma_start3A] : memref<416xf32, #tpu.memory_space<vmem>> -> memref<384xf32, #tpu.memory_space<vmem>>
      %dma_start3A_63 = tpu.memref_slice %arg10[%run_scoped3A_29, %mul3A_26] : memref<2x12288xf32, #tpu.memory_space<hbm>> -> memref<1x384xf32, #tpu.memory_space<hbm>>
      %dma_start3A_64 = tpu.memref_squeeze %dma_start3A_63 : memref<1x384xf32, #tpu.memory_space<hbm>> -> memref<384xf32, #tpu.memory_space<hbm>>
      %dma_start3A_65 = tpu.memref_slice %arg10[%run_scoped3A_29, %mul3A_26] : memref<2x12288xf32, #tpu.memory_space<hbm>> -> memref<1x384xf32, #tpu.memory_space<hbm>>
      %dma_start3A_66 = tpu.memref_squeeze %dma_start3A_65 : memref<1x384xf32, #tpu.memory_space<hbm>> -> memref<384xf32, #tpu.memory_space<hbm>>
      %dma_start3A_67 = arith.constant 0 : i32
      %dma_start3A_68 = tpu.memref_slice %arg22[%dma_start3A_67] : memref<416xf32, #tpu.memory_space<vmem>> -> memref<384xf32, #tpu.memory_space<vmem>>
      tpu.enqueue_dma source(%dma_start3A_68 : memref<384xf32, #tpu.memory_space<vmem>>) target(%dma_start3A_66 : memref<384xf32, #tpu.memory_space<hbm>>) target_semaphore(%run_scoped3A_61 : memref<!tpu.dma_semaphore, #tpu.memory_space<semaphore_mem>>)
      %dma_wait3A = arith.constant 0 : i32
      %dma_wait3A_69 = tpu.memref_slice %arg22[%dma_wait3A] : memref<416xf32, #tpu.memory_space<vmem>> -> memref<384xf32, #tpu.memory_space<vmem>>
      %dma_wait3A_70 = tpu.memref_slice %arg10[%run_scoped3A_29, %mul3A_26] : memref<2x12288xf32, #tpu.memory_space<hbm>> -> memref<1x384xf32, #tpu.memory_space<hbm>>
      %dma_wait3A_71 = tpu.memref_squeeze %dma_wait3A_70 : memref<1x384xf32, #tpu.memory_space<hbm>> -> memref<384xf32, #tpu.memory_space<hbm>>
      %dma_wait3A_72 = tpu.memref_slice %arg10[%run_scoped3A_29, %mul3A_26] : memref<2x12288xf32, #tpu.memory_space<hbm>> -> memref<1x384xf32, #tpu.memory_space<hbm>>
      %dma_wait3A_73 = tpu.memref_squeeze %dma_wait3A_72 : memref<1x384xf32, #tpu.memory_space<hbm>> -> memref<384xf32, #tpu.memory_space<hbm>>
      %dma_wait3A_74 = arith.constant 0 : i32
      %dma_wait3A_75 = tpu.memref_slice %arg22[%dma_wait3A_74] : memref<416xf32, #tpu.memory_space<vmem>> -> memref<384xf32, #tpu.memory_space<vmem>>
      tpu.wait_dma2 semaphore(%run_scoped3A_61 : memref<!tpu.dma_semaphore, #tpu.memory_space<semaphore_mem>>) src(%dma_wait3A_75 : memref<384xf32, #tpu.memory_space<vmem>>) dst(%dma_wait3A_73 : memref<384xf32, #tpu.memory_space<hbm>>)
      tpu.yield
    }) : () -> ()
    %run_scoped3A_30 = arith.constant 0 : i32
    "tpu.region"() ({
      %run_scoped3A_61 = tpu.sem_alloc : memref<!tpu.dma_semaphore, #tpu.memory_space<semaphore_mem>>
      %dma_start3A = arith.constant 0 : i32
      %dma_start3A_62 = tpu.memref_slice %arg23[%dma_start3A] : memref<416xf32, #tpu.memory_space<vmem>> -> memref<384xf32, #tpu.memory_space<vmem>>
      %dma_start3A_63 = tpu.memref_slice %arg11[%run_scoped3A_30, %mul3A_26] : memref<2x12288xf32, #tpu.memory_space<hbm>> -> memref<1x384xf32, #tpu.memory_space<hbm>>
      %dma_start3A_64 = tpu.memref_squeeze %dma_start3A_63 : memref<1x384xf32, #tpu.memory_space<hbm>> -> memref<384xf32, #tpu.memory_space<hbm>>
      %dma_start3A_65 = tpu.memref_slice %arg11[%run_scoped3A_30, %mul3A_26] : memref<2x12288xf32, #tpu.memory_space<hbm>> -> memref<1x384xf32, #tpu.memory_space<hbm>>
      %dma_start3A_66 = tpu.memref_squeeze %dma_start3A_65 : memref<1x384xf32, #tpu.memory_space<hbm>> -> memref<384xf32, #tpu.memory_space<hbm>>
      %dma_start3A_67 = arith.constant 0 : i32
      %dma_start3A_68 = tpu.memref_slice %arg23[%dma_start3A_67] : memref<416xf32, #tpu.memory_space<vmem>> -> memref<384xf32, #tpu.memory_space<vmem>>
      tpu.enqueue_dma source(%dma_start3A_68 : memref<384xf32, #tpu.memory_space<vmem>>) target(%dma_start3A_66 : memref<384xf32, #tpu.memory_space<hbm>>) target_semaphore(%run_scoped3A_61 : memref<!tpu.dma_semaphore, #tpu.memory_space<semaphore_mem>>)
      %dma_wait3A = arith.constant 0 : i32
      %dma_wait3A_69 = tpu.memref_slice %arg23[%dma_wait3A] : memref<416xf32, #tpu.memory_space<vmem>> -> memref<384xf32, #tpu.memory_space<vmem>>
      %dma_wait3A_70 = tpu.memref_slice %arg11[%run_scoped3A_30, %mul3A_26] : memref<2x12288xf32, #tpu.memory_space<hbm>> -> memref<1x384xf32, #tpu.memory_space<hbm>>
      %dma_wait3A_71 = tpu.memref_squeeze %dma_wait3A_70 : memref<1x384xf32, #tpu.memory_space<hbm>> -> memref<384xf32, #tpu.memory_space<hbm>>
      %dma_wait3A_72 = tpu.memref_slice %arg11[%run_scoped3A_30, %mul3A_26] : memref<2x12288xf32, #tpu.memory_space<hbm>> -> memref<1x384xf32, #tpu.memory_space<hbm>>
      %dma_wait3A_73 = tpu.memref_squeeze %dma_wait3A_72 : memref<1x384xf32, #tpu.memory_space<hbm>> -> memref<384xf32, #tpu.memory_space<hbm>>
      %dma_wait3A_74 = arith.constant 0 : i32
      %dma_wait3A_75 = tpu.memref_slice %arg23[%dma_wait3A_74] : memref<416xf32, #tpu.memory_space<vmem>> -> memref<384xf32, #tpu.memory_space<vmem>>
      tpu.wait_dma2 semaphore(%run_scoped3A_61 : memref<!tpu.dma_semaphore, #tpu.memory_space<semaphore_mem>>) src(%dma_wait3A_75 : memref<384xf32, #tpu.memory_space<vmem>>) dst(%dma_wait3A_73 : memref<384xf32, #tpu.memory_space<hbm>>)
      tpu.yield
    }) : () -> ()
    %run_scoped3A_31 = arith.constant 0 : i32
    "tpu.region"() ({
      %run_scoped3A_61 = tpu.sem_alloc : memref<!tpu.dma_semaphore, #tpu.memory_space<semaphore_mem>>
      %dma_start3A = arith.constant 0 : i32
      %dma_start3A_62 = tpu.memref_slice %arg24[%dma_start3A] : memref<416xf32, #tpu.memory_space<vmem>> -> memref<384xf32, #tpu.memory_space<vmem>>
      %dma_start3A_63 = tpu.memref_slice %arg12[%run_scoped3A_31, %mul3A_26] : memref<2x12288xf32, #tpu.memory_space<hbm>> -> memref<1x384xf32, #tpu.memory_space<hbm>>
      %dma_start3A_64 = tpu.memref_squeeze %dma_start3A_63 : memref<1x384xf32, #tpu.memory_space<hbm>> -> memref<384xf32, #tpu.memory_space<hbm>>
      %dma_start3A_65 = tpu.memref_slice %arg12[%run_scoped3A_31, %mul3A_26] : memref<2x12288xf32, #tpu.memory_space<hbm>> -> memref<1x384xf32, #tpu.memory_space<hbm>>
      %dma_start3A_66 = tpu.memref_squeeze %dma_start3A_65 : memref<1x384xf32, #tpu.memory_space<hbm>> -> memref<384xf32, #tpu.memory_space<hbm>>
      %dma_start3A_67 = arith.constant 0 : i32
      %dma_start3A_68 = tpu.memref_slice %arg24[%dma_start3A_67] : memref<416xf32, #tpu.memory_space<vmem>> -> memref<384xf32, #tpu.memory_space<vmem>>
      tpu.enqueue_dma source(%dma_start3A_68 : memref<384xf32, #tpu.memory_space<vmem>>) target(%dma_start3A_66 : memref<384xf32, #tpu.memory_space<hbm>>) target_semaphore(%run_scoped3A_61 : memref<!tpu.dma_semaphore, #tpu.memory_space<semaphore_mem>>)
      %dma_wait3A = arith.constant 0 : i32
      %dma_wait3A_69 = tpu.memref_slice %arg24[%dma_wait3A] : memref<416xf32, #tpu.memory_space<vmem>> -> memref<384xf32, #tpu.memory_space<vmem>>
      %dma_wait3A_70 = tpu.memref_slice %arg12[%run_scoped3A_31, %mul3A_26] : memref<2x12288xf32, #tpu.memory_space<hbm>> -> memref<1x384xf32, #tpu.memory_space<hbm>>
      %dma_wait3A_71 = tpu.memref_squeeze %dma_wait3A_70 : memref<1x384xf32, #tpu.memory_space<hbm>> -> memref<384xf32, #tpu.memory_space<hbm>>
      %dma_wait3A_72 = tpu.memref_slice %arg12[%run_scoped3A_31, %mul3A_26] : memref<2x12288xf32, #tpu.memory_space<hbm>> -> memref<1x384xf32, #tpu.memory_space<hbm>>
      %dma_wait3A_73 = tpu.memref_squeeze %dma_wait3A_72 : memref<1x384xf32, #tpu.memory_space<hbm>> -> memref<384xf32, #tpu.memory_space<hbm>>
      %dma_wait3A_74 = arith.constant 0 : i32
      %dma_wait3A_75 = tpu.memref_slice %arg24[%dma_wait3A_74] : memref<416xf32, #tpu.memory_space<vmem>> -> memref<384xf32, #tpu.memory_space<vmem>>
      tpu.wait_dma2 semaphore(%run_scoped3A_61 : memref<!tpu.dma_semaphore, #tpu.memory_space<semaphore_mem>>) src(%dma_wait3A_75 : memref<384xf32, #tpu.memory_space<vmem>>) dst(%dma_wait3A_73 : memref<384xf32, #tpu.memory_space<hbm>>)
      tpu.yield
    }) : () -> ()
    %run_scoped3A_32 = arith.constant 0 : i32
    "tpu.region"() ({
      %run_scoped3A_61 = tpu.sem_alloc : memref<!tpu.dma_semaphore, #tpu.memory_space<semaphore_mem>>
      %dma_start3A = arith.constant 0 : i32
      %dma_start3A_62 = tpu.memref_slice %arg25[%dma_start3A] : memref<416xf32, #tpu.memory_space<vmem>> -> memref<384xf32, #tpu.memory_space<vmem>>
      %dma_start3A_63 = tpu.memref_slice %arg13[%run_scoped3A_32, %mul3A_26] : memref<2x12288xf32, #tpu.memory_space<hbm>> -> memref<1x384xf32, #tpu.memory_space<hbm>>
      %dma_start3A_64 = tpu.memref_squeeze %dma_start3A_63 : memref<1x384xf32, #tpu.memory_space<hbm>> -> memref<384xf32, #tpu.memory_space<hbm>>
      %dma_start3A_65 = tpu.memref_slice %arg13[%run_scoped3A_32, %mul3A_26] : memref<2x12288xf32, #tpu.memory_space<hbm>> -> memref<1x384xf32, #tpu.memory_space<hbm>>
      %dma_start3A_66 = tpu.memref_squeeze %dma_start3A_65 : memref<1x384xf32, #tpu.memory_space<hbm>> -> memref<384xf32, #tpu.memory_space<hbm>>
      %dma_start3A_67 = arith.constant 0 : i32
      %dma_start3A_68 = tpu.memref_slice %arg25[%dma_start3A_67] : memref<416xf32, #tpu.memory_space<vmem>> -> memref<384xf32, #tpu.memory_space<vmem>>
      tpu.enqueue_dma source(%dma_start3A_68 : memref<384xf32, #tpu.memory_space<vmem>>) target(%dma_start3A_66 : memref<384xf32, #tpu.memory_space<hbm>>) target_semaphore(%run_scoped3A_61 : memref<!tpu.dma_semaphore, #tpu.memory_space<semaphore_mem>>)
      %dma_wait3A = arith.constant 0 : i32
      %dma_wait3A_69 = tpu.memref_slice %arg25[%dma_wait3A] : memref<416xf32, #tpu.memory_space<vmem>> -> memref<384xf32, #tpu.memory_space<vmem>>
      %dma_wait3A_70 = tpu.memref_slice %arg13[%run_scoped3A_32, %mul3A_26] : memref<2x12288xf32, #tpu.memory_space<hbm>> -> memref<1x384xf32, #tpu.memory_space<hbm>>
      %dma_wait3A_71 = tpu.memref_squeeze %dma_wait3A_70 : memref<1x384xf32, #tpu.memory_space<hbm>> -> memref<384xf32, #tpu.memory_space<hbm>>
      %dma_wait3A_72 = tpu.memref_slice %arg13[%run_scoped3A_32, %mul3A_26] : memref<2x12288xf32, #tpu.memory_space<hbm>> -> memref<1x384xf32, #tpu.memory_space<hbm>>
      %dma_wait3A_73 = tpu.memref_squeeze %dma_wait3A_72 : memref<1x384xf32, #tpu.memory_space<hbm>> -> memref<384xf32, #tpu.memory_space<hbm>>
      %dma_wait3A_74 = arith.constant 0 : i32
      %dma_wait3A_75 = tpu.memref_slice %arg25[%dma_wait3A_74] : memref<416xf32, #tpu.memory_space<vmem>> -> memref<384xf32, #tpu.memory_space<vmem>>
      tpu.wait_dma2 semaphore(%run_scoped3A_61 : memref<!tpu.dma_semaphore, #tpu.memory_space<semaphore_mem>>) src(%dma_wait3A_75 : memref<384xf32, #tpu.memory_space<vmem>>) dst(%dma_wait3A_73 : memref<384xf32, #tpu.memory_space<hbm>>)
      tpu.yield
    }) : () -> ()
    %run_scoped3A_33 = arith.constant 1 : i32
    "tpu.region"() ({
      %run_scoped3A_61 = tpu.sem_alloc : memref<!tpu.dma_semaphore, #tpu.memory_space<semaphore_mem>>
      %dma_start3A = tpu.memref_slice %arg2[%run_scoped3A_33, %mul3A_2] : memref<2x147456xf32, #tpu.memory_space<hbm>> -> memref<1x4608xf32, #tpu.memory_space<hbm>>
      %dma_start3A_62 = tpu.memref_squeeze %dma_start3A : memref<1x4608xf32, #tpu.memory_space<hbm>> -> memref<4608xf32, #tpu.memory_space<hbm>>
      %dma_start3A_63 = tpu.memref_slice %arg2[%run_scoped3A_33, %mul3A_2] : memref<2x147456xf32, #tpu.memory_space<hbm>> -> memref<1x4608xf32, #tpu.memory_space<hbm>>
      %dma_start3A_64 = tpu.memref_squeeze %dma_start3A_63 : memref<1x4608xf32, #tpu.memory_space<hbm>> -> memref<4608xf32, #tpu.memory_space<hbm>>
      tpu.enqueue_dma source(%dma_start3A_64 : memref<4608xf32, #tpu.memory_space<hbm>>) target(%arg14 : memref<4608xf32, #tpu.memory_space<vmem>>) target_semaphore(%run_scoped3A_61 : memref<!tpu.dma_semaphore, #tpu.memory_space<semaphore_mem>>)
      %dma_wait3A = tpu.memref_slice %arg2[%run_scoped3A_33, %mul3A_2] : memref<2x147456xf32, #tpu.memory_space<hbm>> -> memref<1x4608xf32, #tpu.memory_space<hbm>>
      %dma_wait3A_65 = tpu.memref_squeeze %dma_wait3A : memref<1x4608xf32, #tpu.memory_space<hbm>> -> memref<4608xf32, #tpu.memory_space<hbm>>
      %dma_wait3A_66 = tpu.memref_slice %arg2[%run_scoped3A_33, %mul3A_2] : memref<2x147456xf32, #tpu.memory_space<hbm>> -> memref<1x4608xf32, #tpu.memory_space<hbm>>
      %dma_wait3A_67 = tpu.memref_squeeze %dma_wait3A_66 : memref<1x4608xf32, #tpu.memory_space<hbm>> -> memref<4608xf32, #tpu.memory_space<hbm>>
      tpu.wait_dma2 semaphore(%run_scoped3A_61 : memref<!tpu.dma_semaphore, #tpu.memory_space<semaphore_mem>>) src(%dma_wait3A_67 : memref<4608xf32, #tpu.memory_space<hbm>>) dst(%arg14 : memref<4608xf32, #tpu.memory_space<vmem>>)
      tpu.yield
    }) : () -> ()
    %run_scoped3A_34 = arith.constant 1 : i32
    "tpu.region"() ({
      %run_scoped3A_61 = tpu.sem_alloc : memref<!tpu.dma_semaphore, #tpu.memory_space<semaphore_mem>>
      %dma_start3A = tpu.memref_slice %arg3[%run_scoped3A_34, %mul3A_2] : memref<2x147456xf32, #tpu.memory_space<hbm>> -> memref<1x4608xf32, #tpu.memory_space<hbm>>
      %dma_start3A_62 = tpu.memref_squeeze %dma_start3A : memref<1x4608xf32, #tpu.memory_space<hbm>> -> memref<4608xf32, #tpu.memory_space<hbm>>
      %dma_start3A_63 = tpu.memref_slice %arg3[%run_scoped3A_34, %mul3A_2] : memref<2x147456xf32, #tpu.memory_space<hbm>> -> memref<1x4608xf32, #tpu.memory_space<hbm>>
      %dma_start3A_64 = tpu.memref_squeeze %dma_start3A_63 : memref<1x4608xf32, #tpu.memory_space<hbm>> -> memref<4608xf32, #tpu.memory_space<hbm>>
      tpu.enqueue_dma source(%dma_start3A_64 : memref<4608xf32, #tpu.memory_space<hbm>>) target(%arg15 : memref<4608xf32, #tpu.memory_space<vmem>>) target_semaphore(%run_scoped3A_61 : memref<!tpu.dma_semaphore, #tpu.memory_space<semaphore_mem>>)
      %dma_wait3A = tpu.memref_slice %arg3[%run_scoped3A_34, %mul3A_2] : memref<2x147456xf32, #tpu.memory_space<hbm>> -> memref<1x4608xf32, #tpu.memory_space<hbm>>
      %dma_wait3A_65 = tpu.memref_squeeze %dma_wait3A : memref<1x4608xf32, #tpu.memory_space<hbm>> -> memref<4608xf32, #tpu.memory_space<hbm>>
      %dma_wait3A_66 = tpu.memref_slice %arg3[%run_scoped3A_34, %mul3A_2] : memref<2x147456xf32, #tpu.memory_space<hbm>> -> memref<1x4608xf32, #tpu.memory_space<hbm>>
      %dma_wait3A_67 = tpu.memref_squeeze %dma_wait3A_66 : memref<1x4608xf32, #tpu.memory_space<hbm>> -> memref<4608xf32, #tpu.memory_space<hbm>>
      tpu.wait_dma2 semaphore(%run_scoped3A_61 : memref<!tpu.dma_semaphore, #tpu.memory_space<semaphore_mem>>) src(%dma_wait3A_67 : memref<4608xf32, #tpu.memory_space<hbm>>) dst(%arg15 : memref<4608xf32, #tpu.memory_space<vmem>>)
      tpu.yield
    }) : () -> ()
    %run_scoped3A_35 = arith.constant 1 : i32
    "tpu.region"() ({
      %run_scoped3A_61 = tpu.sem_alloc : memref<!tpu.dma_semaphore, #tpu.memory_space<semaphore_mem>>
      %dma_start3A = tpu.memref_slice %arg4[%run_scoped3A_35, %mul3A_2] : memref<2x147456xf32, #tpu.memory_space<hbm>> -> memref<1x4608xf32, #tpu.memory_space<hbm>>
      %dma_start3A_62 = tpu.memref_squeeze %dma_start3A : memref<1x4608xf32, #tpu.memory_space<hbm>> -> memref<4608xf32, #tpu.memory_space<hbm>>
      %dma_start3A_63 = tpu.memref_slice %arg4[%run_scoped3A_35, %mul3A_2] : memref<2x147456xf32, #tpu.memory_space<hbm>> -> memref<1x4608xf32, #tpu.memory_space<hbm>>
      %dma_start3A_64 = tpu.memref_squeeze %dma_start3A_63 : memref<1x4608xf32, #tpu.memory_space<hbm>> -> memref<4608xf32, #tpu.memory_space<hbm>>
      tpu.enqueue_dma source(%dma_start3A_64 : memref<4608xf32, #tpu.memory_space<hbm>>) target(%arg16 : memref<4608xf32, #tpu.memory_space<vmem>>) target_semaphore(%run_scoped3A_61 : memref<!tpu.dma_semaphore, #tpu.memory_space<semaphore_mem>>)
      %dma_wait3A = tpu.memref_slice %arg4[%run_scoped3A_35, %mul3A_2] : memref<2x147456xf32, #tpu.memory_space<hbm>> -> memref<1x4608xf32, #tpu.memory_space<hbm>>
      %dma_wait3A_65 = tpu.memref_squeeze %dma_wait3A : memref<1x4608xf32, #tpu.memory_space<hbm>> -> memref<4608xf32, #tpu.memory_space<hbm>>
      %dma_wait3A_66 = tpu.memref_slice %arg4[%run_scoped3A_35, %mul3A_2] : memref<2x147456xf32, #tpu.memory_space<hbm>> -> memref<1x4608xf32, #tpu.memory_space<hbm>>
      %dma_wait3A_67 = tpu.memref_squeeze %dma_wait3A_66 : memref<1x4608xf32, #tpu.memory_space<hbm>> -> memref<4608xf32, #tpu.memory_space<hbm>>
      tpu.wait_dma2 semaphore(%run_scoped3A_61 : memref<!tpu.dma_semaphore, #tpu.memory_space<semaphore_mem>>) src(%dma_wait3A_67 : memref<4608xf32, #tpu.memory_space<hbm>>) dst(%arg16 : memref<4608xf32, #tpu.memory_space<vmem>>)
      tpu.yield
    }) : () -> ()
    %run_scoped3A_36 = arith.constant 1 : i32
    "tpu.region"() ({
      %run_scoped3A_61 = tpu.sem_alloc : memref<!tpu.dma_semaphore, #tpu.memory_space<semaphore_mem>>
      %dma_start3A = tpu.memref_slice %arg5[%run_scoped3A_36, %mul3A_2] : memref<2x147456xf32, #tpu.memory_space<hbm>> -> memref<1x4608xf32, #tpu.memory_space<hbm>>
      %dma_start3A_62 = tpu.memref_squeeze %dma_start3A : memref<1x4608xf32, #tpu.memory_space<hbm>> -> memref<4608xf32, #tpu.memory_space<hbm>>
      %dma_start3A_63 = tpu.memref_slice %arg5[%run_scoped3A_36, %mul3A_2] : memref<2x147456xf32, #tpu.memory_space<hbm>> -> memref<1x4608xf32, #tpu.memory_space<hbm>>
      %dma_start3A_64 = tpu.memref_squeeze %dma_start3A_63 : memref<1x4608xf32, #tpu.memory_space<hbm>> -> memref<4608xf32, #tpu.memory_space<hbm>>
      tpu.enqueue_dma source(%dma_start3A_64 : memref<4608xf32, #tpu.memory_space<hbm>>) target(%arg17 : memref<4608xf32, #tpu.memory_space<vmem>>) target_semaphore(%run_scoped3A_61 : memref<!tpu.dma_semaphore, #tpu.memory_space<semaphore_mem>>)
      %dma_wait3A = tpu.memref_slice %arg5[%run_scoped3A_36, %mul3A_2] : memref<2x147456xf32, #tpu.memory_space<hbm>> -> memref<1x4608xf32, #tpu.memory_space<hbm>>
      %dma_wait3A_65 = tpu.memref_squeeze %dma_wait3A : memref<1x4608xf32, #tpu.memory_space<hbm>> -> memref<4608xf32, #tpu.memory_space<hbm>>
      %dma_wait3A_66 = tpu.memref_slice %arg5[%run_scoped3A_36, %mul3A_2] : memref<2x147456xf32, #tpu.memory_space<hbm>> -> memref<1x4608xf32, #tpu.memory_space<hbm>>
      %dma_wait3A_67 = tpu.memref_squeeze %dma_wait3A_66 : memref<1x4608xf32, #tpu.memory_space<hbm>> -> memref<4608xf32, #tpu.memory_space<hbm>>
      tpu.wait_dma2 semaphore(%run_scoped3A_61 : memref<!tpu.dma_semaphore, #tpu.memory_space<semaphore_mem>>) src(%dma_wait3A_67 : memref<4608xf32, #tpu.memory_space<hbm>>) dst(%arg17 : memref<4608xf32, #tpu.memory_space<vmem>>)
      tpu.yield
    }) : () -> ()
    %run_scoped3A_37 = arith.constant 1 : i32
    "tpu.region"() ({
      %run_scoped3A_61 = tpu.sem_alloc : memref<!tpu.dma_semaphore, #tpu.memory_space<semaphore_mem>>
      %dma_start3A = tpu.memref_slice %arg6[%run_scoped3A_37, %mul3A_2] : memref<2x147456xf32, #tpu.memory_space<hbm>> -> memref<1x4608xf32, #tpu.memory_space<hbm>>
      %dma_start3A_62 = tpu.memref_squeeze %dma_start3A : memref<1x4608xf32, #tpu.memory_space<hbm>> -> memref<4608xf32, #tpu.memory_space<hbm>>
      %dma_start3A_63 = tpu.memref_slice %arg6[%run_scoped3A_37, %mul3A_2] : memref<2x147456xf32, #tpu.memory_space<hbm>> -> memref<1x4608xf32, #tpu.memory_space<hbm>>
      %dma_start3A_64 = tpu.memref_squeeze %dma_start3A_63 : memref<1x4608xf32, #tpu.memory_space<hbm>> -> memref<4608xf32, #tpu.memory_space<hbm>>
      tpu.enqueue_dma source(%dma_start3A_64 : memref<4608xf32, #tpu.memory_space<hbm>>) target(%arg18 : memref<4608xf32, #tpu.memory_space<vmem>>) target_semaphore(%run_scoped3A_61 : memref<!tpu.dma_semaphore, #tpu.memory_space<semaphore_mem>>)
      %dma_wait3A = tpu.memref_slice %arg6[%run_scoped3A_37, %mul3A_2] : memref<2x147456xf32, #tpu.memory_space<hbm>> -> memref<1x4608xf32, #tpu.memory_space<hbm>>
      %dma_wait3A_65 = tpu.memref_squeeze %dma_wait3A : memref<1x4608xf32, #tpu.memory_space<hbm>> -> memref<4608xf32, #tpu.memory_space<hbm>>
      %dma_wait3A_66 = tpu.memref_slice %arg6[%run_scoped3A_37, %mul3A_2] : memref<2x147456xf32, #tpu.memory_space<hbm>> -> memref<1x4608xf32, #tpu.memory_space<hbm>>
      %dma_wait3A_67 = tpu.memref_squeeze %dma_wait3A_66 : memref<1x4608xf32, #tpu.memory_space<hbm>> -> memref<4608xf32, #tpu.memory_space<hbm>>
      tpu.wait_dma2 semaphore(%run_scoped3A_61 : memref<!tpu.dma_semaphore, #tpu.memory_space<semaphore_mem>>) src(%dma_wait3A_67 : memref<4608xf32, #tpu.memory_space<hbm>>) dst(%arg18 : memref<4608xf32, #tpu.memory_space<vmem>>)
      tpu.yield
    }) : () -> ()
    %run_scoped3A_38 = arith.constant 1 : i32
    "tpu.region"() ({
      %run_scoped3A_61 = tpu.sem_alloc : memref<!tpu.dma_semaphore, #tpu.memory_space<semaphore_mem>>
      %dma_start3A = tpu.memref_slice %arg7[%run_scoped3A_38, %mul3A_2] : memref<2x147456xf32, #tpu.memory_space<hbm>> -> memref<1x4608xf32, #tpu.memory_space<hbm>>
      %dma_start3A_62 = tpu.memref_squeeze %dma_start3A : memref<1x4608xf32, #tpu.memory_space<hbm>> -> memref<4608xf32, #tpu.memory_space<hbm>>
      %dma_start3A_63 = tpu.memref_slice %arg7[%run_scoped3A_38, %mul3A_2] : memref<2x147456xf32, #tpu.memory_space<hbm>> -> memref<1x4608xf32, #tpu.memory_space<hbm>>
      %dma_start3A_64 = tpu.memref_squeeze %dma_start3A_63 : memref<1x4608xf32, #tpu.memory_space<hbm>> -> memref<4608xf32, #tpu.memory_space<hbm>>
      tpu.enqueue_dma source(%dma_start3A_64 : memref<4608xf32, #tpu.memory_space<hbm>>) target(%arg19 : memref<4608xf32, #tpu.memory_space<vmem>>) target_semaphore(%run_scoped3A_61 : memref<!tpu.dma_semaphore, #tpu.memory_space<semaphore_mem>>)
      %dma_wait3A = tpu.memref_slice %arg7[%run_scoped3A_38, %mul3A_2] : memref<2x147456xf32, #tpu.memory_space<hbm>> -> memref<1x4608xf32, #tpu.memory_space<hbm>>
      %dma_wait3A_65 = tpu.memref_squeeze %dma_wait3A : memref<1x4608xf32, #tpu.memory_space<hbm>> -> memref<4608xf32, #tpu.memory_space<hbm>>
      %dma_wait3A_66 = tpu.memref_slice %arg7[%run_scoped3A_38, %mul3A_2] : memref<2x147456xf32, #tpu.memory_space<hbm>> -> memref<1x4608xf32, #tpu.memory_space<hbm>>
      %dma_wait3A_67 = tpu.memref_squeeze %dma_wait3A_66 : memref<1x4608xf32, #tpu.memory_space<hbm>> -> memref<4608xf32, #tpu.memory_space<hbm>>
      tpu.wait_dma2 semaphore(%run_scoped3A_61 : memref<!tpu.dma_semaphore, #tpu.memory_space<semaphore_mem>>) src(%dma_wait3A_67 : memref<4608xf32, #tpu.memory_space<hbm>>) dst(%arg19 : memref<4608xf32, #tpu.memory_space<vmem>>)
      tpu.yield
    }) : () -> ()
    %scan3A_39 = arith.constant 0 : i32
    %scan3A_40 = arith.constant 0 : i32
    %scan3A_41 = arith.constant 26 : i32
    %scan3A_42 = arith.addi %scan3A_40, %scan3A_41 : i32
    %scan3A_43 = arith.constant 1 : i32
    scf.for %scan3A_61 = %scan3A_40 to %scan3A_42 step %scan3A_43  : i32 {
      %mul3A_62 = arith.constant 16 : i32
      %mul3A_63 = arith.muli %scan3A_61, %mul3A_62 : i32
      %swap3A = arith.index_cast %mul3A_63 : i32 to index
      %swap3A_64 = tpu.vector_load %arg20[%swap3A] {strides = array<i32>} : memref<416xf32, #tpu.memory_space<vmem>>, vector<16xf32>,
      tpu.vector_store %arg20[%swap3A], %broadcast_in_dim3A_3 {strides = array<i32>} : memref<416xf32, #tpu.memory_space<vmem>>, vector<16xf32>,
      %mul3A_65 = arith.constant 16 : i32
      %mul3A_66 = arith.muli %scan3A_61, %mul3A_65 : i32
      %swap3A_67 = arith.index_cast %mul3A_66 : i32 to index
      %swap3A_68 = tpu.vector_load %arg21[%swap3A_67] {strides = array<i32>} : memref<416xf32, #tpu.memory_space<vmem>>, vector<16xf32>,
      tpu.vector_store %arg21[%swap3A_67], %broadcast_in_dim3A_7 {strides = array<i32>} : memref<416xf32, #tpu.memory_space<vmem>>, vector<16xf32>,
      %mul3A_69 = arith.constant 16 : i32
      %mul3A_70 = arith.muli %scan3A_61, %mul3A_69 : i32
      %swap3A_71 = arith.index_cast %mul3A_70 : i32 to index
      %swap3A_72 = tpu.vector_load %arg22[%swap3A_71] {strides = array<i32>} : memref<416xf32, #tpu.memory_space<vmem>>, vector<16xf32>,
      tpu.vector_store %arg22[%swap3A_71], %broadcast_in_dim3A_7 {strides = array<i32>} : memref<416xf32, #tpu.memory_space<vmem>>, vector<16xf32>,
      %mul3A_73 = arith.constant 16 : i32
      %mul3A_74 = arith.muli %scan3A_61, %mul3A_73 : i32
      %swap3A_75 = arith.index_cast %mul3A_74 : i32 to index
      %swap3A_76 = tpu.vector_load %arg23[%swap3A_75] {strides = array<i32>} : memref<416xf32, #tpu.memory_space<vmem>>, vector<16xf32>,
      tpu.vector_store %arg23[%swap3A_75], %broadcast_in_dim3A_7 {strides = array<i32>} : memref<416xf32, #tpu.memory_space<vmem>>, vector<16xf32>,
      %mul3A_77 = arith.constant 16 : i32
      %mul3A_78 = arith.muli %scan3A_61, %mul3A_77 : i32
      %swap3A_79 = arith.index_cast %mul3A_78 : i32 to index
      %swap3A_80 = tpu.vector_load %arg24[%swap3A_79] {strides = array<i32>} : memref<416xf32, #tpu.memory_space<vmem>>, vector<16xf32>,
      tpu.vector_store %arg24[%swap3A_79], %broadcast_in_dim3A_7 {strides = array<i32>} : memref<416xf32, #tpu.memory_space<vmem>>, vector<16xf32>,
      %mul3A_81 = arith.constant 16 : i32
      %mul3A_82 = arith.muli %scan3A_61, %mul3A_81 : i32
      %swap3A_83 = arith.index_cast %mul3A_82 : i32 to index
      %swap3A_84 = tpu.vector_load %arg25[%swap3A_83] {strides = array<i32>} : memref<416xf32, #tpu.memory_space<vmem>>, vector<16xf32>,
      tpu.vector_store %arg25[%swap3A_83], %broadcast_in_dim3A_5 {strides = array<i32>} : memref<416xf32, #tpu.memory_space<vmem>>, vector<16xf32>,
    }
    %scan3A_44 = arith.constant 26 : i32
    %iota3A_45 = tpu.iota {dimensions = array<i32: 0>} : vector<16xi32>
    %scan3A_46 = arith.constant 0 : i32
    %scan3A_47 = arith.constant 0 : i32
    %scan3A_48 = arith.constant 288 : i32
    %scan3A_49 = arith.addi %scan3A_47, %scan3A_48 : i32
    %scan3A_50 = arith.constant 1 : i32
    %scan3A_51 = scf.for %scan3A_61 = %scan3A_47 to %scan3A_49 step %scan3A_50 iter_args(%scan3A_62 = %scan3A_46) -> (i32)  : i32 {
      %mul3A_63 = arith.constant 16 : i32
      %mul3A_64 = arith.muli %scan3A_61, %mul3A_63 : i32
      %get3A = arith.index_cast %mul3A_64 : i32 to index
      %get3A_65 = tpu.vector_load %arg14[%get3A] {strides = array<i32>} : memref<4608xf32, #tpu.memory_space<vmem>>, vector<16xf32>,
      %gt3A = arith.constant -1.000000e+30 : f32
      %gt3A_66 = vector.broadcast %gt3A : f32 to vector<16xf32>
      %gt3A_67 = arith.cmpf ogt, %get3A_65, %gt3A_66 : vector<16xf32>
      %convert_element_type3A = arith.extui %gt3A_67 : vector<16xi1> to vector<16xi32>
      %broadcast_in_dim3A_68 = arith.constant true
      %broadcast_in_dim3A_69 = vector.broadcast %broadcast_in_dim3A_68 : i1 to vector<16xi1>
      %masked_cumsum3A = tpu.scan <sum>, %convert_element_type3A masked %broadcast_in_dim3A_69 : vector<16xi32>, vector<16xi1> -> vector<16xi32>
      %add3A_70 = vector.broadcast %scan3A_62 : i32 to vector<16xi32>
      %add3A_71 = arith.addi %add3A_70, %masked_cumsum3A : vector<16xi32>
      %sub3A = arith.constant 1 : i32
      %sub3A_72 = vector.broadcast %sub3A : i32 to vector<16xi32>
      %sub3A_73 = arith.subi %add3A_71, %sub3A_72 : vector<16xi32>
      %add3A_74 = arith.constant 400 : i32
      %add3A_75 = vector.broadcast %add3A_74 : i32 to vector<16xi32>
      %add3A_76 = arith.addi %add3A_75, %iota3A_45 : vector<16xi32>
      %select_n3A = arith.select %gt3A_67, %sub3A_73, %add3A_76 : vector<16xi1>, vector<16xi32>
      tpu.vector_store_idx %arg20[%select_n3A], %get3A_65 : memref<416xf32, #tpu.memory_space<vmem>>[vector<16xi32>], vector<16xf32>,
      %mul3A_77 = arith.constant 16 : i32
      %mul3A_78 = arith.muli %scan3A_61, %mul3A_77 : i32
      %get3A_79 = arith.index_cast %mul3A_78 : i32 to index
      %get3A_80 = tpu.vector_load %arg15[%get3A_79] {strides = array<i32>} : memref<4608xf32, #tpu.memory_space<vmem>>, vector<16xf32>,
      tpu.vector_store_idx %arg21[%select_n3A], %get3A_80 : memref<416xf32, #tpu.memory_space<vmem>>[vector<16xi32>], vector<16xf32>,
      %mul3A_81 = arith.constant 16 : i32
      %mul3A_82 = arith.muli %scan3A_61, %mul3A_81 : i32
      %get3A_83 = arith.index_cast %mul3A_82 : i32 to index
      %get3A_84 = tpu.vector_load %arg16[%get3A_83] {strides = array<i32>} : memref<4608xf32, #tpu.memory_space<vmem>>, vector<16xf32>,
      tpu.vector_store_idx %arg22[%select_n3A], %get3A_84 : memref<416xf32, #tpu.memory_space<vmem>>[vector<16xi32>], vector<16xf32>,
      %mul3A_85 = arith.constant 16 : i32
      %mul3A_86 = arith.muli %scan3A_61, %mul3A_85 : i32
      %get3A_87 = arith.index_cast %mul3A_86 : i32 to index
      %get3A_88 = tpu.vector_load %arg17[%get3A_87] {strides = array<i32>} : memref<4608xf32, #tpu.memory_space<vmem>>, vector<16xf32>,
      tpu.vector_store_idx %arg23[%select_n3A], %get3A_88 : memref<416xf32, #tpu.memory_space<vmem>>[vector<16xi32>], vector<16xf32>,
      %mul3A_89 = arith.constant 16 : i32
      %mul3A_90 = arith.muli %scan3A_61, %mul3A_89 : i32
      %get3A_91 = arith.index_cast %mul3A_90 : i32 to index
      %get3A_92 = tpu.vector_load %arg18[%get3A_91] {strides = array<i32>} : memref<4608xf32, #tpu.memory_space<vmem>>, vector<16xf32>,
      tpu.vector_store_idx %arg24[%select_n3A], %get3A_92 : memref<416xf32, #tpu.memory_space<vmem>>[vector<16xi32>], vector<16xf32>,
      %mul3A_93 = arith.constant 16 : i32
      %mul3A_94 = arith.muli %scan3A_61, %mul3A_93 : i32
      %get3A_95 = arith.index_cast %mul3A_94 : i32 to index
      %get3A_96 = tpu.vector_load %arg19[%get3A_95] {strides = array<i32>} : memref<4608xf32, #tpu.memory_space<vmem>>, vector<16xf32>,
      tpu.vector_store_idx %arg25[%select_n3A], %get3A_96 : memref<416xf32, #tpu.memory_space<vmem>>[vector<16xi32>], vector<16xf32>,
      %reduce_max3A = arith.constant true
      %reduce_max3A_97 = vector.broadcast %reduce_max3A : i1 to vector<16xi1>
      %reduce_max3A_98 = arith.constant -2147483648 : i32
      %reduce_max3A_99 = vector.broadcast %reduce_max3A_98 : i32 to vector<16xi32>
      %reduce_max3A_100 = arith.xori %masked_cumsum3A, %reduce_max3A_99 : vector<16xi32>
      %reduce_max3A_101 = tpu.scan <max>, %reduce_max3A_100 masked %reduce_max3A_97 : vector<16xi32>, vector<16xi1> -> vector<16xi32>
      %reduce_max3A_102 = arith.xori %reduce_max3A_101, %reduce_max3A_99 : vector<16xi32>
      %reduce_max3A_103 = vector.extract %reduce_max3A_102[15] : i32 from vector<16xi32>
      %add3A_104 = arith.addi %scan3A_62, %reduce_max3A_103 : i32
      %min3A = arith.constant 384 : i32
      %min3A_105 = arith.minsi %add3A_104, %min3A : i32
      scf.yield %min3A_105 : i32
    }
    %scan3A_52 = arith.constant 288 : i32
    %mul3A_53 = arith.constant 384 : i32
    %mul3A_54 = arith.muli %add3A, %mul3A_53 : i32
    %run_scoped3A_55 = arith.constant 1 : i32
    "tpu.region"() ({
      %run_scoped3A_61 = tpu.sem_alloc : memref<!tpu.dma_semaphore, #tpu.memory_space<semaphore_mem>>
      %dma_start3A = arith.constant 0 : i32
      %dma_start3A_62 = tpu.memref_slice %arg20[%dma_start3A] : memref<416xf32, #tpu.memory_space<vmem>> -> memref<384xf32, #tpu.memory_space<vmem>>
      %dma_start3A_63 = tpu.memref_slice %arg8[%run_scoped3A_55, %mul3A_54] : memref<2x12288xf32, #tpu.memory_space<hbm>> -> memref<1x384xf32, #tpu.memory_space<hbm>>
      %dma_start3A_64 = tpu.memref_squeeze %dma_start3A_63 : memref<1x384xf32, #tpu.memory_space<hbm>> -> memref<384xf32, #tpu.memory_space<hbm>>
      %dma_start3A_65 = tpu.memref_slice %arg8[%run_scoped3A_55, %mul3A_54] : memref<2x12288xf32, #tpu.memory_space<hbm>> -> memref<1x384xf32, #tpu.memory_space<hbm>>
      %dma_start3A_66 = tpu.memref_squeeze %dma_start3A_65 : memref<1x384xf32, #tpu.memory_space<hbm>> -> memref<384xf32, #tpu.memory_space<hbm>>
      %dma_start3A_67 = arith.constant 0 : i32
      %dma_start3A_68 = tpu.memref_slice %arg20[%dma_start3A_67] : memref<416xf32, #tpu.memory_space<vmem>> -> memref<384xf32, #tpu.memory_space<vmem>>
      tpu.enqueue_dma source(%dma_start3A_68 : memref<384xf32, #tpu.memory_space<vmem>>) target(%dma_start3A_66 : memref<384xf32, #tpu.memory_space<hbm>>) target_semaphore(%run_scoped3A_61 : memref<!tpu.dma_semaphore, #tpu.memory_space<semaphore_mem>>)
      %dma_wait3A = arith.constant 0 : i32
      %dma_wait3A_69 = tpu.memref_slice %arg20[%dma_wait3A] : memref<416xf32, #tpu.memory_space<vmem>> -> memref<384xf32, #tpu.memory_space<vmem>>
      %dma_wait3A_70 = tpu.memref_slice %arg8[%run_scoped3A_55, %mul3A_54] : memref<2x12288xf32, #tpu.memory_space<hbm>> -> memref<1x384xf32, #tpu.memory_space<hbm>>
      %dma_wait3A_71 = tpu.memref_squeeze %dma_wait3A_70 : memref<1x384xf32, #tpu.memory_space<hbm>> -> memref<384xf32, #tpu.memory_space<hbm>>
      %dma_wait3A_72 = tpu.memref_slice %arg8[%run_scoped3A_55, %mul3A_54] : memref<2x12288xf32, #tpu.memory_space<hbm>> -> memref<1x384xf32, #tpu.memory_space<hbm>>
      %dma_wait3A_73 = tpu.memref_squeeze %dma_wait3A_72 : memref<1x384xf32, #tpu.memory_space<hbm>> -> memref<384xf32, #tpu.memory_space<hbm>>
      %dma_wait3A_74 = arith.constant 0 : i32
      %dma_wait3A_75 = tpu.memref_slice %arg20[%dma_wait3A_74] : memref<416xf32, #tpu.memory_space<vmem>> -> memref<384xf32, #tpu.memory_space<vmem>>
      tpu.wait_dma2 semaphore(%run_scoped3A_61 : memref<!tpu.dma_semaphore, #tpu.memory_space<semaphore_mem>>) src(%dma_wait3A_75 : memref<384xf32, #tpu.memory_space<vmem>>) dst(%dma_wait3A_73 : memref<384xf32, #tpu.memory_space<hbm>>)
      tpu.yield
    }) : () -> ()
    %run_scoped3A_56 = arith.constant 1 : i32
    "tpu.region"() ({
      %run_scoped3A_61 = tpu.sem_alloc : memref<!tpu.dma_semaphore, #tpu.memory_space<semaphore_mem>>
      %dma_start3A = arith.constant 0 : i32
      %dma_start3A_62 = tpu.memref_slice %arg21[%dma_start3A] : memref<416xf32, #tpu.memory_space<vmem>> -> memref<384xf32, #tpu.memory_space<vmem>>
      %dma_start3A_63 = tpu.memref_slice %arg9[%run_scoped3A_56, %mul3A_54] : memref<2x12288xf32, #tpu.memory_space<hbm>> -> memref<1x384xf32, #tpu.memory_space<hbm>>
      %dma_start3A_64 = tpu.memref_squeeze %dma_start3A_63 : memref<1x384xf32, #tpu.memory_space<hbm>> -> memref<384xf32, #tpu.memory_space<hbm>>
      %dma_start3A_65 = tpu.memref_slice %arg9[%run_scoped3A_56, %mul3A_54] : memref<2x12288xf32, #tpu.memory_space<hbm>> -> memref<1x384xf32, #tpu.memory_space<hbm>>
      %dma_start3A_66 = tpu.memref_squeeze %dma_start3A_65 : memref<1x384xf32, #tpu.memory_space<hbm>> -> memref<384xf32, #tpu.memory_space<hbm>>
      %dma_start3A_67 = arith.constant 0 : i32
      %dma_start3A_68 = tpu.memref_slice %arg21[%dma_start3A_67] : memref<416xf32, #tpu.memory_space<vmem>> -> memref<384xf32, #tpu.memory_space<vmem>>
      tpu.enqueue_dma source(%dma_start3A_68 : memref<384xf32, #tpu.memory_space<vmem>>) target(%dma_start3A_66 : memref<384xf32, #tpu.memory_space<hbm>>) target_semaphore(%run_scoped3A_61 : memref<!tpu.dma_semaphore, #tpu.memory_space<semaphore_mem>>)
      %dma_wait3A = arith.constant 0 : i32
      %dma_wait3A_69 = tpu.memref_slice %arg21[%dma_wait3A] : memref<416xf32, #tpu.memory_space<vmem>> -> memref<384xf32, #tpu.memory_space<vmem>>
      %dma_wait3A_70 = tpu.memref_slice %arg9[%run_scoped3A_56, %mul3A_54] : memref<2x12288xf32, #tpu.memory_space<hbm>> -> memref<1x384xf32, #tpu.memory_space<hbm>>
      %dma_wait3A_71 = tpu.memref_squeeze %dma_wait3A_70 : memref<1x384xf32, #tpu.memory_space<hbm>> -> memref<384xf32, #tpu.memory_space<hbm>>
      %dma_wait3A_72 = tpu.memref_slice %arg9[%run_scoped3A_56, %mul3A_54] : memref<2x12288xf32, #tpu.memory_space<hbm>> -> memref<1x384xf32, #tpu.memory_space<hbm>>
      %dma_wait3A_73 = tpu.memref_squeeze %dma_wait3A_72 : memref<1x384xf32, #tpu.memory_space<hbm>> -> memref<384xf32, #tpu.memory_space<hbm>>
      %dma_wait3A_74 = arith.constant 0 : i32
      %dma_wait3A_75 = tpu.memref_slice %arg21[%dma_wait3A_74] : memref<416xf32, #tpu.memory_space<vmem>> -> memref<384xf32, #tpu.memory_space<vmem>>
      tpu.wait_dma2 semaphore(%run_scoped3A_61 : memref<!tpu.dma_semaphore, #tpu.memory_space<semaphore_mem>>) src(%dma_wait3A_75 : memref<384xf32, #tpu.memory_space<vmem>>) dst(%dma_wait3A_73 : memref<384xf32, #tpu.memory_space<hbm>>)
      tpu.yield
    }) : () -> ()
    %run_scoped3A_57 = arith.constant 1 : i32
    "tpu.region"() ({
      %run_scoped3A_61 = tpu.sem_alloc : memref<!tpu.dma_semaphore, #tpu.memory_space<semaphore_mem>>
      %dma_start3A = arith.constant 0 : i32
      %dma_start3A_62 = tpu.memref_slice %arg22[%dma_start3A] : memref<416xf32, #tpu.memory_space<vmem>> -> memref<384xf32, #tpu.memory_space<vmem>>
      %dma_start3A_63 = tpu.memref_slice %arg10[%run_scoped3A_57, %mul3A_54] : memref<2x12288xf32, #tpu.memory_space<hbm>> -> memref<1x384xf32, #tpu.memory_space<hbm>>
      %dma_start3A_64 = tpu.memref_squeeze %dma_start3A_63 : memref<1x384xf32, #tpu.memory_space<hbm>> -> memref<384xf32, #tpu.memory_space<hbm>>
      %dma_start3A_65 = tpu.memref_slice %arg10[%run_scoped3A_57, %mul3A_54] : memref<2x12288xf32, #tpu.memory_space<hbm>> -> memref<1x384xf32, #tpu.memory_space<hbm>>
      %dma_start3A_66 = tpu.memref_squeeze %dma_start3A_65 : memref<1x384xf32, #tpu.memory_space<hbm>> -> memref<384xf32, #tpu.memory_space<hbm>>
      %dma_start3A_67 = arith.constant 0 : i32
      %dma_start3A_68 = tpu.memref_slice %arg22[%dma_start3A_67] : memref<416xf32, #tpu.memory_space<vmem>> -> memref<384xf32, #tpu.memory_space<vmem>>
      tpu.enqueue_dma source(%dma_start3A_68 : memref<384xf32, #tpu.memory_space<vmem>>) target(%dma_start3A_66 : memref<384xf32, #tpu.memory_space<hbm>>) target_semaphore(%run_scoped3A_61 : memref<!tpu.dma_semaphore, #tpu.memory_space<semaphore_mem>>)
      %dma_wait3A = arith.constant 0 : i32
      %dma_wait3A_69 = tpu.memref_slice %arg22[%dma_wait3A] : memref<416xf32, #tpu.memory_space<vmem>> -> memref<384xf32, #tpu.memory_space<vmem>>
      %dma_wait3A_70 = tpu.memref_slice %arg10[%run_scoped3A_57, %mul3A_54] : memref<2x12288xf32, #tpu.memory_space<hbm>> -> memref<1x384xf32, #tpu.memory_space<hbm>>
      %dma_wait3A_71 = tpu.memref_squeeze %dma_wait3A_70 : memref<1x384xf32, #tpu.memory_space<hbm>> -> memref<384xf32, #tpu.memory_space<hbm>>
      %dma_wait3A_72 = tpu.memref_slice %arg10[%run_scoped3A_57, %mul3A_54] : memref<2x12288xf32, #tpu.memory_space<hbm>> -> memref<1x384xf32, #tpu.memory_space<hbm>>
      %dma_wait3A_73 = tpu.memref_squeeze %dma_wait3A_72 : memref<1x384xf32, #tpu.memory_space<hbm>> -> memref<384xf32, #tpu.memory_space<hbm>>
      %dma_wait3A_74 = arith.constant 0 : i32
      %dma_wait3A_75 = tpu.memref_slice %arg22[%dma_wait3A_74] : memref<416xf32, #tpu.memory_space<vmem>> -> memref<384xf32, #tpu.memory_space<vmem>>
      tpu.wait_dma2 semaphore(%run_scoped3A_61 : memref<!tpu.dma_semaphore, #tpu.memory_space<semaphore_mem>>) src(%dma_wait3A_75 : memref<384xf32, #tpu.memory_space<vmem>>) dst(%dma_wait3A_73 : memref<384xf32, #tpu.memory_space<hbm>>)
      tpu.yield
    }) : () -> ()
    %run_scoped3A_58 = arith.constant 1 : i32
    "tpu.region"() ({
      %run_scoped3A_61 = tpu.sem_alloc : memref<!tpu.dma_semaphore, #tpu.memory_space<semaphore_mem>>
      %dma_start3A = arith.constant 0 : i32
      %dma_start3A_62 = tpu.memref_slice %arg23[%dma_start3A] : memref<416xf32, #tpu.memory_space<vmem>> -> memref<384xf32, #tpu.memory_space<vmem>>
      %dma_start3A_63 = tpu.memref_slice %arg11[%run_scoped3A_58, %mul3A_54] : memref<2x12288xf32, #tpu.memory_space<hbm>> -> memref<1x384xf32, #tpu.memory_space<hbm>>
      %dma_start3A_64 = tpu.memref_squeeze %dma_start3A_63 : memref<1x384xf32, #tpu.memory_space<hbm>> -> memref<384xf32, #tpu.memory_space<hbm>>
      %dma_start3A_65 = tpu.memref_slice %arg11[%run_scoped3A_58, %mul3A_54] : memref<2x12288xf32, #tpu.memory_space<hbm>> -> memref<1x384xf32, #tpu.memory_space<hbm>>
      %dma_start3A_66 = tpu.memref_squeeze %dma_start3A_65 : memref<1x384xf32, #tpu.memory_space<hbm>> -> memref<384xf32, #tpu.memory_space<hbm>>
      %dma_start3A_67 = arith.constant 0 : i32
      %dma_start3A_68 = tpu.memref_slice %arg23[%dma_start3A_67] : memref<416xf32, #tpu.memory_space<vmem>> -> memref<384xf32, #tpu.memory_space<vmem>>
      tpu.enqueue_dma source(%dma_start3A_68 : memref<384xf32, #tpu.memory_space<vmem>>) target(%dma_start3A_66 : memref<384xf32, #tpu.memory_space<hbm>>) target_semaphore(%run_scoped3A_61 : memref<!tpu.dma_semaphore, #tpu.memory_space<semaphore_mem>>)
      %dma_wait3A = arith.constant 0 : i32
      %dma_wait3A_69 = tpu.memref_slice %arg23[%dma_wait3A] : memref<416xf32, #tpu.memory_space<vmem>> -> memref<384xf32, #tpu.memory_space<vmem>>
      %dma_wait3A_70 = tpu.memref_slice %arg11[%run_scoped3A_58, %mul3A_54] : memref<2x12288xf32, #tpu.memory_space<hbm>> -> memref<1x384xf32, #tpu.memory_space<hbm>>
      %dma_wait3A_71 = tpu.memref_squeeze %dma_wait3A_70 : memref<1x384xf32, #tpu.memory_space<hbm>> -> memref<384xf32, #tpu.memory_space<hbm>>
      %dma_wait3A_72 = tpu.memref_slice %arg11[%run_scoped3A_58, %mul3A_54] : memref<2x12288xf32, #tpu.memory_space<hbm>> -> memref<1x384xf32, #tpu.memory_space<hbm>>
      %dma_wait3A_73 = tpu.memref_squeeze %dma_wait3A_72 : memref<1x384xf32, #tpu.memory_space<hbm>> -> memref<384xf32, #tpu.memory_space<hbm>>
      %dma_wait3A_74 = arith.constant 0 : i32
      %dma_wait3A_75 = tpu.memref_slice %arg23[%dma_wait3A_74] : memref<416xf32, #tpu.memory_space<vmem>> -> memref<384xf32, #tpu.memory_space<vmem>>
      tpu.wait_dma2 semaphore(%run_scoped3A_61 : memref<!tpu.dma_semaphore, #tpu.memory_space<semaphore_mem>>) src(%dma_wait3A_75 : memref<384xf32, #tpu.memory_space<vmem>>) dst(%dma_wait3A_73 : memref<384xf32, #tpu.memory_space<hbm>>)
      tpu.yield
    }) : () -> ()
    %run_scoped3A_59 = arith.constant 1 : i32
    "tpu.region"() ({
      %run_scoped3A_61 = tpu.sem_alloc : memref<!tpu.dma_semaphore, #tpu.memory_space<semaphore_mem>>
      %dma_start3A = arith.constant 0 : i32
      %dma_start3A_62 = tpu.memref_slice %arg24[%dma_start3A] : memref<416xf32, #tpu.memory_space<vmem>> -> memref<384xf32, #tpu.memory_space<vmem>>
      %dma_start3A_63 = tpu.memref_slice %arg12[%run_scoped3A_59, %mul3A_54] : memref<2x12288xf32, #tpu.memory_space<hbm>> -> memref<1x384xf32, #tpu.memory_space<hbm>>
      %dma_start3A_64 = tpu.memref_squeeze %dma_start3A_63 : memref<1x384xf32, #tpu.memory_space<hbm>> -> memref<384xf32, #tpu.memory_space<hbm>>
      %dma_start3A_65 = tpu.memref_slice %arg12[%run_scoped3A_59, %mul3A_54] : memref<2x12288xf32, #tpu.memory_space<hbm>> -> memref<1x384xf32, #tpu.memory_space<hbm>>
      %dma_start3A_66 = tpu.memref_squeeze %dma_start3A_65 : memref<1x384xf32, #tpu.memory_space<hbm>> -> memref<384xf32, #tpu.memory_space<hbm>>
      %dma_start3A_67 = arith.constant 0 : i32
      %dma_start3A_68 = tpu.memref_slice %arg24[%dma_start3A_67] : memref<416xf32, #tpu.memory_space<vmem>> -> memref<384xf32, #tpu.memory_space<vmem>>
      tpu.enqueue_dma source(%dma_start3A_68 : memref<384xf32, #tpu.memory_space<vmem>>) target(%dma_start3A_66 : memref<384xf32, #tpu.memory_space<hbm>>) target_semaphore(%run_scoped3A_61 : memref<!tpu.dma_semaphore, #tpu.memory_space<semaphore_mem>>)
      %dma_wait3A = arith.constant 0 : i32
      %dma_wait3A_69 = tpu.memref_slice %arg24[%dma_wait3A] : memref<416xf32, #tpu.memory_space<vmem>> -> memref<384xf32, #tpu.memory_space<vmem>>
      %dma_wait3A_70 = tpu.memref_slice %arg12[%run_scoped3A_59, %mul3A_54] : memref<2x12288xf32, #tpu.memory_space<hbm>> -> memref<1x384xf32, #tpu.memory_space<hbm>>
      %dma_wait3A_71 = tpu.memref_squeeze %dma_wait3A_70 : memref<1x384xf32, #tpu.memory_space<hbm>> -> memref<384xf32, #tpu.memory_space<hbm>>
      %dma_wait3A_72 = tpu.memref_slice %arg12[%run_scoped3A_59, %mul3A_54] : memref<2x12288xf32, #tpu.memory_space<hbm>> -> memref<1x384xf32, #tpu.memory_space<hbm>>
      %dma_wait3A_73 = tpu.memref_squeeze %dma_wait3A_72 : memref<1x384xf32, #tpu.memory_space<hbm>> -> memref<384xf32, #tpu.memory_space<hbm>>
      %dma_wait3A_74 = arith.constant 0 : i32
      %dma_wait3A_75 = tpu.memref_slice %arg24[%dma_wait3A_74] : memref<416xf32, #tpu.memory_space<vmem>> -> memref<384xf32, #tpu.memory_space<vmem>>
      tpu.wait_dma2 semaphore(%run_scoped3A_61 : memref<!tpu.dma_semaphore, #tpu.memory_space<semaphore_mem>>) src(%dma_wait3A_75 : memref<384xf32, #tpu.memory_space<vmem>>) dst(%dma_wait3A_73 : memref<384xf32, #tpu.memory_space<hbm>>)
      tpu.yield
    }) : () -> ()
    %run_scoped3A_60 = arith.constant 1 : i32
    "tpu.region"() ({
      %run_scoped3A_61 = tpu.sem_alloc : memref<!tpu.dma_semaphore, #tpu.memory_space<semaphore_mem>>
      %dma_start3A = arith.constant 0 : i32
      %dma_start3A_62 = tpu.memref_slice %arg25[%dma_start3A] : memref<416xf32, #tpu.memory_space<vmem>> -> memref<384xf32, #tpu.memory_space<vmem>>
      %dma_start3A_63 = tpu.memref_slice %arg13[%run_scoped3A_60, %mul3A_54] : memref<2x12288xf32, #tpu.memory_space<hbm>> -> memref<1x384xf32, #tpu.memory_space<hbm>>
      %dma_start3A_64 = tpu.memref_squeeze %dma_start3A_63 : memref<1x384xf32, #tpu.memory_space<hbm>> -> memref<384xf32, #tpu.memory_space<hbm>>
      %dma_start3A_65 = tpu.memref_slice %arg13[%run_scoped3A_60, %mul3A_54] : memref<2x12288xf32, #tpu.memory_space<hbm>> -> memref<1x384xf32, #tpu.memory_space<hbm>>
      %dma_start3A_66 = tpu.memref_squeeze %dma_start3A_65 : memref<1x384xf32, #tpu.memory_space<hbm>> -> memref<384xf32, #tpu.memory_space<hbm>>
      %dma_start3A_67 = arith.constant 0 : i32
      %dma_start3A_68 = tpu.memref_slice %arg25[%dma_start3A_67] : memref<416xf32, #tpu.memory_space<vmem>> -> memref<384xf32, #tpu.memory_space<vmem>>
      tpu.enqueue_dma source(%dma_start3A_68 : memref<384xf32, #tpu.memory_space<vmem>>) target(%dma_start3A_66 : memref<384xf32, #tpu.memory_space<hbm>>) target_semaphore(%run_scoped3A_61 : memref<!tpu.dma_semaphore, #tpu.memory_space<semaphore_mem>>)
      %dma_wait3A = arith.constant 0 : i32
      %dma_wait3A_69 = tpu.memref_slice %arg25[%dma_wait3A] : memref<416xf32, #tpu.memory_space<vmem>> -> memref<384xf32, #tpu.memory_space<vmem>>
      %dma_wait3A_70 = tpu.memref_slice %arg13[%run_scoped3A_60, %mul3A_54] : memref<2x12288xf32, #tpu.memory_space<hbm>> -> memref<1x384xf32, #tpu.memory_space<hbm>>
      %dma_wait3A_71 = tpu.memref_squeeze %dma_wait3A_70 : memref<1x384xf32, #tpu.memory_space<hbm>> -> memref<384xf32, #tpu.memory_space<hbm>>
      %dma_wait3A_72 = tpu.memref_slice %arg13[%run_scoped3A_60, %mul3A_54] : memref<2x12288xf32, #tpu.memory_space<hbm>> -> memref<1x384xf32, #tpu.memory_space<hbm>>
      %dma_wait3A_73 = tpu.memref_squeeze %dma_wait3A_72 : memref<1x384xf32, #tpu.memory_space<hbm>> -> memref<384xf32, #tpu.memory_space<hbm>>
      %dma_wait3A_74 = arith.constant 0 : i32
      %dma_wait3A_75 = tpu.memref_slice %arg25[%dma_wait3A_74] : memref<416xf32, #tpu.memory_space<vmem>> -> memref<384xf32, #tpu.memory_space<vmem>>
      tpu.wait_dma2 semaphore(%run_scoped3A_61 : memref<!tpu.dma_semaphore, #tpu.memory_space<semaphore_mem>>) src(%dma_wait3A_75 : memref<384xf32, #tpu.memory_space<vmem>>) dst(%dma_wait3A_73 : memref<384xf32, #tpu.memory_space<hbm>>)
      tpu.yield
    }) : () -> ()
    return
  }
}

module attributes {stable_mosaic.version = 14 : i64} {
  func.func @_nms_kernel(%arg0: memref<2x96x128xf32, #tpu.memory_space<vmem>>, %arg1: memref<2x96x128xf32, #tpu.memory_space<vmem>>, %arg2: memref<2x96x128xf32, #tpu.memory_space<vmem>>, %arg3: memref<2x96x128xf32, #tpu.memory_space<vmem>>, %arg4: memref<2x96x128xf32, #tpu.memory_space<vmem>>, %arg5: memref<2x96x128xf32, #tpu.memory_space<vmem>>, %arg6: memref<2x300x5xf32, #tpu.memory_space<vmem>>) attributes {dimension_semantics = [], scalar_prefetch = 0 : i64, scratch_operands = 0 : i64, tpu.core_type = #tpu.core_type<tc>} {
    %get3A = arith.constant 0 : index
    %get3A_0 = arith.constant 0 : index
    %get3A_1 = arith.constant 0 : index
    %get3A_2 = vector.load %arg1[%get3A, %get3A_0, %get3A_1] : memref<2x96x128xf32, #tpu.memory_space<vmem>>, vector<1x96x128xf32>
    %get3A_3 = vector.shape_cast %get3A_2 : vector<1x96x128xf32> to vector<96x128xf32>
    %get3A_4 = arith.constant 1 : index
    %get3A_5 = arith.constant 0 : index
    %get3A_6 = arith.constant 0 : index
    %get3A_7 = vector.load %arg1[%get3A_4, %get3A_5, %get3A_6] : memref<2x96x128xf32, #tpu.memory_space<vmem>>, vector<1x96x128xf32>
    %get3A_8 = vector.shape_cast %get3A_7 : vector<1x96x128xf32> to vector<96x128xf32>
    %get3A_9 = arith.constant 0 : index
    %get3A_10 = arith.constant 0 : index
    %get3A_11 = arith.constant 0 : index
    %get3A_12 = vector.load %arg2[%get3A_9, %get3A_10, %get3A_11] : memref<2x96x128xf32, #tpu.memory_space<vmem>>, vector<1x96x128xf32>
    %get3A_13 = vector.shape_cast %get3A_12 : vector<1x96x128xf32> to vector<96x128xf32>
    %get3A_14 = arith.constant 1 : index
    %get3A_15 = arith.constant 0 : index
    %get3A_16 = arith.constant 0 : index
    %get3A_17 = vector.load %arg2[%get3A_14, %get3A_15, %get3A_16] : memref<2x96x128xf32, #tpu.memory_space<vmem>>, vector<1x96x128xf32>
    %get3A_18 = vector.shape_cast %get3A_17 : vector<1x96x128xf32> to vector<96x128xf32>
    %get3A_19 = arith.constant 0 : index
    %get3A_20 = arith.constant 0 : index
    %get3A_21 = arith.constant 0 : index
    %get3A_22 = vector.load %arg3[%get3A_19, %get3A_20, %get3A_21] : memref<2x96x128xf32, #tpu.memory_space<vmem>>, vector<1x96x128xf32>
    %get3A_23 = vector.shape_cast %get3A_22 : vector<1x96x128xf32> to vector<96x128xf32>
    %add3A = arith.constant 1.000000e+00 : f32
    %add3A_24 = vector.broadcast %add3A : f32 to vector<96x128xf32>
    %add3A_25 = arith.addf %get3A_23, %add3A_24 : vector<96x128xf32>
    %get3A_26 = arith.constant 1 : index
    %get3A_27 = arith.constant 0 : index
    %get3A_28 = arith.constant 0 : index
    %get3A_29 = vector.load %arg3[%get3A_26, %get3A_27, %get3A_28] : memref<2x96x128xf32, #tpu.memory_space<vmem>>, vector<1x96x128xf32>
    %get3A_30 = vector.shape_cast %get3A_29 : vector<1x96x128xf32> to vector<96x128xf32>
    %add3A_31 = arith.constant 1.000000e+00 : f32
    %add3A_32 = vector.broadcast %add3A_31 : f32 to vector<96x128xf32>
    %add3A_33 = arith.addf %get3A_30, %add3A_32 : vector<96x128xf32>
    %get3A_34 = arith.constant 0 : index
    %get3A_35 = arith.constant 0 : index
    %get3A_36 = arith.constant 0 : index
    %get3A_37 = vector.load %arg4[%get3A_34, %get3A_35, %get3A_36] : memref<2x96x128xf32, #tpu.memory_space<vmem>>, vector<1x96x128xf32>
    %get3A_38 = vector.shape_cast %get3A_37 : vector<1x96x128xf32> to vector<96x128xf32>
    %add3A_39 = arith.constant 1.000000e+00 : f32
    %add3A_40 = vector.broadcast %add3A_39 : f32 to vector<96x128xf32>
    %add3A_41 = arith.addf %get3A_38, %add3A_40 : vector<96x128xf32>
    %get3A_42 = arith.constant 1 : index
    %get3A_43 = arith.constant 0 : index
    %get3A_44 = arith.constant 0 : index
    %get3A_45 = vector.load %arg4[%get3A_42, %get3A_43, %get3A_44] : memref<2x96x128xf32, #tpu.memory_space<vmem>>, vector<1x96x128xf32>
    %get3A_46 = vector.shape_cast %get3A_45 : vector<1x96x128xf32> to vector<96x128xf32>
    %add3A_47 = arith.constant 1.000000e+00 : f32
    %add3A_48 = vector.broadcast %add3A_47 : f32 to vector<96x128xf32>
    %add3A_49 = arith.addf %get3A_46, %add3A_48 : vector<96x128xf32>
    %get3A_50 = arith.constant 0 : index
    %get3A_51 = arith.constant 0 : index
    %get3A_52 = arith.constant 0 : index
    %get3A_53 = vector.load %arg5[%get3A_50, %get3A_51, %get3A_52] : memref<2x96x128xf32, #tpu.memory_space<vmem>>, vector<1x96x128xf32>
    %get3A_54 = vector.shape_cast %get3A_53 : vector<1x96x128xf32> to vector<96x128xf32>
    %get3A_55 = arith.constant 1 : index
    %get3A_56 = arith.constant 0 : index
    %get3A_57 = arith.constant 0 : index
    %get3A_58 = vector.load %arg5[%get3A_55, %get3A_56, %get3A_57] : memref<2x96x128xf32, #tpu.memory_space<vmem>>, vector<1x96x128xf32>
    %get3A_59 = vector.shape_cast %get3A_58 : vector<1x96x128xf32> to vector<96x128xf32>
    %sub3A = arith.subf %add3A_25, %get3A_3 : vector<96x128xf32>
    %sub3A_60 = arith.subf %add3A_41, %get3A_13 : vector<96x128xf32>
    %mul3A = arith.mulf %sub3A, %sub3A_60 : vector<96x128xf32>
    %sub3A_61 = arith.subf %add3A_33, %get3A_8 : vector<96x128xf32>
    %sub3A_62 = arith.subf %add3A_49, %get3A_18 : vector<96x128xf32>
    %mul3A_63 = arith.mulf %sub3A_61, %sub3A_62 : vector<96x128xf32>
    %iota3A = tpu.iota {dimensions = array<i32: 1>} : vector<1x5xi32>
    %get3A_64 = arith.constant 0 : index
    %get3A_65 = arith.constant 0 : index
    %get3A_66 = arith.constant 0 : index
    %get3A_67 = vector.load %arg0[%get3A_64, %get3A_65, %get3A_66] : memref<2x96x128xf32, #tpu.memory_space<vmem>>, vector<1x96x128xf32>
    %get3A_68 = vector.shape_cast %get3A_67 : vector<1x96x128xf32> to vector<96x128xf32>
    %get3A_69 = arith.constant 1 : index
    %get3A_70 = arith.constant 0 : index
    %get3A_71 = arith.constant 0 : index
    %get3A_72 = vector.load %arg0[%get3A_69, %get3A_70, %get3A_71] : memref<2x96x128xf32, #tpu.memory_space<vmem>>, vector<1x96x128xf32>
    %get3A_73 = vector.shape_cast %get3A_72 : vector<1x96x128xf32> to vector<96x128xf32>
    %scan3A = arith.constant 0 : i32
    %scan3A_74 = arith.constant 300 : i32
    %scan3A_75 = arith.addi %scan3A, %scan3A_74 : i32
    %scan3A_76 = arith.constant 1 : i32
    %scan3A_77:2 = scf.for %scan3A_79 = %scan3A to %scan3A_75 step %scan3A_76 iter_args(%scan3A_80 = %get3A_68, %scan3A_81 = %get3A_73) -> (vector<96x128xf32>, vector<96x128xf32>)  : i32 {
      %reduce_max3A = vector.shape_cast %scan3A_80 : vector<96x128xf32> to vector<1x96x128xf32>
      %reduce_max3A_82 = arith.constant dense<0xFF800000> : vector<1xf32>
      %reduce_max3A_83 = vector.multi_reduction <maximumf>, %reduce_max3A, %reduce_max3A_82 [1, 2] : vector<1x96x128xf32> to vector<1xf32>
      %reduce_max3A_84 = vector.shape_cast %reduce_max3A_83 : vector<1xf32> to vector<1x1x1xf32>
      %reduce_max3A_85 = vector.extract %reduce_max3A_84[0, 0, 0] : f32 from vector<1x1x1xf32>
      %eq3A = vector.broadcast %reduce_max3A_85 : f32 to vector<96x128xf32>
      %eq3A_86 = arith.cmpf oeq, %scan3A_80, %eq3A : vector<96x128xf32>
      %jit3A = arith.constant 0x7F800000 : f32
      %broadcast_in_dim3A = vector.broadcast %jit3A : f32 to vector<96x128xf32>
      %select_n3A = arith.select %eq3A_86, %get3A_54, %broadcast_in_dim3A : vector<96x128xi1>, vector<96x128xf32>
      %reduce_min3A = vector.shape_cast %select_n3A : vector<96x128xf32> to vector<1x96x128xf32>
      %reduce_min3A_87 = arith.constant dense<0x7F800000> : vector<1xf32>
      %reduce_min3A_88 = vector.multi_reduction <minimumf>, %reduce_min3A, %reduce_min3A_87 [1, 2] : vector<1x96x128xf32> to vector<1xf32>
      %reduce_min3A_89 = vector.shape_cast %reduce_min3A_88 : vector<1xf32> to vector<1x1x1xf32>
      %reduce_min3A_90 = vector.extract %reduce_min3A_89[0, 0, 0] : f32 from vector<1x1x1xf32>
      %eq3A_91 = vector.broadcast %reduce_min3A_90 : f32 to vector<96x128xf32>
      %eq3A_92 = arith.cmpf oeq, %get3A_54, %eq3A_91 : vector<96x128xf32>
      %jit3A_93 = arith.constant 0xFF800000 : f32
      %broadcast_in_dim3A_94 = vector.broadcast %jit3A_93 : f32 to vector<96x128xf32>
      %select_n3A_95 = arith.select %eq3A_92, %get3A_3, %broadcast_in_dim3A_94 : vector<96x128xi1>, vector<96x128xf32>
      %reduce_max3A_96 = vector.shape_cast %select_n3A_95 : vector<96x128xf32> to vector<1x96x128xf32>
      %reduce_max3A_97 = arith.constant dense<0xFF800000> : vector<1xf32>
      %reduce_max3A_98 = vector.multi_reduction <maximumf>, %reduce_max3A_96, %reduce_max3A_97 [1, 2] : vector<1x96x128xf32> to vector<1xf32>
      %reduce_max3A_99 = vector.shape_cast %reduce_max3A_98 : vector<1xf32> to vector<1x1x1xf32>
      %reduce_max3A_100 = vector.extract %reduce_max3A_99[0, 0, 0] : f32 from vector<1x1x1xf32>
      %jit3A_101 = arith.constant 0xFF800000 : f32
      %broadcast_in_dim3A_102 = vector.broadcast %jit3A_101 : f32 to vector<96x128xf32>
      %select_n3A_103 = arith.select %eq3A_92, %get3A_13, %broadcast_in_dim3A_102 : vector<96x128xi1>, vector<96x128xf32>
      %reduce_max3A_104 = vector.shape_cast %select_n3A_103 : vector<96x128xf32> to vector<1x96x128xf32>
      %reduce_max3A_105 = arith.constant dense<0xFF800000> : vector<1xf32>
      %reduce_max3A_106 = vector.multi_reduction <maximumf>, %reduce_max3A_104, %reduce_max3A_105 [1, 2] : vector<1x96x128xf32> to vector<1xf32>
      %reduce_max3A_107 = vector.shape_cast %reduce_max3A_106 : vector<1xf32> to vector<1x1x1xf32>
      %reduce_max3A_108 = vector.extract %reduce_max3A_107[0, 0, 0] : f32 from vector<1x1x1xf32>
      %jit3A_109 = arith.constant 0xFF800000 : f32
      %broadcast_in_dim3A_110 = vector.broadcast %jit3A_109 : f32 to vector<96x128xf32>
      %select_n3A_111 = arith.select %eq3A_92, %add3A_25, %broadcast_in_dim3A_110 : vector<96x128xi1>, vector<96x128xf32>
      %reduce_max3A_112 = vector.shape_cast %select_n3A_111 : vector<96x128xf32> to vector<1x96x128xf32>
      %reduce_max3A_113 = arith.constant dense<0xFF800000> : vector<1xf32>
      %reduce_max3A_114 = vector.multi_reduction <maximumf>, %reduce_max3A_112, %reduce_max3A_113 [1, 2] : vector<1x96x128xf32> to vector<1xf32>
      %reduce_max3A_115 = vector.shape_cast %reduce_max3A_114 : vector<1xf32> to vector<1x1x1xf32>
      %reduce_max3A_116 = vector.extract %reduce_max3A_115[0, 0, 0] : f32 from vector<1x1x1xf32>
      %jit3A_117 = arith.constant 0xFF800000 : f32
      %broadcast_in_dim3A_118 = vector.broadcast %jit3A_117 : f32 to vector<96x128xf32>
      %select_n3A_119 = arith.select %eq3A_92, %add3A_41, %broadcast_in_dim3A_118 : vector<96x128xi1>, vector<96x128xf32>
      %reduce_max3A_120 = vector.shape_cast %select_n3A_119 : vector<96x128xf32> to vector<1x96x128xf32>
      %reduce_max3A_121 = arith.constant dense<0xFF800000> : vector<1xf32>
      %reduce_max3A_122 = vector.multi_reduction <maximumf>, %reduce_max3A_120, %reduce_max3A_121 [1, 2] : vector<1x96x128xf32> to vector<1xf32>
      %reduce_max3A_123 = vector.shape_cast %reduce_max3A_122 : vector<1xf32> to vector<1x1x1xf32>
      %reduce_max3A_124 = vector.extract %reduce_max3A_123[0, 0, 0] : f32 from vector<1x1x1xf32>
      %sub3A_125 = arith.subf %reduce_max3A_116, %reduce_max3A_100 : f32
      %sub3A_126 = arith.subf %reduce_max3A_124, %reduce_max3A_108 : f32
      %mul3A_127 = arith.mulf %sub3A_125, %sub3A_126 : f32
      %gt3A = arith.constant -1.000000e+08 : f32
      %gt3A_128 = arith.cmpf ogt, %reduce_max3A_85, %gt3A : f32
      %jit3A_129 = arith.constant 0.000000e+00 : f32
      %select_n3A_130 = arith.select %gt3A_128, %reduce_max3A_100, %jit3A_129 : f32
      %jit3A_131 = arith.constant 0.000000e+00 : f32
      %select_n3A_132 = arith.select %gt3A_128, %reduce_max3A_108, %jit3A_131 : f32
      %sub3A_133 = arith.constant 1.000000e+00 : f32
      %sub3A_134 = arith.subf %reduce_max3A_116, %sub3A_133 : f32
      %jit3A_135 = arith.constant 0.000000e+00 : f32
      %select_n3A_136 = arith.select %gt3A_128, %sub3A_134, %jit3A_135 : f32
      %sub3A_137 = arith.constant 1.000000e+00 : f32
      %sub3A_138 = arith.subf %reduce_max3A_124, %sub3A_137 : f32
      %jit3A_139 = arith.constant 0.000000e+00 : f32
      %select_n3A_140 = arith.select %gt3A_128, %sub3A_138, %jit3A_139 : f32
      %eq3A_141 = arith.constant 0 : i32
      %eq3A_142 = vector.broadcast %eq3A_141 : i32 to vector<1x5xi32>
      %eq3A_143 = arith.cmpi eq, %iota3A, %eq3A_142 : vector<1x5xi32>
      %eq3A_144 = arith.constant 1 : i32
      %eq3A_145 = vector.broadcast %eq3A_144 : i32 to vector<1x5xi32>
      %eq3A_146 = arith.cmpi eq, %iota3A, %eq3A_145 : vector<1x5xi32>
      %eq3A_147 = arith.constant 2 : i32
      %eq3A_148 = vector.broadcast %eq3A_147 : i32 to vector<1x5xi32>
      %eq3A_149 = arith.cmpi eq, %iota3A, %eq3A_148 : vector<1x5xi32>
      %eq3A_150 = arith.constant 3 : i32
      %eq3A_151 = vector.broadcast %eq3A_150 : i32 to vector<1x5xi32>
      %eq3A_152 = arith.cmpi eq, %iota3A, %eq3A_151 : vector<1x5xi32>
      %broadcast_in_dim3A_153 = vector.broadcast %select_n3A_136 : f32 to vector<1x5xf32>
      %broadcast_in_dim3A_154 = vector.broadcast %select_n3A_140 : f32 to vector<1x5xf32>
      %select_n3A_155 = arith.select %eq3A_152, %broadcast_in_dim3A_153, %broadcast_in_dim3A_154 : vector<1x5xi1>, vector<1x5xf32>
      %broadcast_in_dim3A_156 = vector.broadcast %select_n3A_132 : f32 to vector<1x5xf32>
      %select_n3A_157 = arith.select %eq3A_149, %broadcast_in_dim3A_156, %select_n3A_155 : vector<1x5xi1>, vector<1x5xf32>
      %broadcast_in_dim3A_158 = vector.broadcast %select_n3A_130 : f32 to vector<1x5xf32>
      %select_n3A_159 = arith.select %eq3A_146, %broadcast_in_dim3A_158, %select_n3A_157 : vector<1x5xi1>, vector<1x5xf32>
      %jit3A_160 = arith.constant 0.000000e+00 : f32
      %broadcast_in_dim3A_161 = vector.broadcast %jit3A_160 : f32 to vector<1x5xf32>
      %select_n3A_162 = arith.select %eq3A_143, %broadcast_in_dim3A_161, %select_n3A_159 : vector<1x5xi1>, vector<1x5xf32>
      %swap3A = arith.constant 0 : index
      %swap3A_163 = arith.index_cast %scan3A_79 : i32 to index
      %swap3A_164 = arith.constant 0 : index
      %swap3A_165 = vector.load %arg6[%swap3A, %swap3A_163, %swap3A_164] : memref<2x300x5xf32, #tpu.memory_space<vmem>>, vector<1x1x5xf32>
      %swap3A_166 = vector.shape_cast %swap3A_165 : vector<1x1x5xf32> to vector<1x5xf32>
      %swap3A_167 = vector.shape_cast %select_n3A_162 : vector<1x5xf32> to vector<1x1x5xf32>
      tpu.vector_store %arg6[%swap3A, %swap3A_163, %swap3A_164], %swap3A_167 {strides = array<i32>} : memref<2x300x5xf32, #tpu.memory_space<vmem>>, vector<1x1x5xf32>,
      %min3A = vector.broadcast %reduce_max3A_116 : f32 to vector<96x128xf32>
      %min3A_168 = arith.minimumf %add3A_25, %min3A : vector<96x128xf32>
      %max3A = vector.broadcast %reduce_max3A_100 : f32 to vector<96x128xf32>
      %max3A_169 = arith.maximumf %get3A_3, %max3A : vector<96x128xf32>
      %sub3A_170 = arith.subf %min3A_168, %max3A_169 : vector<96x128xf32>
      %max3A_171 = arith.constant 0.000000e+00 : f32
      %max3A_172 = vector.broadcast %max3A_171 : f32 to vector<96x128xf32>
      %max3A_173 = arith.maximumf %max3A_172, %sub3A_170 : vector<96x128xf32>
      %min3A_174 = vector.broadcast %reduce_max3A_124 : f32 to vector<96x128xf32>
      %min3A_175 = arith.minimumf %add3A_41, %min3A_174 : vector<96x128xf32>
      %max3A_176 = vector.broadcast %reduce_max3A_108 : f32 to vector<96x128xf32>
      %max3A_177 = arith.maximumf %get3A_13, %max3A_176 : vector<96x128xf32>
      %sub3A_178 = arith.subf %min3A_175, %max3A_177 : vector<96x128xf32>
      %max3A_179 = arith.constant 0.000000e+00 : f32
      %max3A_180 = vector.broadcast %max3A_179 : f32 to vector<96x128xf32>
      %max3A_181 = arith.maximumf %max3A_180, %sub3A_178 : vector<96x128xf32>
      %mul3A_182 = arith.mulf %max3A_173, %max3A_181 : vector<96x128xf32>
      %add3A_183 = vector.broadcast %mul3A_127 : f32 to vector<96x128xf32>
      %add3A_184 = arith.addf %mul3A, %add3A_183 : vector<96x128xf32>
      %sub3A_185 = arith.subf %add3A_184, %mul3A_182 : vector<96x128xf32>
      %mul3A_186 = arith.constant 0.699999988 : f32
      %mul3A_187 = vector.broadcast %mul3A_186 : f32 to vector<96x128xf32>
      %mul3A_188 = arith.mulf %mul3A_187, %sub3A_185 : vector<96x128xf32>
      %gt3A_189 = arith.cmpf ogt, %mul3A_182, %mul3A_188 : vector<96x128xf32>
      %or3A = arith.ori %gt3A_189, %eq3A_92 : vector<96x128xi1>
      %jit3A_190 = arith.constant 0xFF800000 : f32
      %broadcast_in_dim3A_191 = vector.broadcast %jit3A_190 : f32 to vector<96x128xf32>
      %select_n3A_192 = arith.select %or3A, %broadcast_in_dim3A_191, %scan3A_80 : vector<96x128xi1>, vector<96x128xf32>
      %reduce_max3A_193 = vector.shape_cast %scan3A_81 : vector<96x128xf32> to vector<1x96x128xf32>
      %reduce_max3A_194 = arith.constant dense<0xFF800000> : vector<1xf32>
      %reduce_max3A_195 = vector.multi_reduction <maximumf>, %reduce_max3A_193, %reduce_max3A_194 [1, 2] : vector<1x96x128xf32> to vector<1xf32>
      %reduce_max3A_196 = vector.shape_cast %reduce_max3A_195 : vector<1xf32> to vector<1x1x1xf32>
      %reduce_max3A_197 = vector.extract %reduce_max3A_196[0, 0, 0] : f32 from vector<1x1x1xf32>
      %eq3A_198 = vector.broadcast %reduce_max3A_197 : f32 to vector<96x128xf32>
      %eq3A_199 = arith.cmpf oeq, %scan3A_81, %eq3A_198 : vector<96x128xf32>
      %jit3A_200 = arith.constant 0x7F800000 : f32
      %broadcast_in_dim3A_201 = vector.broadcast %jit3A_200 : f32 to vector<96x128xf32>
      %select_n3A_202 = arith.select %eq3A_199, %get3A_59, %broadcast_in_dim3A_201 : vector<96x128xi1>, vector<96x128xf32>
      %reduce_min3A_203 = vector.shape_cast %select_n3A_202 : vector<96x128xf32> to vector<1x96x128xf32>
      %reduce_min3A_204 = arith.constant dense<0x7F800000> : vector<1xf32>
      %reduce_min3A_205 = vector.multi_reduction <minimumf>, %reduce_min3A_203, %reduce_min3A_204 [1, 2] : vector<1x96x128xf32> to vector<1xf32>
      %reduce_min3A_206 = vector.shape_cast %reduce_min3A_205 : vector<1xf32> to vector<1x1x1xf32>
      %reduce_min3A_207 = vector.extract %reduce_min3A_206[0, 0, 0] : f32 from vector<1x1x1xf32>
      %eq3A_208 = vector.broadcast %reduce_min3A_207 : f32 to vector<96x128xf32>
      %eq3A_209 = arith.cmpf oeq, %get3A_59, %eq3A_208 : vector<96x128xf32>
      %jit3A_210 = arith.constant 0xFF800000 : f32
      %broadcast_in_dim3A_211 = vector.broadcast %jit3A_210 : f32 to vector<96x128xf32>
      %select_n3A_212 = arith.select %eq3A_209, %get3A_8, %broadcast_in_dim3A_211 : vector<96x128xi1>, vector<96x128xf32>
      %reduce_max3A_213 = vector.shape_cast %select_n3A_212 : vector<96x128xf32> to vector<1x96x128xf32>
      %reduce_max3A_214 = arith.constant dense<0xFF800000> : vector<1xf32>
      %reduce_max3A_215 = vector.multi_reduction <maximumf>, %reduce_max3A_213, %reduce_max3A_214 [1, 2] : vector<1x96x128xf32> to vector<1xf32>
      %reduce_max3A_216 = vector.shape_cast %reduce_max3A_215 : vector<1xf32> to vector<1x1x1xf32>
      %reduce_max3A_217 = vector.extract %reduce_max3A_216[0, 0, 0] : f32 from vector<1x1x1xf32>
      %jit3A_218 = arith.constant 0xFF800000 : f32
      %broadcast_in_dim3A_219 = vector.broadcast %jit3A_218 : f32 to vector<96x128xf32>
      %select_n3A_220 = arith.select %eq3A_209, %get3A_18, %broadcast_in_dim3A_219 : vector<96x128xi1>, vector<96x128xf32>
      %reduce_max3A_221 = vector.shape_cast %select_n3A_220 : vector<96x128xf32> to vector<1x96x128xf32>
      %reduce_max3A_222 = arith.constant dense<0xFF800000> : vector<1xf32>
      %reduce_max3A_223 = vector.multi_reduction <maximumf>, %reduce_max3A_221, %reduce_max3A_222 [1, 2] : vector<1x96x128xf32> to vector<1xf32>
      %reduce_max3A_224 = vector.shape_cast %reduce_max3A_223 : vector<1xf32> to vector<1x1x1xf32>
      %reduce_max3A_225 = vector.extract %reduce_max3A_224[0, 0, 0] : f32 from vector<1x1x1xf32>
      %jit3A_226 = arith.constant 0xFF800000 : f32
      %broadcast_in_dim3A_227 = vector.broadcast %jit3A_226 : f32 to vector<96x128xf32>
      %select_n3A_228 = arith.select %eq3A_209, %add3A_33, %broadcast_in_dim3A_227 : vector<96x128xi1>, vector<96x128xf32>
      %reduce_max3A_229 = vector.shape_cast %select_n3A_228 : vector<96x128xf32> to vector<1x96x128xf32>
      %reduce_max3A_230 = arith.constant dense<0xFF800000> : vector<1xf32>
      %reduce_max3A_231 = vector.multi_reduction <maximumf>, %reduce_max3A_229, %reduce_max3A_230 [1, 2] : vector<1x96x128xf32> to vector<1xf32>
      %reduce_max3A_232 = vector.shape_cast %reduce_max3A_231 : vector<1xf32> to vector<1x1x1xf32>
      %reduce_max3A_233 = vector.extract %reduce_max3A_232[0, 0, 0] : f32 from vector<1x1x1xf32>
      %jit3A_234 = arith.constant 0xFF800000 : f32
      %broadcast_in_dim3A_235 = vector.broadcast %jit3A_234 : f32 to vector<96x128xf32>
      %select_n3A_236 = arith.select %eq3A_209, %add3A_49, %broadcast_in_dim3A_235 : vector<96x128xi1>, vector<96x128xf32>
      %reduce_max3A_237 = vector.shape_cast %select_n3A_236 : vector<96x128xf32> to vector<1x96x128xf32>
      %reduce_max3A_238 = arith.constant dense<0xFF800000> : vector<1xf32>
      %reduce_max3A_239 = vector.multi_reduction <maximumf>, %reduce_max3A_237, %reduce_max3A_238 [1, 2] : vector<1x96x128xf32> to vector<1xf32>
      %reduce_max3A_240 = vector.shape_cast %reduce_max3A_239 : vector<1xf32> to vector<1x1x1xf32>
      %reduce_max3A_241 = vector.extract %reduce_max3A_240[0, 0, 0] : f32 from vector<1x1x1xf32>
      %sub3A_242 = arith.subf %reduce_max3A_233, %reduce_max3A_217 : f32
      %sub3A_243 = arith.subf %reduce_max3A_241, %reduce_max3A_225 : f32
      %mul3A_244 = arith.mulf %sub3A_242, %sub3A_243 : f32
      %gt3A_245 = arith.constant -1.000000e+08 : f32
      %gt3A_246 = arith.cmpf ogt, %reduce_max3A_197, %gt3A_245 : f32
      %jit3A_247 = arith.constant 0.000000e+00 : f32
      %select_n3A_248 = arith.select %gt3A_246, %reduce_max3A_217, %jit3A_247 : f32
      %jit3A_249 = arith.constant 0.000000e+00 : f32
      %select_n3A_250 = arith.select %gt3A_246, %reduce_max3A_225, %jit3A_249 : f32
      %sub3A_251 = arith.constant 1.000000e+00 : f32
      %sub3A_252 = arith.subf %reduce_max3A_233, %sub3A_251 : f32
      %jit3A_253 = arith.constant 0.000000e+00 : f32
      %select_n3A_254 = arith.select %gt3A_246, %sub3A_252, %jit3A_253 : f32
      %sub3A_255 = arith.constant 1.000000e+00 : f32
      %sub3A_256 = arith.subf %reduce_max3A_241, %sub3A_255 : f32
      %jit3A_257 = arith.constant 0.000000e+00 : f32
      %select_n3A_258 = arith.select %gt3A_246, %sub3A_256, %jit3A_257 : f32
      %eq3A_259 = arith.constant 0 : i32
      %eq3A_260 = vector.broadcast %eq3A_259 : i32 to vector<1x5xi32>
      %eq3A_261 = arith.cmpi eq, %iota3A, %eq3A_260 : vector<1x5xi32>
      %eq3A_262 = arith.constant 1 : i32
      %eq3A_263 = vector.broadcast %eq3A_262 : i32 to vector<1x5xi32>
      %eq3A_264 = arith.cmpi eq, %iota3A, %eq3A_263 : vector<1x5xi32>
      %eq3A_265 = arith.constant 2 : i32
      %eq3A_266 = vector.broadcast %eq3A_265 : i32 to vector<1x5xi32>
      %eq3A_267 = arith.cmpi eq, %iota3A, %eq3A_266 : vector<1x5xi32>
      %eq3A_268 = arith.constant 3 : i32
      %eq3A_269 = vector.broadcast %eq3A_268 : i32 to vector<1x5xi32>
      %eq3A_270 = arith.cmpi eq, %iota3A, %eq3A_269 : vector<1x5xi32>
      %broadcast_in_dim3A_271 = vector.broadcast %select_n3A_254 : f32 to vector<1x5xf32>
      %broadcast_in_dim3A_272 = vector.broadcast %select_n3A_258 : f32 to vector<1x5xf32>
      %select_n3A_273 = arith.select %eq3A_270, %broadcast_in_dim3A_271, %broadcast_in_dim3A_272 : vector<1x5xi1>, vector<1x5xf32>
      %broadcast_in_dim3A_274 = vector.broadcast %select_n3A_250 : f32 to vector<1x5xf32>
      %select_n3A_275 = arith.select %eq3A_267, %broadcast_in_dim3A_274, %select_n3A_273 : vector<1x5xi1>, vector<1x5xf32>
      %broadcast_in_dim3A_276 = vector.broadcast %select_n3A_248 : f32 to vector<1x5xf32>
      %select_n3A_277 = arith.select %eq3A_264, %broadcast_in_dim3A_276, %select_n3A_275 : vector<1x5xi1>, vector<1x5xf32>
      %jit3A_278 = arith.constant 1.000000e+00 : f32
      %broadcast_in_dim3A_279 = vector.broadcast %jit3A_278 : f32 to vector<1x5xf32>
      %select_n3A_280 = arith.select %eq3A_261, %broadcast_in_dim3A_279, %select_n3A_277 : vector<1x5xi1>, vector<1x5xf32>
      %swap3A_281 = arith.constant 1 : index
      %swap3A_282 = arith.index_cast %scan3A_79 : i32 to index
      %swap3A_283 = arith.constant 0 : index
      %swap3A_284 = vector.load %arg6[%swap3A_281, %swap3A_282, %swap3A_283] : memref<2x300x5xf32, #tpu.memory_space<vmem>>, vector<1x1x5xf32>
      %swap3A_285 = vector.shape_cast %swap3A_284 : vector<1x1x5xf32> to vector<1x5xf32>
      %swap3A_286 = vector.shape_cast %select_n3A_280 : vector<1x5xf32> to vector<1x1x5xf32>
      tpu.vector_store %arg6[%swap3A_281, %swap3A_282, %swap3A_283], %swap3A_286 {strides = array<i32>} : memref<2x300x5xf32, #tpu.memory_space<vmem>>, vector<1x1x5xf32>,
      %min3A_287 = vector.broadcast %reduce_max3A_233 : f32 to vector<96x128xf32>
      %min3A_288 = arith.minimumf %add3A_33, %min3A_287 : vector<96x128xf32>
      %max3A_289 = vector.broadcast %reduce_max3A_217 : f32 to vector<96x128xf32>
      %max3A_290 = arith.maximumf %get3A_8, %max3A_289 : vector<96x128xf32>
      %sub3A_291 = arith.subf %min3A_288, %max3A_290 : vector<96x128xf32>
      %max3A_292 = arith.constant 0.000000e+00 : f32
      %max3A_293 = vector.broadcast %max3A_292 : f32 to vector<96x128xf32>
      %max3A_294 = arith.maximumf %max3A_293, %sub3A_291 : vector<96x128xf32>
      %min3A_295 = vector.broadcast %reduce_max3A_241 : f32 to vector<96x128xf32>
      %min3A_296 = arith.minimumf %add3A_49, %min3A_295 : vector<96x128xf32>
      %max3A_297 = vector.broadcast %reduce_max3A_225 : f32 to vector<96x128xf32>
      %max3A_298 = arith.maximumf %get3A_18, %max3A_297 : vector<96x128xf32>
      %sub3A_299 = arith.subf %min3A_296, %max3A_298 : vector<96x128xf32>
      %max3A_300 = arith.constant 0.000000e+00 : f32
      %max3A_301 = vector.broadcast %max3A_300 : f32 to vector<96x128xf32>
      %max3A_302 = arith.maximumf %max3A_301, %sub3A_299 : vector<96x128xf32>
      %mul3A_303 = arith.mulf %max3A_294, %max3A_302 : vector<96x128xf32>
      %add3A_304 = vector.broadcast %mul3A_244 : f32 to vector<96x128xf32>
      %add3A_305 = arith.addf %mul3A_63, %add3A_304 : vector<96x128xf32>
      %sub3A_306 = arith.subf %add3A_305, %mul3A_303 : vector<96x128xf32>
      %mul3A_307 = arith.constant 0.699999988 : f32
      %mul3A_308 = vector.broadcast %mul3A_307 : f32 to vector<96x128xf32>
      %mul3A_309 = arith.mulf %mul3A_308, %sub3A_306 : vector<96x128xf32>
      %gt3A_310 = arith.cmpf ogt, %mul3A_303, %mul3A_309 : vector<96x128xf32>
      %or3A_311 = arith.ori %gt3A_310, %eq3A_209 : vector<96x128xi1>
      %jit3A_312 = arith.constant 0xFF800000 : f32
      %broadcast_in_dim3A_313 = vector.broadcast %jit3A_312 : f32 to vector<96x128xf32>
      %select_n3A_314 = arith.select %or3A_311, %broadcast_in_dim3A_313, %scan3A_81 : vector<96x128xi1>, vector<96x128xf32>
      scf.yield %select_n3A_192, %select_n3A_314 : vector<96x128xf32>, vector<96x128xf32>
    }
    %scan3A_78 = arith.constant 300 : i32
    return
  }
}

module attributes {stable_mosaic.version = 14 : i64} {
  func.func @_transform_kernel(%arg0: i32, %arg1: memref<2x4xf32, #tpu.memory_space<smem>>, %arg2: memref<1x18x128x128xf32, #tpu.memory_space<vmem>>, %arg3: memref<1x36x128x128xf32, #tpu.memory_space<vmem>>, %arg4: memref<1x1152x128xf32, #tpu.memory_space<vmem>>, %arg5: memref<1x1152x128xf32, #tpu.memory_space<vmem>>, %arg6: memref<1x1152x128xf32, #tpu.memory_space<vmem>>, %arg7: memref<1x1152x128xf32, #tpu.memory_space<vmem>>, %arg8: memref<1x1152x128xf32, #tpu.memory_space<vmem>>, %arg9: memref<1x1152x128xf32, #tpu.memory_space<vmem>>) attributes {dimension_semantics = [#tpu.dimension_semantics<arbitrary>], iteration_bounds = array<i64: 2>, scalar_prefetch = 0 : i64, scratch_operands = 0 : i64, tpu.core_type = #tpu.core_type<tc>, window_params = [{transform_indices = @transform_0, window_bounds = array<i64: 2, 4>}, {transform_indices = @transform_1, window_bounds = array<i64: 1, 18, 128, 128>}, {transform_indices = @transform_2, window_bounds = array<i64: 1, 36, 128, 128>}, {transform_indices = @transform_3, window_bounds = array<i64: 1, 1152, 128>}, {transform_indices = @transform_4, window_bounds = array<i64: 1, 1152, 128>}, {transform_indices = @transform_5, window_bounds = array<i64: 1, 1152, 128>}, {transform_indices = @transform_6, window_bounds = array<i64: 1, 1152, 128>}, {transform_indices = @transform_7, window_bounds = array<i64: 1, 1152, 128>}, {transform_indices = @transform_8, window_bounds = array<i64: 1, 1152, 128>}]} {
    %get3A = arith.index_cast %arg0 : i32 to index
    %get3A_0 = arith.constant 0 : index
    %get3A_1 = memref.load %arg1[%get3A, %get3A_0] : memref<2x4xf32, #tpu.memory_space<smem>>
    %get3A_2 = arith.index_cast %arg0 : i32 to index
    %get3A_3 = arith.constant 1 : index
    %get3A_4 = memref.load %arg1[%get3A_2, %get3A_3] : memref<2x4xf32, #tpu.memory_space<smem>>
    %get3A_5 = arith.index_cast %arg0 : i32 to index
    %get3A_6 = arith.constant 2 : index
    %get3A_7 = memref.load %arg1[%get3A_5, %get3A_6] : memref<2x4xf32, #tpu.memory_space<smem>>
    %get3A_8 = arith.index_cast %arg0 : i32 to index
    %get3A_9 = arith.constant 3 : index
    %get3A_10 = memref.load %arg1[%get3A_8, %get3A_9] : memref<2x4xf32, #tpu.memory_space<smem>>
    %iota3A = tpu.iota {dimensions = array<i32: 0>} : vector<128x128xi32>
    %convert_element_type3A = arith.sitofp %iota3A : vector<128x128xi32> to vector<128x128xf32>
    %mul3A = arith.constant 1.600000e+01 : f32
    %mul3A_11 = vector.broadcast %mul3A : f32 to vector<128x128xf32>
    %mul3A_12 = arith.mulf %convert_element_type3A, %mul3A_11 : vector<128x128xf32>
    %iota3A_13 = tpu.iota {dimensions = array<i32: 1>} : vector<128x128xi32>
    %convert_element_type3A_14 = arith.sitofp %iota3A_13 : vector<128x128xi32> to vector<128x128xf32>
    %mul3A_15 = arith.constant 1.600000e+01 : f32
    %mul3A_16 = vector.broadcast %mul3A_15 : f32 to vector<128x128xf32>
    %mul3A_17 = arith.mulf %convert_element_type3A_14, %mul3A_16 : vector<128x128xf32>
    %get3A_18 = arith.constant 0 : index
    %get3A_19 = arith.constant 0 : index
    %get3A_20 = arith.constant 0 : index
    %get3A_21 = arith.constant 0 : index
    %get3A_22 = vector.load %arg3[%get3A_18, %get3A_19, %get3A_20, %get3A_21] : memref<1x36x128x128xf32, #tpu.memory_space<vmem>>, vector<1x1x128x128xf32>
    %get3A_23 = vector.shape_cast %get3A_22 : vector<1x1x128x128xf32> to vector<128x128xf32>
    %get3A_24 = arith.constant 0 : index
    %get3A_25 = arith.constant 1 : index
    %get3A_26 = arith.constant 0 : index
    %get3A_27 = arith.constant 0 : index
    %get3A_28 = vector.load %arg3[%get3A_24, %get3A_25, %get3A_26, %get3A_27] : memref<1x36x128x128xf32, #tpu.memory_space<vmem>>, vector<1x1x128x128xf32>
    %get3A_29 = vector.shape_cast %get3A_28 : vector<1x1x128x128xf32> to vector<128x128xf32>
    %get3A_30 = arith.constant 0 : index
    %get3A_31 = arith.constant 2 : index
    %get3A_32 = arith.constant 0 : index
    %get3A_33 = arith.constant 0 : index
    %get3A_34 = vector.load %arg3[%get3A_30, %get3A_31, %get3A_32, %get3A_33] : memref<1x36x128x128xf32, #tpu.memory_space<vmem>>, vector<1x1x128x128xf32>
    %get3A_35 = vector.shape_cast %get3A_34 : vector<1x1x128x128xf32> to vector<128x128xf32>
    %get3A_36 = arith.constant 0 : index
    %get3A_37 = arith.constant 3 : index
    %get3A_38 = arith.constant 0 : index
    %get3A_39 = arith.constant 0 : index
    %get3A_40 = vector.load %arg3[%get3A_36, %get3A_37, %get3A_38, %get3A_39] : memref<1x36x128x128xf32, #tpu.memory_space<vmem>>, vector<1x1x128x128xf32>
    %get3A_41 = vector.shape_cast %get3A_40 : vector<1x1x128x128xf32> to vector<128x128xf32>
    %get3A_42 = arith.constant 0 : index
    %get3A_43 = arith.constant 9 : index
    %get3A_44 = arith.constant 0 : index
    %get3A_45 = arith.constant 0 : index
    %get3A_46 = vector.load %arg2[%get3A_42, %get3A_43, %get3A_44, %get3A_45] : memref<1x18x128x128xf32, #tpu.memory_space<vmem>>, vector<1x1x128x128xf32>
    %get3A_47 = vector.shape_cast %get3A_46 : vector<1x1x128x128xf32> to vector<128x128xf32>
    %mul3A_48 = arith.constant 1.840000e+02 : f32
    %mul3A_49 = vector.broadcast %mul3A_48 : f32 to vector<128x128xf32>
    %mul3A_50 = arith.mulf %get3A_23, %mul3A_49 : vector<128x128xf32>
    %add3A = arith.constant 8.000000e+00 : f32
    %add3A_51 = vector.broadcast %add3A : f32 to vector<128x128xf32>
    %add3A_52 = arith.addf %mul3A_17, %add3A_51 : vector<128x128xf32>
    %add3A_53 = arith.addf %mul3A_50, %add3A_52 : vector<128x128xf32>
    %mul3A_54 = arith.constant 9.600000e+01 : f32
    %mul3A_55 = vector.broadcast %mul3A_54 : f32 to vector<128x128xf32>
    %mul3A_56 = arith.mulf %get3A_29, %mul3A_55 : vector<128x128xf32>
    %add3A_57 = arith.constant 8.000000e+00 : f32
    %add3A_58 = vector.broadcast %add3A_57 : f32 to vector<128x128xf32>
    %add3A_59 = arith.addf %mul3A_12, %add3A_58 : vector<128x128xf32>
    %add3A_60 = arith.addf %mul3A_56, %add3A_59 : vector<128x128xf32>
    %exp3A = math.exp %get3A_35 : vector<128x128xf32>
    %mul3A_61 = arith.constant 1.840000e+02 : f32
    %mul3A_62 = vector.broadcast %mul3A_61 : f32 to vector<128x128xf32>
    %mul3A_63 = arith.mulf %exp3A, %mul3A_62 : vector<128x128xf32>
    %exp3A_64 = math.exp %get3A_41 : vector<128x128xf32>
    %mul3A_65 = arith.constant 9.600000e+01 : f32
    %mul3A_66 = vector.broadcast %mul3A_65 : f32 to vector<128x128xf32>
    %mul3A_67 = arith.mulf %exp3A_64, %mul3A_66 : vector<128x128xf32>
    %mul3A_68 = arith.constant 5.000000e-01 : f32
    %mul3A_69 = vector.broadcast %mul3A_68 : f32 to vector<128x128xf32>
    %mul3A_70 = arith.mulf %mul3A_69, %mul3A_63 : vector<128x128xf32>
    %sub3A = arith.subf %add3A_53, %mul3A_70 : vector<128x128xf32>
    %max3A = arith.constant 0.000000e+00 : f32
    %max3A_71 = vector.broadcast %max3A : f32 to vector<128x128xf32>
    %max3A_72 = arith.maximumf %sub3A, %max3A_71 : vector<128x128xf32>
    %min3A = vector.broadcast %get3A_1 : f32 to vector<128x128xf32>
    %min3A_73 = arith.minimumf %max3A_72, %min3A : vector<128x128xf32>
    %mul3A_74 = arith.constant 5.000000e-01 : f32
    %mul3A_75 = vector.broadcast %mul3A_74 : f32 to vector<128x128xf32>
    %mul3A_76 = arith.mulf %mul3A_75, %mul3A_67 : vector<128x128xf32>
    %sub3A_77 = arith.subf %add3A_60, %mul3A_76 : vector<128x128xf32>
    %max3A_78 = arith.constant 0.000000e+00 : f32
    %max3A_79 = vector.broadcast %max3A_78 : f32 to vector<128x128xf32>
    %max3A_80 = arith.maximumf %sub3A_77, %max3A_79 : vector<128x128xf32>
    %min3A_81 = vector.broadcast %get3A_4 : f32 to vector<128x128xf32>
    %min3A_82 = arith.minimumf %max3A_80, %min3A_81 : vector<128x128xf32>
    %mul3A_83 = arith.constant 5.000000e-01 : f32
    %mul3A_84 = vector.broadcast %mul3A_83 : f32 to vector<128x128xf32>
    %mul3A_85 = arith.mulf %mul3A_84, %mul3A_63 : vector<128x128xf32>
    %add3A_86 = arith.addf %add3A_53, %mul3A_85 : vector<128x128xf32>
    %max3A_87 = arith.constant 0.000000e+00 : f32
    %max3A_88 = vector.broadcast %max3A_87 : f32 to vector<128x128xf32>
    %max3A_89 = arith.maximumf %add3A_86, %max3A_88 : vector<128x128xf32>
    %min3A_90 = vector.broadcast %get3A_1 : f32 to vector<128x128xf32>
    %min3A_91 = arith.minimumf %max3A_89, %min3A_90 : vector<128x128xf32>
    %mul3A_92 = arith.constant 5.000000e-01 : f32
    %mul3A_93 = vector.broadcast %mul3A_92 : f32 to vector<128x128xf32>
    %mul3A_94 = arith.mulf %mul3A_93, %mul3A_67 : vector<128x128xf32>
    %add3A_95 = arith.addf %add3A_60, %mul3A_94 : vector<128x128xf32>
    %max3A_96 = arith.constant 0.000000e+00 : f32
    %max3A_97 = vector.broadcast %max3A_96 : f32 to vector<128x128xf32>
    %max3A_98 = arith.maximumf %add3A_95, %max3A_97 : vector<128x128xf32>
    %min3A_99 = vector.broadcast %get3A_4 : f32 to vector<128x128xf32>
    %min3A_100 = arith.minimumf %max3A_98, %min3A_99 : vector<128x128xf32>
    %sub3A_101 = arith.subf %min3A_91, %min3A_73 : vector<128x128xf32>
    %sub3A_102 = arith.subf %min3A_100, %min3A_82 : vector<128x128xf32>
    %mul3A_103 = arith.mulf %sub3A_101, %sub3A_102 : vector<128x128xf32>
    %lt3A = vector.broadcast %get3A_7 : f32 to vector<128x128xf32>
    %lt3A_104 = arith.cmpf olt, %mul3A_103, %lt3A : vector<128x128xf32>
    %gt3A = vector.broadcast %get3A_10 : f32 to vector<128x128xf32>
    %gt3A_105 = arith.cmpf ogt, %mul3A_103, %gt3A : vector<128x128xf32>
    %or3A = arith.ori %lt3A_104, %gt3A_105 : vector<128x128xi1>
    %jit3A = arith.constant -1.000000e+00 : f32
    %broadcast_in_dim3A = vector.broadcast %jit3A : f32 to vector<128x128xf32>
    %select_n3A = arith.select %or3A, %broadcast_in_dim3A, %get3A_47 : vector<128x128xi1>, vector<128x128xf32>
    %swap3A = arith.constant 0 : index
    %swap3A_106 = arith.constant 0 : index
    %swap3A_107 = arith.constant 0 : index
    %swap3A_108 = vector.load %arg4[%swap3A, %swap3A_106, %swap3A_107] : memref<1x1152x128xf32, #tpu.memory_space<vmem>>, vector<1x128x128xf32>
    %swap3A_109 = vector.shape_cast %swap3A_108 : vector<1x128x128xf32> to vector<128x128xf32>
    %swap3A_110 = vector.shape_cast %select_n3A : vector<128x128xf32> to vector<1x128x128xf32>
    tpu.vector_store %arg4[%swap3A, %swap3A_106, %swap3A_107], %swap3A_110 {strides = array<i32>} : memref<1x1152x128xf32, #tpu.memory_space<vmem>>, vector<1x128x128xf32>,
    %swap3A_111 = arith.constant 0 : index
    %swap3A_112 = arith.constant 0 : index
    %swap3A_113 = arith.constant 0 : index
    %swap3A_114 = vector.load %arg5[%swap3A_111, %swap3A_112, %swap3A_113] : memref<1x1152x128xf32, #tpu.memory_space<vmem>>, vector<1x128x128xf32>
    %swap3A_115 = vector.shape_cast %swap3A_114 : vector<1x128x128xf32> to vector<128x128xf32>
    %swap3A_116 = vector.shape_cast %min3A_73 : vector<128x128xf32> to vector<1x128x128xf32>
    tpu.vector_store %arg5[%swap3A_111, %swap3A_112, %swap3A_113], %swap3A_116 {strides = array<i32>} : memref<1x1152x128xf32, #tpu.memory_space<vmem>>, vector<1x128x128xf32>,
    %swap3A_117 = arith.constant 0 : index
    %swap3A_118 = arith.constant 0 : index
    %swap3A_119 = arith.constant 0 : index
    %swap3A_120 = vector.load %arg6[%swap3A_117, %swap3A_118, %swap3A_119] : memref<1x1152x128xf32, #tpu.memory_space<vmem>>, vector<1x128x128xf32>
    %swap3A_121 = vector.shape_cast %swap3A_120 : vector<1x128x128xf32> to vector<128x128xf32>
    %swap3A_122 = vector.shape_cast %min3A_82 : vector<128x128xf32> to vector<1x128x128xf32>
    tpu.vector_store %arg6[%swap3A_117, %swap3A_118, %swap3A_119], %swap3A_122 {strides = array<i32>} : memref<1x1152x128xf32, #tpu.memory_space<vmem>>, vector<1x128x128xf32>,
    %swap3A_123 = arith.constant 0 : index
    %swap3A_124 = arith.constant 0 : index
    %swap3A_125 = arith.constant 0 : index
    %swap3A_126 = vector.load %arg7[%swap3A_123, %swap3A_124, %swap3A_125] : memref<1x1152x128xf32, #tpu.memory_space<vmem>>, vector<1x128x128xf32>
    %swap3A_127 = vector.shape_cast %swap3A_126 : vector<1x128x128xf32> to vector<128x128xf32>
    %swap3A_128 = vector.shape_cast %min3A_91 : vector<128x128xf32> to vector<1x128x128xf32>
    tpu.vector_store %arg7[%swap3A_123, %swap3A_124, %swap3A_125], %swap3A_128 {strides = array<i32>} : memref<1x1152x128xf32, #tpu.memory_space<vmem>>, vector<1x128x128xf32>,
    %swap3A_129 = arith.constant 0 : index
    %swap3A_130 = arith.constant 0 : index
    %swap3A_131 = arith.constant 0 : index
    %swap3A_132 = vector.load %arg8[%swap3A_129, %swap3A_130, %swap3A_131] : memref<1x1152x128xf32, #tpu.memory_space<vmem>>, vector<1x128x128xf32>
    %swap3A_133 = vector.shape_cast %swap3A_132 : vector<1x128x128xf32> to vector<128x128xf32>
    %swap3A_134 = vector.shape_cast %min3A_100 : vector<128x128xf32> to vector<1x128x128xf32>
    tpu.vector_store %arg8[%swap3A_129, %swap3A_130, %swap3A_131], %swap3A_134 {strides = array<i32>} : memref<1x1152x128xf32, #tpu.memory_space<vmem>>, vector<1x128x128xf32>,
    %get3A_135 = arith.constant 0 : index
    %get3A_136 = arith.constant 4 : index
    %get3A_137 = arith.constant 0 : index
    %get3A_138 = arith.constant 0 : index
    %get3A_139 = vector.load %arg3[%get3A_135, %get3A_136, %get3A_137, %get3A_138] : memref<1x36x128x128xf32, #tpu.memory_space<vmem>>, vector<1x1x128x128xf32>
    %get3A_140 = vector.shape_cast %get3A_139 : vector<1x1x128x128xf32> to vector<128x128xf32>
    %get3A_141 = arith.constant 0 : index
    %get3A_142 = arith.constant 5 : index
    %get3A_143 = arith.constant 0 : index
    %get3A_144 = arith.constant 0 : index
    %get3A_145 = vector.load %arg3[%get3A_141, %get3A_142, %get3A_143, %get3A_144] : memref<1x36x128x128xf32, #tpu.memory_space<vmem>>, vector<1x1x128x128xf32>
    %get3A_146 = vector.shape_cast %get3A_145 : vector<1x1x128x128xf32> to vector<128x128xf32>
    %get3A_147 = arith.constant 0 : index
    %get3A_148 = arith.constant 6 : index
    %get3A_149 = arith.constant 0 : index
    %get3A_150 = arith.constant 0 : index
    %get3A_151 = vector.load %arg3[%get3A_147, %get3A_148, %get3A_149, %get3A_150] : memref<1x36x128x128xf32, #tpu.memory_space<vmem>>, vector<1x1x128x128xf32>
    %get3A_152 = vector.shape_cast %get3A_151 : vector<1x1x128x128xf32> to vector<128x128xf32>
    %get3A_153 = arith.constant 0 : index
    %get3A_154 = arith.constant 7 : index
    %get3A_155 = arith.constant 0 : index
    %get3A_156 = arith.constant 0 : index
    %get3A_157 = vector.load %arg3[%get3A_153, %get3A_154, %get3A_155, %get3A_156] : memref<1x36x128x128xf32, #tpu.memory_space<vmem>>, vector<1x1x128x128xf32>
    %get3A_158 = vector.shape_cast %get3A_157 : vector<1x1x128x128xf32> to vector<128x128xf32>
    %get3A_159 = arith.constant 0 : index
    %get3A_160 = arith.constant 10 : index
    %get3A_161 = arith.constant 0 : index
    %get3A_162 = arith.constant 0 : index
    %get3A_163 = vector.load %arg2[%get3A_159, %get3A_160, %get3A_161, %get3A_162] : memref<1x18x128x128xf32, #tpu.memory_space<vmem>>, vector<1x1x128x128xf32>
    %get3A_164 = vector.shape_cast %get3A_163 : vector<1x1x128x128xf32> to vector<128x128xf32>
    %mul3A_165 = arith.constant 3.680000e+02 : f32
    %mul3A_166 = vector.broadcast %mul3A_165 : f32 to vector<128x128xf32>
    %mul3A_167 = arith.mulf %get3A_140, %mul3A_166 : vector<128x128xf32>
    %add3A_168 = arith.constant 8.000000e+00 : f32
    %add3A_169 = vector.broadcast %add3A_168 : f32 to vector<128x128xf32>
    %add3A_170 = arith.addf %mul3A_17, %add3A_169 : vector<128x128xf32>
    %add3A_171 = arith.addf %mul3A_167, %add3A_170 : vector<128x128xf32>
    %mul3A_172 = arith.constant 1.920000e+02 : f32
    %mul3A_173 = vector.broadcast %mul3A_172 : f32 to vector<128x128xf32>
    %mul3A_174 = arith.mulf %get3A_146, %mul3A_173 : vector<128x128xf32>
    %add3A_175 = arith.constant 8.000000e+00 : f32
    %add3A_176 = vector.broadcast %add3A_175 : f32 to vector<128x128xf32>
    %add3A_177 = arith.addf %mul3A_12, %add3A_176 : vector<128x128xf32>
    %add3A_178 = arith.addf %mul3A_174, %add3A_177 : vector<128x128xf32>
    %exp3A_179 = math.exp %get3A_152 : vector<128x128xf32>
    %mul3A_180 = arith.constant 3.680000e+02 : f32
    %mul3A_181 = vector.broadcast %mul3A_180 : f32 to vector<128x128xf32>
    %mul3A_182 = arith.mulf %exp3A_179, %mul3A_181 : vector<128x128xf32>
    %exp3A_183 = math.exp %get3A_158 : vector<128x128xf32>
    %mul3A_184 = arith.constant 1.920000e+02 : f32
    %mul3A_185 = vector.broadcast %mul3A_184 : f32 to vector<128x128xf32>
    %mul3A_186 = arith.mulf %exp3A_183, %mul3A_185 : vector<128x128xf32>
    %mul3A_187 = arith.constant 5.000000e-01 : f32
    %mul3A_188 = vector.broadcast %mul3A_187 : f32 to vector<128x128xf32>
    %mul3A_189 = arith.mulf %mul3A_188, %mul3A_182 : vector<128x128xf32>
    %sub3A_190 = arith.subf %add3A_171, %mul3A_189 : vector<128x128xf32>
    %max3A_191 = arith.constant 0.000000e+00 : f32
    %max3A_192 = vector.broadcast %max3A_191 : f32 to vector<128x128xf32>
    %max3A_193 = arith.maximumf %sub3A_190, %max3A_192 : vector<128x128xf32>
    %min3A_194 = vector.broadcast %get3A_1 : f32 to vector<128x128xf32>
    %min3A_195 = arith.minimumf %max3A_193, %min3A_194 : vector<128x128xf32>
    %mul3A_196 = arith.constant 5.000000e-01 : f32
    %mul3A_197 = vector.broadcast %mul3A_196 : f32 to vector<128x128xf32>
    %mul3A_198 = arith.mulf %mul3A_197, %mul3A_186 : vector<128x128xf32>
    %sub3A_199 = arith.subf %add3A_178, %mul3A_198 : vector<128x128xf32>
    %max3A_200 = arith.constant 0.000000e+00 : f32
    %max3A_201 = vector.broadcast %max3A_200 : f32 to vector<128x128xf32>
    %max3A_202 = arith.maximumf %sub3A_199, %max3A_201 : vector<128x128xf32>
    %min3A_203 = vector.broadcast %get3A_4 : f32 to vector<128x128xf32>
    %min3A_204 = arith.minimumf %max3A_202, %min3A_203 : vector<128x128xf32>
    %mul3A_205 = arith.constant 5.000000e-01 : f32
    %mul3A_206 = vector.broadcast %mul3A_205 : f32 to vector<128x128xf32>
    %mul3A_207 = arith.mulf %mul3A_206, %mul3A_182 : vector<128x128xf32>
    %add3A_208 = arith.addf %add3A_171, %mul3A_207 : vector<128x128xf32>
    %max3A_209 = arith.constant 0.000000e+00 : f32
    %max3A_210 = vector.broadcast %max3A_209 : f32 to vector<128x128xf32>
    %max3A_211 = arith.maximumf %add3A_208, %max3A_210 : vector<128x128xf32>
    %min3A_212 = vector.broadcast %get3A_1 : f32 to vector<128x128xf32>
    %min3A_213 = arith.minimumf %max3A_211, %min3A_212 : vector<128x128xf32>
    %mul3A_214 = arith.constant 5.000000e-01 : f32
    %mul3A_215 = vector.broadcast %mul3A_214 : f32 to vector<128x128xf32>
    %mul3A_216 = arith.mulf %mul3A_215, %mul3A_186 : vector<128x128xf32>
    %add3A_217 = arith.addf %add3A_178, %mul3A_216 : vector<128x128xf32>
    %max3A_218 = arith.constant 0.000000e+00 : f32
    %max3A_219 = vector.broadcast %max3A_218 : f32 to vector<128x128xf32>
    %max3A_220 = arith.maximumf %add3A_217, %max3A_219 : vector<128x128xf32>
    %min3A_221 = vector.broadcast %get3A_4 : f32 to vector<128x128xf32>
    %min3A_222 = arith.minimumf %max3A_220, %min3A_221 : vector<128x128xf32>
    %sub3A_223 = arith.subf %min3A_213, %min3A_195 : vector<128x128xf32>
    %sub3A_224 = arith.subf %min3A_222, %min3A_204 : vector<128x128xf32>
    %mul3A_225 = arith.mulf %sub3A_223, %sub3A_224 : vector<128x128xf32>
    %lt3A_226 = vector.broadcast %get3A_7 : f32 to vector<128x128xf32>
    %lt3A_227 = arith.cmpf olt, %mul3A_225, %lt3A_226 : vector<128x128xf32>
    %gt3A_228 = vector.broadcast %get3A_10 : f32 to vector<128x128xf32>
    %gt3A_229 = arith.cmpf ogt, %mul3A_225, %gt3A_228 : vector<128x128xf32>
    %or3A_230 = arith.ori %lt3A_227, %gt3A_229 : vector<128x128xi1>
    %jit3A_231 = arith.constant -1.000000e+00 : f32
    %broadcast_in_dim3A_232 = vector.broadcast %jit3A_231 : f32 to vector<128x128xf32>
    %select_n3A_233 = arith.select %or3A_230, %broadcast_in_dim3A_232, %get3A_164 : vector<128x128xi1>, vector<128x128xf32>
    %swap3A_234 = arith.constant 0 : index
    %swap3A_235 = arith.constant 128 : index
    %swap3A_236 = arith.constant 0 : index
    %swap3A_237 = vector.load %arg4[%swap3A_234, %swap3A_235, %swap3A_236] : memref<1x1152x128xf32, #tpu.memory_space<vmem>>, vector<1x128x128xf32>
    %swap3A_238 = vector.shape_cast %swap3A_237 : vector<1x128x128xf32> to vector<128x128xf32>
    %swap3A_239 = vector.shape_cast %select_n3A_233 : vector<128x128xf32> to vector<1x128x128xf32>
    tpu.vector_store %arg4[%swap3A_234, %swap3A_235, %swap3A_236], %swap3A_239 {strides = array<i32>} : memref<1x1152x128xf32, #tpu.memory_space<vmem>>, vector<1x128x128xf32>,
    %swap3A_240 = arith.constant 0 : index
    %swap3A_241 = arith.constant 128 : index
    %swap3A_242 = arith.constant 0 : index
    %swap3A_243 = vector.load %arg5[%swap3A_240, %swap3A_241, %swap3A_242] : memref<1x1152x128xf32, #tpu.memory_space<vmem>>, vector<1x128x128xf32>
    %swap3A_244 = vector.shape_cast %swap3A_243 : vector<1x128x128xf32> to vector<128x128xf32>
    %swap3A_245 = vector.shape_cast %min3A_195 : vector<128x128xf32> to vector<1x128x128xf32>
    tpu.vector_store %arg5[%swap3A_240, %swap3A_241, %swap3A_242], %swap3A_245 {strides = array<i32>} : memref<1x1152x128xf32, #tpu.memory_space<vmem>>, vector<1x128x128xf32>,
    %swap3A_246 = arith.constant 0 : index
    %swap3A_247 = arith.constant 128 : index
    %swap3A_248 = arith.constant 0 : index
    %swap3A_249 = vector.load %arg6[%swap3A_246, %swap3A_247, %swap3A_248] : memref<1x1152x128xf32, #tpu.memory_space<vmem>>, vector<1x128x128xf32>
    %swap3A_250 = vector.shape_cast %swap3A_249 : vector<1x128x128xf32> to vector<128x128xf32>
    %swap3A_251 = vector.shape_cast %min3A_204 : vector<128x128xf32> to vector<1x128x128xf32>
    tpu.vector_store %arg6[%swap3A_246, %swap3A_247, %swap3A_248], %swap3A_251 {strides = array<i32>} : memref<1x1152x128xf32, #tpu.memory_space<vmem>>, vector<1x128x128xf32>,
    %swap3A_252 = arith.constant 0 : index
    %swap3A_253 = arith.constant 128 : index
    %swap3A_254 = arith.constant 0 : index
    %swap3A_255 = vector.load %arg7[%swap3A_252, %swap3A_253, %swap3A_254] : memref<1x1152x128xf32, #tpu.memory_space<vmem>>, vector<1x128x128xf32>
    %swap3A_256 = vector.shape_cast %swap3A_255 : vector<1x128x128xf32> to vector<128x128xf32>
    %swap3A_257 = vector.shape_cast %min3A_213 : vector<128x128xf32> to vector<1x128x128xf32>
    tpu.vector_store %arg7[%swap3A_252, %swap3A_253, %swap3A_254], %swap3A_257 {strides = array<i32>} : memref<1x1152x128xf32, #tpu.memory_space<vmem>>, vector<1x128x128xf32>,
    %swap3A_258 = arith.constant 0 : index
    %swap3A_259 = arith.constant 128 : index
    %swap3A_260 = arith.constant 0 : index
    %swap3A_261 = vector.load %arg8[%swap3A_258, %swap3A_259, %swap3A_260] : memref<1x1152x128xf32, #tpu.memory_space<vmem>>, vector<1x128x128xf32>
    %swap3A_262 = vector.shape_cast %swap3A_261 : vector<1x128x128xf32> to vector<128x128xf32>
    %swap3A_263 = vector.shape_cast %min3A_222 : vector<128x128xf32> to vector<1x128x128xf32>
    tpu.vector_store %arg8[%swap3A_258, %swap3A_259, %swap3A_260], %swap3A_263 {strides = array<i32>} : memref<1x1152x128xf32, #tpu.memory_space<vmem>>, vector<1x128x128xf32>,
    %get3A_264 = arith.constant 0 : index
    %get3A_265 = arith.constant 8 : index
    %get3A_266 = arith.constant 0 : index
    %get3A_267 = arith.constant 0 : index
    %get3A_268 = vector.load %arg3[%get3A_264, %get3A_265, %get3A_266, %get3A_267] : memref<1x36x128x128xf32, #tpu.memory_space<vmem>>, vector<1x1x128x128xf32>
    %get3A_269 = vector.shape_cast %get3A_268 : vector<1x1x128x128xf32> to vector<128x128xf32>
    %get3A_270 = arith.constant 0 : index
    %get3A_271 = arith.constant 9 : index
    %get3A_272 = arith.constant 0 : index
    %get3A_273 = arith.constant 0 : index
    %get3A_274 = vector.load %arg3[%get3A_270, %get3A_271, %get3A_272, %get3A_273] : memref<1x36x128x128xf32, #tpu.memory_space<vmem>>, vector<1x1x128x128xf32>
    %get3A_275 = vector.shape_cast %get3A_274 : vector<1x1x128x128xf32> to vector<128x128xf32>
    %get3A_276 = arith.constant 0 : index
    %get3A_277 = arith.constant 10 : index
    %get3A_278 = arith.constant 0 : index
    %get3A_279 = arith.constant 0 : index
    %get3A_280 = vector.load %arg3[%get3A_276, %get3A_277, %get3A_278, %get3A_279] : memref<1x36x128x128xf32, #tpu.memory_space<vmem>>, vector<1x1x128x128xf32>
    %get3A_281 = vector.shape_cast %get3A_280 : vector<1x1x128x128xf32> to vector<128x128xf32>
    %get3A_282 = arith.constant 0 : index
    %get3A_283 = arith.constant 11 : index
    %get3A_284 = arith.constant 0 : index
    %get3A_285 = arith.constant 0 : index
    %get3A_286 = vector.load %arg3[%get3A_282, %get3A_283, %get3A_284, %get3A_285] : memref<1x36x128x128xf32, #tpu.memory_space<vmem>>, vector<1x1x128x128xf32>
    %get3A_287 = vector.shape_cast %get3A_286 : vector<1x1x128x128xf32> to vector<128x128xf32>
    %get3A_288 = arith.constant 0 : index
    %get3A_289 = arith.constant 11 : index
    %get3A_290 = arith.constant 0 : index
    %get3A_291 = arith.constant 0 : index
    %get3A_292 = vector.load %arg2[%get3A_288, %get3A_289, %get3A_290, %get3A_291] : memref<1x18x128x128xf32, #tpu.memory_space<vmem>>, vector<1x1x128x128xf32>
    %get3A_293 = vector.shape_cast %get3A_292 : vector<1x1x128x128xf32> to vector<128x128xf32>
    %mul3A_294 = arith.constant 7.360000e+02 : f32
    %mul3A_295 = vector.broadcast %mul3A_294 : f32 to vector<128x128xf32>
    %mul3A_296 = arith.mulf %get3A_269, %mul3A_295 : vector<128x128xf32>
    %add3A_297 = arith.constant 8.000000e+00 : f32
    %add3A_298 = vector.broadcast %add3A_297 : f32 to vector<128x128xf32>
    %add3A_299 = arith.addf %mul3A_17, %add3A_298 : vector<128x128xf32>
    %add3A_300 = arith.addf %mul3A_296, %add3A_299 : vector<128x128xf32>
    %mul3A_301 = arith.constant 3.840000e+02 : f32
    %mul3A_302 = vector.broadcast %mul3A_301 : f32 to vector<128x128xf32>
    %mul3A_303 = arith.mulf %get3A_275, %mul3A_302 : vector<128x128xf32>
    %add3A_304 = arith.constant 8.000000e+00 : f32
    %add3A_305 = vector.broadcast %add3A_304 : f32 to vector<128x128xf32>
    %add3A_306 = arith.addf %mul3A_12, %add3A_305 : vector<128x128xf32>
    %add3A_307 = arith.addf %mul3A_303, %add3A_306 : vector<128x128xf32>
    %exp3A_308 = math.exp %get3A_281 : vector<128x128xf32>
    %mul3A_309 = arith.constant 7.360000e+02 : f32
    %mul3A_310 = vector.broadcast %mul3A_309 : f32 to vector<128x128xf32>
    %mul3A_311 = arith.mulf %exp3A_308, %mul3A_310 : vector<128x128xf32>
    %exp3A_312 = math.exp %get3A_287 : vector<128x128xf32>
    %mul3A_313 = arith.constant 3.840000e+02 : f32
    %mul3A_314 = vector.broadcast %mul3A_313 : f32 to vector<128x128xf32>
    %mul3A_315 = arith.mulf %exp3A_312, %mul3A_314 : vector<128x128xf32>
    %mul3A_316 = arith.constant 5.000000e-01 : f32
    %mul3A_317 = vector.broadcast %mul3A_316 : f32 to vector<128x128xf32>
    %mul3A_318 = arith.mulf %mul3A_317, %mul3A_311 : vector<128x128xf32>
    %sub3A_319 = arith.subf %add3A_300, %mul3A_318 : vector<128x128xf32>
    %max3A_320 = arith.constant 0.000000e+00 : f32
    %max3A_321 = vector.broadcast %max3A_320 : f32 to vector<128x128xf32>
    %max3A_322 = arith.maximumf %sub3A_319, %max3A_321 : vector<128x128xf32>
    %min3A_323 = vector.broadcast %get3A_1 : f32 to vector<128x128xf32>
    %min3A_324 = arith.minimumf %max3A_322, %min3A_323 : vector<128x128xf32>
    %mul3A_325 = arith.constant 5.000000e-01 : f32
    %mul3A_326 = vector.broadcast %mul3A_325 : f32 to vector<128x128xf32>
    %mul3A_327 = arith.mulf %mul3A_326, %mul3A_315 : vector<128x128xf32>
    %sub3A_328 = arith.subf %add3A_307, %mul3A_327 : vector<128x128xf32>
    %max3A_329 = arith.constant 0.000000e+00 : f32
    %max3A_330 = vector.broadcast %max3A_329 : f32 to vector<128x128xf32>
    %max3A_331 = arith.maximumf %sub3A_328, %max3A_330 : vector<128x128xf32>
    %min3A_332 = vector.broadcast %get3A_4 : f32 to vector<128x128xf32>
    %min3A_333 = arith.minimumf %max3A_331, %min3A_332 : vector<128x128xf32>
    %mul3A_334 = arith.constant 5.000000e-01 : f32
    %mul3A_335 = vector.broadcast %mul3A_334 : f32 to vector<128x128xf32>
    %mul3A_336 = arith.mulf %mul3A_335, %mul3A_311 : vector<128x128xf32>
    %add3A_337 = arith.addf %add3A_300, %mul3A_336 : vector<128x128xf32>
    %max3A_338 = arith.constant 0.000000e+00 : f32
    %max3A_339 = vector.broadcast %max3A_338 : f32 to vector<128x128xf32>
    %max3A_340 = arith.maximumf %add3A_337, %max3A_339 : vector<128x128xf32>
    %min3A_341 = vector.broadcast %get3A_1 : f32 to vector<128x128xf32>
    %min3A_342 = arith.minimumf %max3A_340, %min3A_341 : vector<128x128xf32>
    %mul3A_343 = arith.constant 5.000000e-01 : f32
    %mul3A_344 = vector.broadcast %mul3A_343 : f32 to vector<128x128xf32>
    %mul3A_345 = arith.mulf %mul3A_344, %mul3A_315 : vector<128x128xf32>
    %add3A_346 = arith.addf %add3A_307, %mul3A_345 : vector<128x128xf32>
    %max3A_347 = arith.constant 0.000000e+00 : f32
    %max3A_348 = vector.broadcast %max3A_347 : f32 to vector<128x128xf32>
    %max3A_349 = arith.maximumf %add3A_346, %max3A_348 : vector<128x128xf32>
    %min3A_350 = vector.broadcast %get3A_4 : f32 to vector<128x128xf32>
    %min3A_351 = arith.minimumf %max3A_349, %min3A_350 : vector<128x128xf32>
    %sub3A_352 = arith.subf %min3A_342, %min3A_324 : vector<128x128xf32>
    %sub3A_353 = arith.subf %min3A_351, %min3A_333 : vector<128x128xf32>
    %mul3A_354 = arith.mulf %sub3A_352, %sub3A_353 : vector<128x128xf32>
    %lt3A_355 = vector.broadcast %get3A_7 : f32 to vector<128x128xf32>
    %lt3A_356 = arith.cmpf olt, %mul3A_354, %lt3A_355 : vector<128x128xf32>
    %gt3A_357 = vector.broadcast %get3A_10 : f32 to vector<128x128xf32>
    %gt3A_358 = arith.cmpf ogt, %mul3A_354, %gt3A_357 : vector<128x128xf32>
    %or3A_359 = arith.ori %lt3A_356, %gt3A_358 : vector<128x128xi1>
    %jit3A_360 = arith.constant -1.000000e+00 : f32
    %broadcast_in_dim3A_361 = vector.broadcast %jit3A_360 : f32 to vector<128x128xf32>
    %select_n3A_362 = arith.select %or3A_359, %broadcast_in_dim3A_361, %get3A_293 : vector<128x128xi1>, vector<128x128xf32>
    %swap3A_363 = arith.constant 0 : index
    %swap3A_364 = arith.constant 256 : index
    %swap3A_365 = arith.constant 0 : index
    %swap3A_366 = vector.load %arg4[%swap3A_363, %swap3A_364, %swap3A_365] : memref<1x1152x128xf32, #tpu.memory_space<vmem>>, vector<1x128x128xf32>
    %swap3A_367 = vector.shape_cast %swap3A_366 : vector<1x128x128xf32> to vector<128x128xf32>
    %swap3A_368 = vector.shape_cast %select_n3A_362 : vector<128x128xf32> to vector<1x128x128xf32>
    tpu.vector_store %arg4[%swap3A_363, %swap3A_364, %swap3A_365], %swap3A_368 {strides = array<i32>} : memref<1x1152x128xf32, #tpu.memory_space<vmem>>, vector<1x128x128xf32>,
    %swap3A_369 = arith.constant 0 : index
    %swap3A_370 = arith.constant 256 : index
    %swap3A_371 = arith.constant 0 : index
    %swap3A_372 = vector.load %arg5[%swap3A_369, %swap3A_370, %swap3A_371] : memref<1x1152x128xf32, #tpu.memory_space<vmem>>, vector<1x128x128xf32>
    %swap3A_373 = vector.shape_cast %swap3A_372 : vector<1x128x128xf32> to vector<128x128xf32>
    %swap3A_374 = vector.shape_cast %min3A_324 : vector<128x128xf32> to vector<1x128x128xf32>
    tpu.vector_store %arg5[%swap3A_369, %swap3A_370, %swap3A_371], %swap3A_374 {strides = array<i32>} : memref<1x1152x128xf32, #tpu.memory_space<vmem>>, vector<1x128x128xf32>,
    %swap3A_375 = arith.constant 0 : index
    %swap3A_376 = arith.constant 256 : index
    %swap3A_377 = arith.constant 0 : index
    %swap3A_378 = vector.load %arg6[%swap3A_375, %swap3A_376, %swap3A_377] : memref<1x1152x128xf32, #tpu.memory_space<vmem>>, vector<1x128x128xf32>
    %swap3A_379 = vector.shape_cast %swap3A_378 : vector<1x128x128xf32> to vector<128x128xf32>
    %swap3A_380 = vector.shape_cast %min3A_333 : vector<128x128xf32> to vector<1x128x128xf32>
    tpu.vector_store %arg6[%swap3A_375, %swap3A_376, %swap3A_377], %swap3A_380 {strides = array<i32>} : memref<1x1152x128xf32, #tpu.memory_space<vmem>>, vector<1x128x128xf32>,
    %swap3A_381 = arith.constant 0 : index
    %swap3A_382 = arith.constant 256 : index
    %swap3A_383 = arith.constant 0 : index
    %swap3A_384 = vector.load %arg7[%swap3A_381, %swap3A_382, %swap3A_383] : memref<1x1152x128xf32, #tpu.memory_space<vmem>>, vector<1x128x128xf32>
    %swap3A_385 = vector.shape_cast %swap3A_384 : vector<1x128x128xf32> to vector<128x128xf32>
    %swap3A_386 = vector.shape_cast %min3A_342 : vector<128x128xf32> to vector<1x128x128xf32>
    tpu.vector_store %arg7[%swap3A_381, %swap3A_382, %swap3A_383], %swap3A_386 {strides = array<i32>} : memref<1x1152x128xf32, #tpu.memory_space<vmem>>, vector<1x128x128xf32>,
    %swap3A_387 = arith.constant 0 : index
    %swap3A_388 = arith.constant 256 : index
    %swap3A_389 = arith.constant 0 : index
    %swap3A_390 = vector.load %arg8[%swap3A_387, %swap3A_388, %swap3A_389] : memref<1x1152x128xf32, #tpu.memory_space<vmem>>, vector<1x128x128xf32>
    %swap3A_391 = vector.shape_cast %swap3A_390 : vector<1x128x128xf32> to vector<128x128xf32>
    %swap3A_392 = vector.shape_cast %min3A_351 : vector<128x128xf32> to vector<1x128x128xf32>
    tpu.vector_store %arg8[%swap3A_387, %swap3A_388, %swap3A_389], %swap3A_392 {strides = array<i32>} : memref<1x1152x128xf32, #tpu.memory_space<vmem>>, vector<1x128x128xf32>,
    %get3A_393 = arith.constant 0 : index
    %get3A_394 = arith.constant 12 : index
    %get3A_395 = arith.constant 0 : index
    %get3A_396 = arith.constant 0 : index
    %get3A_397 = vector.load %arg3[%get3A_393, %get3A_394, %get3A_395, %get3A_396] : memref<1x36x128x128xf32, #tpu.memory_space<vmem>>, vector<1x1x128x128xf32>
    %get3A_398 = vector.shape_cast %get3A_397 : vector<1x1x128x128xf32> to vector<128x128xf32>
    %get3A_399 = arith.constant 0 : index
    %get3A_400 = arith.constant 13 : index
    %get3A_401 = arith.constant 0 : index
    %get3A_402 = arith.constant 0 : index
    %get3A_403 = vector.load %arg3[%get3A_399, %get3A_400, %get3A_401, %get3A_402] : memref<1x36x128x128xf32, #tpu.memory_space<vmem>>, vector<1x1x128x128xf32>
    %get3A_404 = vector.shape_cast %get3A_403 : vector<1x1x128x128xf32> to vector<128x128xf32>
    %get3A_405 = arith.constant 0 : index
    %get3A_406 = arith.constant 14 : index
    %get3A_407 = arith.constant 0 : index
    %get3A_408 = arith.constant 0 : index
    %get3A_409 = vector.load %arg3[%get3A_405, %get3A_406, %get3A_407, %get3A_408] : memref<1x36x128x128xf32, #tpu.memory_space<vmem>>, vector<1x1x128x128xf32>
    %get3A_410 = vector.shape_cast %get3A_409 : vector<1x1x128x128xf32> to vector<128x128xf32>
    %get3A_411 = arith.constant 0 : index
    %get3A_412 = arith.constant 15 : index
    %get3A_413 = arith.constant 0 : index
    %get3A_414 = arith.constant 0 : index
    %get3A_415 = vector.load %arg3[%get3A_411, %get3A_412, %get3A_413, %get3A_414] : memref<1x36x128x128xf32, #tpu.memory_space<vmem>>, vector<1x1x128x128xf32>
    %get3A_416 = vector.shape_cast %get3A_415 : vector<1x1x128x128xf32> to vector<128x128xf32>
    %get3A_417 = arith.constant 0 : index
    %get3A_418 = arith.constant 12 : index
    %get3A_419 = arith.constant 0 : index
    %get3A_420 = arith.constant 0 : index
    %get3A_421 = vector.load %arg2[%get3A_417, %get3A_418, %get3A_419, %get3A_420] : memref<1x18x128x128xf32, #tpu.memory_space<vmem>>, vector<1x1x128x128xf32>
    %get3A_422 = vector.shape_cast %get3A_421 : vector<1x1x128x128xf32> to vector<128x128xf32>
    %mul3A_423 = arith.constant 1.280000e+02 : f32
    %mul3A_424 = vector.broadcast %mul3A_423 : f32 to vector<128x128xf32>
    %mul3A_425 = arith.mulf %get3A_398, %mul3A_424 : vector<128x128xf32>
    %add3A_426 = arith.constant 8.000000e+00 : f32
    %add3A_427 = vector.broadcast %add3A_426 : f32 to vector<128x128xf32>
    %add3A_428 = arith.addf %mul3A_17, %add3A_427 : vector<128x128xf32>
    %add3A_429 = arith.addf %mul3A_425, %add3A_428 : vector<128x128xf32>
    %mul3A_430 = arith.constant 1.280000e+02 : f32
    %mul3A_431 = vector.broadcast %mul3A_430 : f32 to vector<128x128xf32>
    %mul3A_432 = arith.mulf %get3A_404, %mul3A_431 : vector<128x128xf32>
    %add3A_433 = arith.constant 8.000000e+00 : f32
    %add3A_434 = vector.broadcast %add3A_433 : f32 to vector<128x128xf32>
    %add3A_435 = arith.addf %mul3A_12, %add3A_434 : vector<128x128xf32>
    %add3A_436 = arith.addf %mul3A_432, %add3A_435 : vector<128x128xf32>
    %exp3A_437 = math.exp %get3A_410 : vector<128x128xf32>
    %mul3A_438 = arith.constant 1.280000e+02 : f32
    %mul3A_439 = vector.broadcast %mul3A_438 : f32 to vector<128x128xf32>
    %mul3A_440 = arith.mulf %exp3A_437, %mul3A_439 : vector<128x128xf32>
    %exp3A_441 = math.exp %get3A_416 : vector<128x128xf32>
    %mul3A_442 = arith.constant 1.280000e+02 : f32
    %mul3A_443 = vector.broadcast %mul3A_442 : f32 to vector<128x128xf32>
    %mul3A_444 = arith.mulf %exp3A_441, %mul3A_443 : vector<128x128xf32>
    %mul3A_445 = arith.constant 5.000000e-01 : f32
    %mul3A_446 = vector.broadcast %mul3A_445 : f32 to vector<128x128xf32>
    %mul3A_447 = arith.mulf %mul3A_446, %mul3A_440 : vector<128x128xf32>
    %sub3A_448 = arith.subf %add3A_429, %mul3A_447 : vector<128x128xf32>
    %max3A_449 = arith.constant 0.000000e+00 : f32
    %max3A_450 = vector.broadcast %max3A_449 : f32 to vector<128x128xf32>
    %max3A_451 = arith.maximumf %sub3A_448, %max3A_450 : vector<128x128xf32>
    %min3A_452 = vector.broadcast %get3A_1 : f32 to vector<128x128xf32>
    %min3A_453 = arith.minimumf %max3A_451, %min3A_452 : vector<128x128xf32>
    %mul3A_454 = arith.constant 5.000000e-01 : f32
    %mul3A_455 = vector.broadcast %mul3A_454 : f32 to vector<128x128xf32>
    %mul3A_456 = arith.mulf %mul3A_455, %mul3A_444 : vector<128x128xf32>
    %sub3A_457 = arith.subf %add3A_436, %mul3A_456 : vector<128x128xf32>
    %max3A_458 = arith.constant 0.000000e+00 : f32
    %max3A_459 = vector.broadcast %max3A_458 : f32 to vector<128x128xf32>
    %max3A_460 = arith.maximumf %sub3A_457, %max3A_459 : vector<128x128xf32>
    %min3A_461 = vector.broadcast %get3A_4 : f32 to vector<128x128xf32>
    %min3A_462 = arith.minimumf %max3A_460, %min3A_461 : vector<128x128xf32>
    %mul3A_463 = arith.constant 5.000000e-01 : f32
    %mul3A_464 = vector.broadcast %mul3A_463 : f32 to vector<128x128xf32>
    %mul3A_465 = arith.mulf %mul3A_464, %mul3A_440 : vector<128x128xf32>
    %add3A_466 = arith.addf %add3A_429, %mul3A_465 : vector<128x128xf32>
    %max3A_467 = arith.constant 0.000000e+00 : f32
    %max3A_468 = vector.broadcast %max3A_467 : f32 to vector<128x128xf32>
    %max3A_469 = arith.maximumf %add3A_466, %max3A_468 : vector<128x128xf32>
    %min3A_470 = vector.broadcast %get3A_1 : f32 to vector<128x128xf32>
    %min3A_471 = arith.minimumf %max3A_469, %min3A_470 : vector<128x128xf32>
    %mul3A_472 = arith.constant 5.000000e-01 : f32
    %mul3A_473 = vector.broadcast %mul3A_472 : f32 to vector<128x128xf32>
    %mul3A_474 = arith.mulf %mul3A_473, %mul3A_444 : vector<128x128xf32>
    %add3A_475 = arith.addf %add3A_436, %mul3A_474 : vector<128x128xf32>
    %max3A_476 = arith.constant 0.000000e+00 : f32
    %max3A_477 = vector.broadcast %max3A_476 : f32 to vector<128x128xf32>
    %max3A_478 = arith.maximumf %add3A_475, %max3A_477 : vector<128x128xf32>
    %min3A_479 = vector.broadcast %get3A_4 : f32 to vector<128x128xf32>
    %min3A_480 = arith.minimumf %max3A_478, %min3A_479 : vector<128x128xf32>
    %sub3A_481 = arith.subf %min3A_471, %min3A_453 : vector<128x128xf32>
    %sub3A_482 = arith.subf %min3A_480, %min3A_462 : vector<128x128xf32>
    %mul3A_483 = arith.mulf %sub3A_481, %sub3A_482 : vector<128x128xf32>
    %lt3A_484 = vector.broadcast %get3A_7 : f32 to vector<128x128xf32>
    %lt3A_485 = arith.cmpf olt, %mul3A_483, %lt3A_484 : vector<128x128xf32>
    %gt3A_486 = vector.broadcast %get3A_10 : f32 to vector<128x128xf32>
    %gt3A_487 = arith.cmpf ogt, %mul3A_483, %gt3A_486 : vector<128x128xf32>
    %or3A_488 = arith.ori %lt3A_485, %gt3A_487 : vector<128x128xi1>
    %jit3A_489 = arith.constant -1.000000e+00 : f32
    %broadcast_in_dim3A_490 = vector.broadcast %jit3A_489 : f32 to vector<128x128xf32>
    %select_n3A_491 = arith.select %or3A_488, %broadcast_in_dim3A_490, %get3A_422 : vector<128x128xi1>, vector<128x128xf32>
    %swap3A_492 = arith.constant 0 : index
    %swap3A_493 = arith.constant 384 : index
    %swap3A_494 = arith.constant 0 : index
    %swap3A_495 = vector.load %arg4[%swap3A_492, %swap3A_493, %swap3A_494] : memref<1x1152x128xf32, #tpu.memory_space<vmem>>, vector<1x128x128xf32>
    %swap3A_496 = vector.shape_cast %swap3A_495 : vector<1x128x128xf32> to vector<128x128xf32>
    %swap3A_497 = vector.shape_cast %select_n3A_491 : vector<128x128xf32> to vector<1x128x128xf32>
    tpu.vector_store %arg4[%swap3A_492, %swap3A_493, %swap3A_494], %swap3A_497 {strides = array<i32>} : memref<1x1152x128xf32, #tpu.memory_space<vmem>>, vector<1x128x128xf32>,
    %swap3A_498 = arith.constant 0 : index
    %swap3A_499 = arith.constant 384 : index
    %swap3A_500 = arith.constant 0 : index
    %swap3A_501 = vector.load %arg5[%swap3A_498, %swap3A_499, %swap3A_500] : memref<1x1152x128xf32, #tpu.memory_space<vmem>>, vector<1x128x128xf32>
    %swap3A_502 = vector.shape_cast %swap3A_501 : vector<1x128x128xf32> to vector<128x128xf32>
    %swap3A_503 = vector.shape_cast %min3A_453 : vector<128x128xf32> to vector<1x128x128xf32>
    tpu.vector_store %arg5[%swap3A_498, %swap3A_499, %swap3A_500], %swap3A_503 {strides = array<i32>} : memref<1x1152x128xf32, #tpu.memory_space<vmem>>, vector<1x128x128xf32>,
    %swap3A_504 = arith.constant 0 : index
    %swap3A_505 = arith.constant 384 : index
    %swap3A_506 = arith.constant 0 : index
    %swap3A_507 = vector.load %arg6[%swap3A_504, %swap3A_505, %swap3A_506] : memref<1x1152x128xf32, #tpu.memory_space<vmem>>, vector<1x128x128xf32>
    %swap3A_508 = vector.shape_cast %swap3A_507 : vector<1x128x128xf32> to vector<128x128xf32>
    %swap3A_509 = vector.shape_cast %min3A_462 : vector<128x128xf32> to vector<1x128x128xf32>
    tpu.vector_store %arg6[%swap3A_504, %swap3A_505, %swap3A_506], %swap3A_509 {strides = array<i32>} : memref<1x1152x128xf32, #tpu.memory_space<vmem>>, vector<1x128x128xf32>,
    %swap3A_510 = arith.constant 0 : index
    %swap3A_511 = arith.constant 384 : index
    %swap3A_512 = arith.constant 0 : index
    %swap3A_513 = vector.load %arg7[%swap3A_510, %swap3A_511, %swap3A_512] : memref<1x1152x128xf32, #tpu.memory_space<vmem>>, vector<1x128x128xf32>
    %swap3A_514 = vector.shape_cast %swap3A_513 : vector<1x128x128xf32> to vector<128x128xf32>
    %swap3A_515 = vector.shape_cast %min3A_471 : vector<128x128xf32> to vector<1x128x128xf32>
    tpu.vector_store %arg7[%swap3A_510, %swap3A_511, %swap3A_512], %swap3A_515 {strides = array<i32>} : memref<1x1152x128xf32, #tpu.memory_space<vmem>>, vector<1x128x128xf32>,
    %swap3A_516 = arith.constant 0 : index
    %swap3A_517 = arith.constant 384 : index
    %swap3A_518 = arith.constant 0 : index
    %swap3A_519 = vector.load %arg8[%swap3A_516, %swap3A_517, %swap3A_518] : memref<1x1152x128xf32, #tpu.memory_space<vmem>>, vector<1x128x128xf32>
    %swap3A_520 = vector.shape_cast %swap3A_519 : vector<1x128x128xf32> to vector<128x128xf32>
    %swap3A_521 = vector.shape_cast %min3A_480 : vector<128x128xf32> to vector<1x128x128xf32>
    tpu.vector_store %arg8[%swap3A_516, %swap3A_517, %swap3A_518], %swap3A_521 {strides = array<i32>} : memref<1x1152x128xf32, #tpu.memory_space<vmem>>, vector<1x128x128xf32>,
    %get3A_522 = arith.constant 0 : index
    %get3A_523 = arith.constant 16 : index
    %get3A_524 = arith.constant 0 : index
    %get3A_525 = arith.constant 0 : index
    %get3A_526 = vector.load %arg3[%get3A_522, %get3A_523, %get3A_524, %get3A_525] : memref<1x36x128x128xf32, #tpu.memory_space<vmem>>, vector<1x1x128x128xf32>
    %get3A_527 = vector.shape_cast %get3A_526 : vector<1x1x128x128xf32> to vector<128x128xf32>
    %get3A_528 = arith.constant 0 : index
    %get3A_529 = arith.constant 17 : index
    %get3A_530 = arith.constant 0 : index
    %get3A_531 = arith.constant 0 : index
    %get3A_532 = vector.load %arg3[%get3A_528, %get3A_529, %get3A_530, %get3A_531] : memref<1x36x128x128xf32, #tpu.memory_space<vmem>>, vector<1x1x128x128xf32>
    %get3A_533 = vector.shape_cast %get3A_532 : vector<1x1x128x128xf32> to vector<128x128xf32>
    %get3A_534 = arith.constant 0 : index
    %get3A_535 = arith.constant 18 : index
    %get3A_536 = arith.constant 0 : index
    %get3A_537 = arith.constant 0 : index
    %get3A_538 = vector.load %arg3[%get3A_534, %get3A_535, %get3A_536, %get3A_537] : memref<1x36x128x128xf32, #tpu.memory_space<vmem>>, vector<1x1x128x128xf32>
    %get3A_539 = vector.shape_cast %get3A_538 : vector<1x1x128x128xf32> to vector<128x128xf32>
    %get3A_540 = arith.constant 0 : index
    %get3A_541 = arith.constant 19 : index
    %get3A_542 = arith.constant 0 : index
    %get3A_543 = arith.constant 0 : index
    %get3A_544 = vector.load %arg3[%get3A_540, %get3A_541, %get3A_542, %get3A_543] : memref<1x36x128x128xf32, #tpu.memory_space<vmem>>, vector<1x1x128x128xf32>
    %get3A_545 = vector.shape_cast %get3A_544 : vector<1x1x128x128xf32> to vector<128x128xf32>
    %get3A_546 = arith.constant 0 : index
    %get3A_547 = arith.constant 13 : index
    %get3A_548 = arith.constant 0 : index
    %get3A_549 = arith.constant 0 : index
    %get3A_550 = vector.load %arg2[%get3A_546, %get3A_547, %get3A_548, %get3A_549] : memref<1x18x128x128xf32, #tpu.memory_space<vmem>>, vector<1x1x128x128xf32>
    %get3A_551 = vector.shape_cast %get3A_550 : vector<1x1x128x128xf32> to vector<128x128xf32>
    %mul3A_552 = arith.constant 2.560000e+02 : f32
    %mul3A_553 = vector.broadcast %mul3A_552 : f32 to vector<128x128xf32>
    %mul3A_554 = arith.mulf %get3A_527, %mul3A_553 : vector<128x128xf32>
    %add3A_555 = arith.constant 8.000000e+00 : f32
    %add3A_556 = vector.broadcast %add3A_555 : f32 to vector<128x128xf32>
    %add3A_557 = arith.addf %mul3A_17, %add3A_556 : vector<128x128xf32>
    %add3A_558 = arith.addf %mul3A_554, %add3A_557 : vector<128x128xf32>
    %mul3A_559 = arith.constant 2.560000e+02 : f32
    %mul3A_560 = vector.broadcast %mul3A_559 : f32 to vector<128x128xf32>
    %mul3A_561 = arith.mulf %get3A_533, %mul3A_560 : vector<128x128xf32>
    %add3A_562 = arith.constant 8.000000e+00 : f32
    %add3A_563 = vector.broadcast %add3A_562 : f32 to vector<128x128xf32>
    %add3A_564 = arith.addf %mul3A_12, %add3A_563 : vector<128x128xf32>
    %add3A_565 = arith.addf %mul3A_561, %add3A_564 : vector<128x128xf32>
    %exp3A_566 = math.exp %get3A_539 : vector<128x128xf32>
    %mul3A_567 = arith.constant 2.560000e+02 : f32
    %mul3A_568 = vector.broadcast %mul3A_567 : f32 to vector<128x128xf32>
    %mul3A_569 = arith.mulf %exp3A_566, %mul3A_568 : vector<128x128xf32>
    %exp3A_570 = math.exp %get3A_545 : vector<128x128xf32>
    %mul3A_571 = arith.constant 2.560000e+02 : f32
    %mul3A_572 = vector.broadcast %mul3A_571 : f32 to vector<128x128xf32>
    %mul3A_573 = arith.mulf %exp3A_570, %mul3A_572 : vector<128x128xf32>
    %mul3A_574 = arith.constant 5.000000e-01 : f32
    %mul3A_575 = vector.broadcast %mul3A_574 : f32 to vector<128x128xf32>
    %mul3A_576 = arith.mulf %mul3A_575, %mul3A_569 : vector<128x128xf32>
    %sub3A_577 = arith.subf %add3A_558, %mul3A_576 : vector<128x128xf32>
    %max3A_578 = arith.constant 0.000000e+00 : f32
    %max3A_579 = vector.broadcast %max3A_578 : f32 to vector<128x128xf32>
    %max3A_580 = arith.maximumf %sub3A_577, %max3A_579 : vector<128x128xf32>
    %min3A_581 = vector.broadcast %get3A_1 : f32 to vector<128x128xf32>
    %min3A_582 = arith.minimumf %max3A_580, %min3A_581 : vector<128x128xf32>
    %mul3A_583 = arith.constant 5.000000e-01 : f32
    %mul3A_584 = vector.broadcast %mul3A_583 : f32 to vector<128x128xf32>
    %mul3A_585 = arith.mulf %mul3A_584, %mul3A_573 : vector<128x128xf32>
    %sub3A_586 = arith.subf %add3A_565, %mul3A_585 : vector<128x128xf32>
    %max3A_587 = arith.constant 0.000000e+00 : f32
    %max3A_588 = vector.broadcast %max3A_587 : f32 to vector<128x128xf32>
    %max3A_589 = arith.maximumf %sub3A_586, %max3A_588 : vector<128x128xf32>
    %min3A_590 = vector.broadcast %get3A_4 : f32 to vector<128x128xf32>
    %min3A_591 = arith.minimumf %max3A_589, %min3A_590 : vector<128x128xf32>
    %mul3A_592 = arith.constant 5.000000e-01 : f32
    %mul3A_593 = vector.broadcast %mul3A_592 : f32 to vector<128x128xf32>
    %mul3A_594 = arith.mulf %mul3A_593, %mul3A_569 : vector<128x128xf32>
    %add3A_595 = arith.addf %add3A_558, %mul3A_594 : vector<128x128xf32>
    %max3A_596 = arith.constant 0.000000e+00 : f32
    %max3A_597 = vector.broadcast %max3A_596 : f32 to vector<128x128xf32>
    %max3A_598 = arith.maximumf %add3A_595, %max3A_597 : vector<128x128xf32>
    %min3A_599 = vector.broadcast %get3A_1 : f32 to vector<128x128xf32>
    %min3A_600 = arith.minimumf %max3A_598, %min3A_599 : vector<128x128xf32>
    %mul3A_601 = arith.constant 5.000000e-01 : f32
    %mul3A_602 = vector.broadcast %mul3A_601 : f32 to vector<128x128xf32>
    %mul3A_603 = arith.mulf %mul3A_602, %mul3A_573 : vector<128x128xf32>
    %add3A_604 = arith.addf %add3A_565, %mul3A_603 : vector<128x128xf32>
    %max3A_605 = arith.constant 0.000000e+00 : f32
    %max3A_606 = vector.broadcast %max3A_605 : f32 to vector<128x128xf32>
    %max3A_607 = arith.maximumf %add3A_604, %max3A_606 : vector<128x128xf32>
    %min3A_608 = vector.broadcast %get3A_4 : f32 to vector<128x128xf32>
    %min3A_609 = arith.minimumf %max3A_607, %min3A_608 : vector<128x128xf32>
    %sub3A_610 = arith.subf %min3A_600, %min3A_582 : vector<128x128xf32>
    %sub3A_611 = arith.subf %min3A_609, %min3A_591 : vector<128x128xf32>
    %mul3A_612 = arith.mulf %sub3A_610, %sub3A_611 : vector<128x128xf32>
    %lt3A_613 = vector.broadcast %get3A_7 : f32 to vector<128x128xf32>
    %lt3A_614 = arith.cmpf olt, %mul3A_612, %lt3A_613 : vector<128x128xf32>
    %gt3A_615 = vector.broadcast %get3A_10 : f32 to vector<128x128xf32>
    %gt3A_616 = arith.cmpf ogt, %mul3A_612, %gt3A_615 : vector<128x128xf32>
    %or3A_617 = arith.ori %lt3A_614, %gt3A_616 : vector<128x128xi1>
    %jit3A_618 = arith.constant -1.000000e+00 : f32
    %broadcast_in_dim3A_619 = vector.broadcast %jit3A_618 : f32 to vector<128x128xf32>
    %select_n3A_620 = arith.select %or3A_617, %broadcast_in_dim3A_619, %get3A_551 : vector<128x128xi1>, vector<128x128xf32>
    %swap3A_621 = arith.constant 0 : index
    %swap3A_622 = arith.constant 512 : index
    %swap3A_623 = arith.constant 0 : index
    %swap3A_624 = vector.load %arg4[%swap3A_621, %swap3A_622, %swap3A_623] : memref<1x1152x128xf32, #tpu.memory_space<vmem>>, vector<1x128x128xf32>
    %swap3A_625 = vector.shape_cast %swap3A_624 : vector<1x128x128xf32> to vector<128x128xf32>
    %swap3A_626 = vector.shape_cast %select_n3A_620 : vector<128x128xf32> to vector<1x128x128xf32>
    tpu.vector_store %arg4[%swap3A_621, %swap3A_622, %swap3A_623], %swap3A_626 {strides = array<i32>} : memref<1x1152x128xf32, #tpu.memory_space<vmem>>, vector<1x128x128xf32>,
    %swap3A_627 = arith.constant 0 : index
    %swap3A_628 = arith.constant 512 : index
    %swap3A_629 = arith.constant 0 : index
    %swap3A_630 = vector.load %arg5[%swap3A_627, %swap3A_628, %swap3A_629] : memref<1x1152x128xf32, #tpu.memory_space<vmem>>, vector<1x128x128xf32>
    %swap3A_631 = vector.shape_cast %swap3A_630 : vector<1x128x128xf32> to vector<128x128xf32>
    %swap3A_632 = vector.shape_cast %min3A_582 : vector<128x128xf32> to vector<1x128x128xf32>
    tpu.vector_store %arg5[%swap3A_627, %swap3A_628, %swap3A_629], %swap3A_632 {strides = array<i32>} : memref<1x1152x128xf32, #tpu.memory_space<vmem>>, vector<1x128x128xf32>,
    %swap3A_633 = arith.constant 0 : index
    %swap3A_634 = arith.constant 512 : index
    %swap3A_635 = arith.constant 0 : index
    %swap3A_636 = vector.load %arg6[%swap3A_633, %swap3A_634, %swap3A_635] : memref<1x1152x128xf32, #tpu.memory_space<vmem>>, vector<1x128x128xf32>
    %swap3A_637 = vector.shape_cast %swap3A_636 : vector<1x128x128xf32> to vector<128x128xf32>
    %swap3A_638 = vector.shape_cast %min3A_591 : vector<128x128xf32> to vector<1x128x128xf32>
    tpu.vector_store %arg6[%swap3A_633, %swap3A_634, %swap3A_635], %swap3A_638 {strides = array<i32>} : memref<1x1152x128xf32, #tpu.memory_space<vmem>>, vector<1x128x128xf32>,
    %swap3A_639 = arith.constant 0 : index
    %swap3A_640 = arith.constant 512 : index
    %swap3A_641 = arith.constant 0 : index
    %swap3A_642 = vector.load %arg7[%swap3A_639, %swap3A_640, %swap3A_641] : memref<1x1152x128xf32, #tpu.memory_space<vmem>>, vector<1x128x128xf32>
    %swap3A_643 = vector.shape_cast %swap3A_642 : vector<1x128x128xf32> to vector<128x128xf32>
    %swap3A_644 = vector.shape_cast %min3A_600 : vector<128x128xf32> to vector<1x128x128xf32>
    tpu.vector_store %arg7[%swap3A_639, %swap3A_640, %swap3A_641], %swap3A_644 {strides = array<i32>} : memref<1x1152x128xf32, #tpu.memory_space<vmem>>, vector<1x128x128xf32>,
    %swap3A_645 = arith.constant 0 : index
    %swap3A_646 = arith.constant 512 : index
    %swap3A_647 = arith.constant 0 : index
    %swap3A_648 = vector.load %arg8[%swap3A_645, %swap3A_646, %swap3A_647] : memref<1x1152x128xf32, #tpu.memory_space<vmem>>, vector<1x128x128xf32>
    %swap3A_649 = vector.shape_cast %swap3A_648 : vector<1x128x128xf32> to vector<128x128xf32>
    %swap3A_650 = vector.shape_cast %min3A_609 : vector<128x128xf32> to vector<1x128x128xf32>
    tpu.vector_store %arg8[%swap3A_645, %swap3A_646, %swap3A_647], %swap3A_650 {strides = array<i32>} : memref<1x1152x128xf32, #tpu.memory_space<vmem>>, vector<1x128x128xf32>,
    %get3A_651 = arith.constant 0 : index
    %get3A_652 = arith.constant 20 : index
    %get3A_653 = arith.constant 0 : index
    %get3A_654 = arith.constant 0 : index
    %get3A_655 = vector.load %arg3[%get3A_651, %get3A_652, %get3A_653, %get3A_654] : memref<1x36x128x128xf32, #tpu.memory_space<vmem>>, vector<1x1x128x128xf32>
    %get3A_656 = vector.shape_cast %get3A_655 : vector<1x1x128x128xf32> to vector<128x128xf32>
    %get3A_657 = arith.constant 0 : index
    %get3A_658 = arith.constant 21 : index
    %get3A_659 = arith.constant 0 : index
    %get3A_660 = arith.constant 0 : index
    %get3A_661 = vector.load %arg3[%get3A_657, %get3A_658, %get3A_659, %get3A_660] : memref<1x36x128x128xf32, #tpu.memory_space<vmem>>, vector<1x1x128x128xf32>
    %get3A_662 = vector.shape_cast %get3A_661 : vector<1x1x128x128xf32> to vector<128x128xf32>
    %get3A_663 = arith.constant 0 : index
    %get3A_664 = arith.constant 22 : index
    %get3A_665 = arith.constant 0 : index
    %get3A_666 = arith.constant 0 : index
    %get3A_667 = vector.load %arg3[%get3A_663, %get3A_664, %get3A_665, %get3A_666] : memref<1x36x128x128xf32, #tpu.memory_space<vmem>>, vector<1x1x128x128xf32>
    %get3A_668 = vector.shape_cast %get3A_667 : vector<1x1x128x128xf32> to vector<128x128xf32>
    %get3A_669 = arith.constant 0 : index
    %get3A_670 = arith.constant 23 : index
    %get3A_671 = arith.constant 0 : index
    %get3A_672 = arith.constant 0 : index
    %get3A_673 = vector.load %arg3[%get3A_669, %get3A_670, %get3A_671, %get3A_672] : memref<1x36x128x128xf32, #tpu.memory_space<vmem>>, vector<1x1x128x128xf32>
    %get3A_674 = vector.shape_cast %get3A_673 : vector<1x1x128x128xf32> to vector<128x128xf32>
    %get3A_675 = arith.constant 0 : index
    %get3A_676 = arith.constant 14 : index
    %get3A_677 = arith.constant 0 : index
    %get3A_678 = arith.constant 0 : index
    %get3A_679 = vector.load %arg2[%get3A_675, %get3A_676, %get3A_677, %get3A_678] : memref<1x18x128x128xf32, #tpu.memory_space<vmem>>, vector<1x1x128x128xf32>
    %get3A_680 = vector.shape_cast %get3A_679 : vector<1x1x128x128xf32> to vector<128x128xf32>
    %mul3A_681 = arith.constant 5.120000e+02 : f32
    %mul3A_682 = vector.broadcast %mul3A_681 : f32 to vector<128x128xf32>
    %mul3A_683 = arith.mulf %get3A_656, %mul3A_682 : vector<128x128xf32>
    %add3A_684 = arith.constant 8.000000e+00 : f32
    %add3A_685 = vector.broadcast %add3A_684 : f32 to vector<128x128xf32>
    %add3A_686 = arith.addf %mul3A_17, %add3A_685 : vector<128x128xf32>
    %add3A_687 = arith.addf %mul3A_683, %add3A_686 : vector<128x128xf32>
    %mul3A_688 = arith.constant 5.120000e+02 : f32
    %mul3A_689 = vector.broadcast %mul3A_688 : f32 to vector<128x128xf32>
    %mul3A_690 = arith.mulf %get3A_662, %mul3A_689 : vector<128x128xf32>
    %add3A_691 = arith.constant 8.000000e+00 : f32
    %add3A_692 = vector.broadcast %add3A_691 : f32 to vector<128x128xf32>
    %add3A_693 = arith.addf %mul3A_12, %add3A_692 : vector<128x128xf32>
    %add3A_694 = arith.addf %mul3A_690, %add3A_693 : vector<128x128xf32>
    %exp3A_695 = math.exp %get3A_668 : vector<128x128xf32>
    %mul3A_696 = arith.constant 5.120000e+02 : f32
    %mul3A_697 = vector.broadcast %mul3A_696 : f32 to vector<128x128xf32>
    %mul3A_698 = arith.mulf %exp3A_695, %mul3A_697 : vector<128x128xf32>
    %exp3A_699 = math.exp %get3A_674 : vector<128x128xf32>
    %mul3A_700 = arith.constant 5.120000e+02 : f32
    %mul3A_701 = vector.broadcast %mul3A_700 : f32 to vector<128x128xf32>
    %mul3A_702 = arith.mulf %exp3A_699, %mul3A_701 : vector<128x128xf32>
    %mul3A_703 = arith.constant 5.000000e-01 : f32
    %mul3A_704 = vector.broadcast %mul3A_703 : f32 to vector<128x128xf32>
    %mul3A_705 = arith.mulf %mul3A_704, %mul3A_698 : vector<128x128xf32>
    %sub3A_706 = arith.subf %add3A_687, %mul3A_705 : vector<128x128xf32>
    %max3A_707 = arith.constant 0.000000e+00 : f32
    %max3A_708 = vector.broadcast %max3A_707 : f32 to vector<128x128xf32>
    %max3A_709 = arith.maximumf %sub3A_706, %max3A_708 : vector<128x128xf32>
    %min3A_710 = vector.broadcast %get3A_1 : f32 to vector<128x128xf32>
    %min3A_711 = arith.minimumf %max3A_709, %min3A_710 : vector<128x128xf32>
    %mul3A_712 = arith.constant 5.000000e-01 : f32
    %mul3A_713 = vector.broadcast %mul3A_712 : f32 to vector<128x128xf32>
    %mul3A_714 = arith.mulf %mul3A_713, %mul3A_702 : vector<128x128xf32>
    %sub3A_715 = arith.subf %add3A_694, %mul3A_714 : vector<128x128xf32>
    %max3A_716 = arith.constant 0.000000e+00 : f32
    %max3A_717 = vector.broadcast %max3A_716 : f32 to vector<128x128xf32>
    %max3A_718 = arith.maximumf %sub3A_715, %max3A_717 : vector<128x128xf32>
    %min3A_719 = vector.broadcast %get3A_4 : f32 to vector<128x128xf32>
    %min3A_720 = arith.minimumf %max3A_718, %min3A_719 : vector<128x128xf32>
    %mul3A_721 = arith.constant 5.000000e-01 : f32
    %mul3A_722 = vector.broadcast %mul3A_721 : f32 to vector<128x128xf32>
    %mul3A_723 = arith.mulf %mul3A_722, %mul3A_698 : vector<128x128xf32>
    %add3A_724 = arith.addf %add3A_687, %mul3A_723 : vector<128x128xf32>
    %max3A_725 = arith.constant 0.000000e+00 : f32
    %max3A_726 = vector.broadcast %max3A_725 : f32 to vector<128x128xf32>
    %max3A_727 = arith.maximumf %add3A_724, %max3A_726 : vector<128x128xf32>
    %min3A_728 = vector.broadcast %get3A_1 : f32 to vector<128x128xf32>
    %min3A_729 = arith.minimumf %max3A_727, %min3A_728 : vector<128x128xf32>
    %mul3A_730 = arith.constant 5.000000e-01 : f32
    %mul3A_731 = vector.broadcast %mul3A_730 : f32 to vector<128x128xf32>
    %mul3A_732 = arith.mulf %mul3A_731, %mul3A_702 : vector<128x128xf32>
    %add3A_733 = arith.addf %add3A_694, %mul3A_732 : vector<128x128xf32>
    %max3A_734 = arith.constant 0.000000e+00 : f32
    %max3A_735 = vector.broadcast %max3A_734 : f32 to vector<128x128xf32>
    %max3A_736 = arith.maximumf %add3A_733, %max3A_735 : vector<128x128xf32>
    %min3A_737 = vector.broadcast %get3A_4 : f32 to vector<128x128xf32>
    %min3A_738 = arith.minimumf %max3A_736, %min3A_737 : vector<128x128xf32>
    %sub3A_739 = arith.subf %min3A_729, %min3A_711 : vector<128x128xf32>
    %sub3A_740 = arith.subf %min3A_738, %min3A_720 : vector<128x128xf32>
    %mul3A_741 = arith.mulf %sub3A_739, %sub3A_740 : vector<128x128xf32>
    %lt3A_742 = vector.broadcast %get3A_7 : f32 to vector<128x128xf32>
    %lt3A_743 = arith.cmpf olt, %mul3A_741, %lt3A_742 : vector<128x128xf32>
    %gt3A_744 = vector.broadcast %get3A_10 : f32 to vector<128x128xf32>
    %gt3A_745 = arith.cmpf ogt, %mul3A_741, %gt3A_744 : vector<128x128xf32>
    %or3A_746 = arith.ori %lt3A_743, %gt3A_745 : vector<128x128xi1>
    %jit3A_747 = arith.constant -1.000000e+00 : f32
    %broadcast_in_dim3A_748 = vector.broadcast %jit3A_747 : f32 to vector<128x128xf32>
    %select_n3A_749 = arith.select %or3A_746, %broadcast_in_dim3A_748, %get3A_680 : vector<128x128xi1>, vector<128x128xf32>
    %swap3A_750 = arith.constant 0 : index
    %swap3A_751 = arith.constant 640 : index
    %swap3A_752 = arith.constant 0 : index
    %swap3A_753 = vector.load %arg4[%swap3A_750, %swap3A_751, %swap3A_752] : memref<1x1152x128xf32, #tpu.memory_space<vmem>>, vector<1x128x128xf32>
    %swap3A_754 = vector.shape_cast %swap3A_753 : vector<1x128x128xf32> to vector<128x128xf32>
    %swap3A_755 = vector.shape_cast %select_n3A_749 : vector<128x128xf32> to vector<1x128x128xf32>
    tpu.vector_store %arg4[%swap3A_750, %swap3A_751, %swap3A_752], %swap3A_755 {strides = array<i32>} : memref<1x1152x128xf32, #tpu.memory_space<vmem>>, vector<1x128x128xf32>,
    %swap3A_756 = arith.constant 0 : index
    %swap3A_757 = arith.constant 640 : index
    %swap3A_758 = arith.constant 0 : index
    %swap3A_759 = vector.load %arg5[%swap3A_756, %swap3A_757, %swap3A_758] : memref<1x1152x128xf32, #tpu.memory_space<vmem>>, vector<1x128x128xf32>
    %swap3A_760 = vector.shape_cast %swap3A_759 : vector<1x128x128xf32> to vector<128x128xf32>
    %swap3A_761 = vector.shape_cast %min3A_711 : vector<128x128xf32> to vector<1x128x128xf32>
    tpu.vector_store %arg5[%swap3A_756, %swap3A_757, %swap3A_758], %swap3A_761 {strides = array<i32>} : memref<1x1152x128xf32, #tpu.memory_space<vmem>>, vector<1x128x128xf32>,
    %swap3A_762 = arith.constant 0 : index
    %swap3A_763 = arith.constant 640 : index
    %swap3A_764 = arith.constant 0 : index
    %swap3A_765 = vector.load %arg6[%swap3A_762, %swap3A_763, %swap3A_764] : memref<1x1152x128xf32, #tpu.memory_space<vmem>>, vector<1x128x128xf32>
    %swap3A_766 = vector.shape_cast %swap3A_765 : vector<1x128x128xf32> to vector<128x128xf32>
    %swap3A_767 = vector.shape_cast %min3A_720 : vector<128x128xf32> to vector<1x128x128xf32>
    tpu.vector_store %arg6[%swap3A_762, %swap3A_763, %swap3A_764], %swap3A_767 {strides = array<i32>} : memref<1x1152x128xf32, #tpu.memory_space<vmem>>, vector<1x128x128xf32>,
    %swap3A_768 = arith.constant 0 : index
    %swap3A_769 = arith.constant 640 : index
    %swap3A_770 = arith.constant 0 : index
    %swap3A_771 = vector.load %arg7[%swap3A_768, %swap3A_769, %swap3A_770] : memref<1x1152x128xf32, #tpu.memory_space<vmem>>, vector<1x128x128xf32>
    %swap3A_772 = vector.shape_cast %swap3A_771 : vector<1x128x128xf32> to vector<128x128xf32>
    %swap3A_773 = vector.shape_cast %min3A_729 : vector<128x128xf32> to vector<1x128x128xf32>
    tpu.vector_store %arg7[%swap3A_768, %swap3A_769, %swap3A_770], %swap3A_773 {strides = array<i32>} : memref<1x1152x128xf32, #tpu.memory_space<vmem>>, vector<1x128x128xf32>,
    %swap3A_774 = arith.constant 0 : index
    %swap3A_775 = arith.constant 640 : index
    %swap3A_776 = arith.constant 0 : index
    %swap3A_777 = vector.load %arg8[%swap3A_774, %swap3A_775, %swap3A_776] : memref<1x1152x128xf32, #tpu.memory_space<vmem>>, vector<1x128x128xf32>
    %swap3A_778 = vector.shape_cast %swap3A_777 : vector<1x128x128xf32> to vector<128x128xf32>
    %swap3A_779 = vector.shape_cast %min3A_738 : vector<128x128xf32> to vector<1x128x128xf32>
    tpu.vector_store %arg8[%swap3A_774, %swap3A_775, %swap3A_776], %swap3A_779 {strides = array<i32>} : memref<1x1152x128xf32, #tpu.memory_space<vmem>>, vector<1x128x128xf32>,
    %get3A_780 = arith.constant 0 : index
    %get3A_781 = arith.constant 24 : index
    %get3A_782 = arith.constant 0 : index
    %get3A_783 = arith.constant 0 : index
    %get3A_784 = vector.load %arg3[%get3A_780, %get3A_781, %get3A_782, %get3A_783] : memref<1x36x128x128xf32, #tpu.memory_space<vmem>>, vector<1x1x128x128xf32>
    %get3A_785 = vector.shape_cast %get3A_784 : vector<1x1x128x128xf32> to vector<128x128xf32>
    %get3A_786 = arith.constant 0 : index
    %get3A_787 = arith.constant 25 : index
    %get3A_788 = arith.constant 0 : index
    %get3A_789 = arith.constant 0 : index
    %get3A_790 = vector.load %arg3[%get3A_786, %get3A_787, %get3A_788, %get3A_789] : memref<1x36x128x128xf32, #tpu.memory_space<vmem>>, vector<1x1x128x128xf32>
    %get3A_791 = vector.shape_cast %get3A_790 : vector<1x1x128x128xf32> to vector<128x128xf32>
    %get3A_792 = arith.constant 0 : index
    %get3A_793 = arith.constant 26 : index
    %get3A_794 = arith.constant 0 : index
    %get3A_795 = arith.constant 0 : index
    %get3A_796 = vector.load %arg3[%get3A_792, %get3A_793, %get3A_794, %get3A_795] : memref<1x36x128x128xf32, #tpu.memory_space<vmem>>, vector<1x1x128x128xf32>
    %get3A_797 = vector.shape_cast %get3A_796 : vector<1x1x128x128xf32> to vector<128x128xf32>
    %get3A_798 = arith.constant 0 : index
    %get3A_799 = arith.constant 27 : index
    %get3A_800 = arith.constant 0 : index
    %get3A_801 = arith.constant 0 : index
    %get3A_802 = vector.load %arg3[%get3A_798, %get3A_799, %get3A_800, %get3A_801] : memref<1x36x128x128xf32, #tpu.memory_space<vmem>>, vector<1x1x128x128xf32>
    %get3A_803 = vector.shape_cast %get3A_802 : vector<1x1x128x128xf32> to vector<128x128xf32>
    %get3A_804 = arith.constant 0 : index
    %get3A_805 = arith.constant 15 : index
    %get3A_806 = arith.constant 0 : index
    %get3A_807 = arith.constant 0 : index
    %get3A_808 = vector.load %arg2[%get3A_804, %get3A_805, %get3A_806, %get3A_807] : memref<1x18x128x128xf32, #tpu.memory_space<vmem>>, vector<1x1x128x128xf32>
    %get3A_809 = vector.shape_cast %get3A_808 : vector<1x1x128x128xf32> to vector<128x128xf32>
    %mul3A_810 = arith.constant 8.800000e+01 : f32
    %mul3A_811 = vector.broadcast %mul3A_810 : f32 to vector<128x128xf32>
    %mul3A_812 = arith.mulf %get3A_785, %mul3A_811 : vector<128x128xf32>
    %add3A_813 = arith.constant 8.000000e+00 : f32
    %add3A_814 = vector.broadcast %add3A_813 : f32 to vector<128x128xf32>
    %add3A_815 = arith.addf %mul3A_17, %add3A_814 : vector<128x128xf32>
    %add3A_816 = arith.addf %mul3A_812, %add3A_815 : vector<128x128xf32>
    %mul3A_817 = arith.constant 1.760000e+02 : f32
    %mul3A_818 = vector.broadcast %mul3A_817 : f32 to vector<128x128xf32>
    %mul3A_819 = arith.mulf %get3A_791, %mul3A_818 : vector<128x128xf32>
    %add3A_820 = arith.constant 8.000000e+00 : f32
    %add3A_821 = vector.broadcast %add3A_820 : f32 to vector<128x128xf32>
    %add3A_822 = arith.addf %mul3A_12, %add3A_821 : vector<128x128xf32>
    %add3A_823 = arith.addf %mul3A_819, %add3A_822 : vector<128x128xf32>
    %exp3A_824 = math.exp %get3A_797 : vector<128x128xf32>
    %mul3A_825 = arith.constant 8.800000e+01 : f32
    %mul3A_826 = vector.broadcast %mul3A_825 : f32 to vector<128x128xf32>
    %mul3A_827 = arith.mulf %exp3A_824, %mul3A_826 : vector<128x128xf32>
    %exp3A_828 = math.exp %get3A_803 : vector<128x128xf32>
    %mul3A_829 = arith.constant 1.760000e+02 : f32
    %mul3A_830 = vector.broadcast %mul3A_829 : f32 to vector<128x128xf32>
    %mul3A_831 = arith.mulf %exp3A_828, %mul3A_830 : vector<128x128xf32>
    %mul3A_832 = arith.constant 5.000000e-01 : f32
    %mul3A_833 = vector.broadcast %mul3A_832 : f32 to vector<128x128xf32>
    %mul3A_834 = arith.mulf %mul3A_833, %mul3A_827 : vector<128x128xf32>
    %sub3A_835 = arith.subf %add3A_816, %mul3A_834 : vector<128x128xf32>
    %max3A_836 = arith.constant 0.000000e+00 : f32
    %max3A_837 = vector.broadcast %max3A_836 : f32 to vector<128x128xf32>
    %max3A_838 = arith.maximumf %sub3A_835, %max3A_837 : vector<128x128xf32>
    %min3A_839 = vector.broadcast %get3A_1 : f32 to vector<128x128xf32>
    %min3A_840 = arith.minimumf %max3A_838, %min3A_839 : vector<128x128xf32>
    %mul3A_841 = arith.constant 5.000000e-01 : f32
    %mul3A_842 = vector.broadcast %mul3A_841 : f32 to vector<128x128xf32>
    %mul3A_843 = arith.mulf %mul3A_842, %mul3A_831 : vector<128x128xf32>
    %sub3A_844 = arith.subf %add3A_823, %mul3A_843 : vector<128x128xf32>
    %max3A_845 = arith.constant 0.000000e+00 : f32
    %max3A_846 = vector.broadcast %max3A_845 : f32 to vector<128x128xf32>
    %max3A_847 = arith.maximumf %sub3A_844, %max3A_846 : vector<128x128xf32>
    %min3A_848 = vector.broadcast %get3A_4 : f32 to vector<128x128xf32>
    %min3A_849 = arith.minimumf %max3A_847, %min3A_848 : vector<128x128xf32>
    %mul3A_850 = arith.constant 5.000000e-01 : f32
    %mul3A_851 = vector.broadcast %mul3A_850 : f32 to vector<128x128xf32>
    %mul3A_852 = arith.mulf %mul3A_851, %mul3A_827 : vector<128x128xf32>
    %add3A_853 = arith.addf %add3A_816, %mul3A_852 : vector<128x128xf32>
    %max3A_854 = arith.constant 0.000000e+00 : f32
    %max3A_855 = vector.broadcast %max3A_854 : f32 to vector<128x128xf32>
    %max3A_856 = arith.maximumf %add3A_853, %max3A_855 : vector<128x128xf32>
    %min3A_857 = vector.broadcast %get3A_1 : f32 to vector<128x128xf32>
    %min3A_858 = arith.minimumf %max3A_856, %min3A_857 : vector<128x128xf32>
    %mul3A_859 = arith.constant 5.000000e-01 : f32
    %mul3A_860 = vector.broadcast %mul3A_859 : f32 to vector<128x128xf32>
    %mul3A_861 = arith.mulf %mul3A_860, %mul3A_831 : vector<128x128xf32>
    %add3A_862 = arith.addf %add3A_823, %mul3A_861 : vector<128x128xf32>
    %max3A_863 = arith.constant 0.000000e+00 : f32
    %max3A_864 = vector.broadcast %max3A_863 : f32 to vector<128x128xf32>
    %max3A_865 = arith.maximumf %add3A_862, %max3A_864 : vector<128x128xf32>
    %min3A_866 = vector.broadcast %get3A_4 : f32 to vector<128x128xf32>
    %min3A_867 = arith.minimumf %max3A_865, %min3A_866 : vector<128x128xf32>
    %sub3A_868 = arith.subf %min3A_858, %min3A_840 : vector<128x128xf32>
    %sub3A_869 = arith.subf %min3A_867, %min3A_849 : vector<128x128xf32>
    %mul3A_870 = arith.mulf %sub3A_868, %sub3A_869 : vector<128x128xf32>
    %lt3A_871 = vector.broadcast %get3A_7 : f32 to vector<128x128xf32>
    %lt3A_872 = arith.cmpf olt, %mul3A_870, %lt3A_871 : vector<128x128xf32>
    %gt3A_873 = vector.broadcast %get3A_10 : f32 to vector<128x128xf32>
    %gt3A_874 = arith.cmpf ogt, %mul3A_870, %gt3A_873 : vector<128x128xf32>
    %or3A_875 = arith.ori %lt3A_872, %gt3A_874 : vector<128x128xi1>
    %jit3A_876 = arith.constant -1.000000e+00 : f32
    %broadcast_in_dim3A_877 = vector.broadcast %jit3A_876 : f32 to vector<128x128xf32>
    %select_n3A_878 = arith.select %or3A_875, %broadcast_in_dim3A_877, %get3A_809 : vector<128x128xi1>, vector<128x128xf32>
    %swap3A_879 = arith.constant 0 : index
    %swap3A_880 = arith.constant 768 : index
    %swap3A_881 = arith.constant 0 : index
    %swap3A_882 = vector.load %arg4[%swap3A_879, %swap3A_880, %swap3A_881] : memref<1x1152x128xf32, #tpu.memory_space<vmem>>, vector<1x128x128xf32>
    %swap3A_883 = vector.shape_cast %swap3A_882 : vector<1x128x128xf32> to vector<128x128xf32>
    %swap3A_884 = vector.shape_cast %select_n3A_878 : vector<128x128xf32> to vector<1x128x128xf32>
    tpu.vector_store %arg4[%swap3A_879, %swap3A_880, %swap3A_881], %swap3A_884 {strides = array<i32>} : memref<1x1152x128xf32, #tpu.memory_space<vmem>>, vector<1x128x128xf32>,
    %swap3A_885 = arith.constant 0 : index
    %swap3A_886 = arith.constant 768 : index
    %swap3A_887 = arith.constant 0 : index
    %swap3A_888 = vector.load %arg5[%swap3A_885, %swap3A_886, %swap3A_887] : memref<1x1152x128xf32, #tpu.memory_space<vmem>>, vector<1x128x128xf32>
    %swap3A_889 = vector.shape_cast %swap3A_888 : vector<1x128x128xf32> to vector<128x128xf32>
    %swap3A_890 = vector.shape_cast %min3A_840 : vector<128x128xf32> to vector<1x128x128xf32>
    tpu.vector_store %arg5[%swap3A_885, %swap3A_886, %swap3A_887], %swap3A_890 {strides = array<i32>} : memref<1x1152x128xf32, #tpu.memory_space<vmem>>, vector<1x128x128xf32>,
    %swap3A_891 = arith.constant 0 : index
    %swap3A_892 = arith.constant 768 : index
    %swap3A_893 = arith.constant 0 : index
    %swap3A_894 = vector.load %arg6[%swap3A_891, %swap3A_892, %swap3A_893] : memref<1x1152x128xf32, #tpu.memory_space<vmem>>, vector<1x128x128xf32>
    %swap3A_895 = vector.shape_cast %swap3A_894 : vector<1x128x128xf32> to vector<128x128xf32>
    %swap3A_896 = vector.shape_cast %min3A_849 : vector<128x128xf32> to vector<1x128x128xf32>
    tpu.vector_store %arg6[%swap3A_891, %swap3A_892, %swap3A_893], %swap3A_896 {strides = array<i32>} : memref<1x1152x128xf32, #tpu.memory_space<vmem>>, vector<1x128x128xf32>,
    %swap3A_897 = arith.constant 0 : index
    %swap3A_898 = arith.constant 768 : index
    %swap3A_899 = arith.constant 0 : index
    %swap3A_900 = vector.load %arg7[%swap3A_897, %swap3A_898, %swap3A_899] : memref<1x1152x128xf32, #tpu.memory_space<vmem>>, vector<1x128x128xf32>
    %swap3A_901 = vector.shape_cast %swap3A_900 : vector<1x128x128xf32> to vector<128x128xf32>
    %swap3A_902 = vector.shape_cast %min3A_858 : vector<128x128xf32> to vector<1x128x128xf32>
    tpu.vector_store %arg7[%swap3A_897, %swap3A_898, %swap3A_899], %swap3A_902 {strides = array<i32>} : memref<1x1152x128xf32, #tpu.memory_space<vmem>>, vector<1x128x128xf32>,
    %swap3A_903 = arith.constant 0 : index
    %swap3A_904 = arith.constant 768 : index
    %swap3A_905 = arith.constant 0 : index
    %swap3A_906 = vector.load %arg8[%swap3A_903, %swap3A_904, %swap3A_905] : memref<1x1152x128xf32, #tpu.memory_space<vmem>>, vector<1x128x128xf32>
    %swap3A_907 = vector.shape_cast %swap3A_906 : vector<1x128x128xf32> to vector<128x128xf32>
    %swap3A_908 = vector.shape_cast %min3A_867 : vector<128x128xf32> to vector<1x128x128xf32>
    tpu.vector_store %arg8[%swap3A_903, %swap3A_904, %swap3A_905], %swap3A_908 {strides = array<i32>} : memref<1x1152x128xf32, #tpu.memory_space<vmem>>, vector<1x128x128xf32>,
    %get3A_909 = arith.constant 0 : index
    %get3A_910 = arith.constant 28 : index
    %get3A_911 = arith.constant 0 : index
    %get3A_912 = arith.constant 0 : index
    %get3A_913 = vector.load %arg3[%get3A_909, %get3A_910, %get3A_911, %get3A_912] : memref<1x36x128x128xf32, #tpu.memory_space<vmem>>, vector<1x1x128x128xf32>
    %get3A_914 = vector.shape_cast %get3A_913 : vector<1x1x128x128xf32> to vector<128x128xf32>
    %get3A_915 = arith.constant 0 : index
    %get3A_916 = arith.constant 29 : index
    %get3A_917 = arith.constant 0 : index
    %get3A_918 = arith.constant 0 : index
    %get3A_919 = vector.load %arg3[%get3A_915, %get3A_916, %get3A_917, %get3A_918] : memref<1x36x128x128xf32, #tpu.memory_space<vmem>>, vector<1x1x128x128xf32>
    %get3A_920 = vector.shape_cast %get3A_919 : vector<1x1x128x128xf32> to vector<128x128xf32>
    %get3A_921 = arith.constant 0 : index
    %get3A_922 = arith.constant 30 : index
    %get3A_923 = arith.constant 0 : index
    %get3A_924 = arith.constant 0 : index
    %get3A_925 = vector.load %arg3[%get3A_921, %get3A_922, %get3A_923, %get3A_924] : memref<1x36x128x128xf32, #tpu.memory_space<vmem>>, vector<1x1x128x128xf32>
    %get3A_926 = vector.shape_cast %get3A_925 : vector<1x1x128x128xf32> to vector<128x128xf32>
    %get3A_927 = arith.constant 0 : index
    %get3A_928 = arith.constant 31 : index
    %get3A_929 = arith.constant 0 : index
    %get3A_930 = arith.constant 0 : index
    %get3A_931 = vector.load %arg3[%get3A_927, %get3A_928, %get3A_929, %get3A_930] : memref<1x36x128x128xf32, #tpu.memory_space<vmem>>, vector<1x1x128x128xf32>
    %get3A_932 = vector.shape_cast %get3A_931 : vector<1x1x128x128xf32> to vector<128x128xf32>
    %get3A_933 = arith.constant 0 : index
    %get3A_934 = arith.constant 16 : index
    %get3A_935 = arith.constant 0 : index
    %get3A_936 = arith.constant 0 : index
    %get3A_937 = vector.load %arg2[%get3A_933, %get3A_934, %get3A_935, %get3A_936] : memref<1x18x128x128xf32, #tpu.memory_space<vmem>>, vector<1x1x128x128xf32>
    %get3A_938 = vector.shape_cast %get3A_937 : vector<1x1x128x128xf32> to vector<128x128xf32>
    %mul3A_939 = arith.constant 1.760000e+02 : f32
    %mul3A_940 = vector.broadcast %mul3A_939 : f32 to vector<128x128xf32>
    %mul3A_941 = arith.mulf %get3A_914, %mul3A_940 : vector<128x128xf32>
    %add3A_942 = arith.constant 8.000000e+00 : f32
    %add3A_943 = vector.broadcast %add3A_942 : f32 to vector<128x128xf32>
    %add3A_944 = arith.addf %mul3A_17, %add3A_943 : vector<128x128xf32>
    %add3A_945 = arith.addf %mul3A_941, %add3A_944 : vector<128x128xf32>
    %mul3A_946 = arith.constant 3.520000e+02 : f32
    %mul3A_947 = vector.broadcast %mul3A_946 : f32 to vector<128x128xf32>
    %mul3A_948 = arith.mulf %get3A_920, %mul3A_947 : vector<128x128xf32>
    %add3A_949 = arith.constant 8.000000e+00 : f32
    %add3A_950 = vector.broadcast %add3A_949 : f32 to vector<128x128xf32>
    %add3A_951 = arith.addf %mul3A_12, %add3A_950 : vector<128x128xf32>
    %add3A_952 = arith.addf %mul3A_948, %add3A_951 : vector<128x128xf32>
    %exp3A_953 = math.exp %get3A_926 : vector<128x128xf32>
    %mul3A_954 = arith.constant 1.760000e+02 : f32
    %mul3A_955 = vector.broadcast %mul3A_954 : f32 to vector<128x128xf32>
    %mul3A_956 = arith.mulf %exp3A_953, %mul3A_955 : vector<128x128xf32>
    %exp3A_957 = math.exp %get3A_932 : vector<128x128xf32>
    %mul3A_958 = arith.constant 3.520000e+02 : f32
    %mul3A_959 = vector.broadcast %mul3A_958 : f32 to vector<128x128xf32>
    %mul3A_960 = arith.mulf %exp3A_957, %mul3A_959 : vector<128x128xf32>
    %mul3A_961 = arith.constant 5.000000e-01 : f32
    %mul3A_962 = vector.broadcast %mul3A_961 : f32 to vector<128x128xf32>
    %mul3A_963 = arith.mulf %mul3A_962, %mul3A_956 : vector<128x128xf32>
    %sub3A_964 = arith.subf %add3A_945, %mul3A_963 : vector<128x128xf32>
    %max3A_965 = arith.constant 0.000000e+00 : f32
    %max3A_966 = vector.broadcast %max3A_965 : f32 to vector<128x128xf32>
    %max3A_967 = arith.maximumf %sub3A_964, %max3A_966 : vector<128x128xf32>
    %min3A_968 = vector.broadcast %get3A_1 : f32 to vector<128x128xf32>
    %min3A_969 = arith.minimumf %max3A_967, %min3A_968 : vector<128x128xf32>
    %mul3A_970 = arith.constant 5.000000e-01 : f32
    %mul3A_971 = vector.broadcast %mul3A_970 : f32 to vector<128x128xf32>
    %mul3A_972 = arith.mulf %mul3A_971, %mul3A_960 : vector<128x128xf32>
    %sub3A_973 = arith.subf %add3A_952, %mul3A_972 : vector<128x128xf32>
    %max3A_974 = arith.constant 0.000000e+00 : f32
    %max3A_975 = vector.broadcast %max3A_974 : f32 to vector<128x128xf32>
    %max3A_976 = arith.maximumf %sub3A_973, %max3A_975 : vector<128x128xf32>
    %min3A_977 = vector.broadcast %get3A_4 : f32 to vector<128x128xf32>
    %min3A_978 = arith.minimumf %max3A_976, %min3A_977 : vector<128x128xf32>
    %mul3A_979 = arith.constant 5.000000e-01 : f32
    %mul3A_980 = vector.broadcast %mul3A_979 : f32 to vector<128x128xf32>
    %mul3A_981 = arith.mulf %mul3A_980, %mul3A_956 : vector<128x128xf32>
    %add3A_982 = arith.addf %add3A_945, %mul3A_981 : vector<128x128xf32>
    %max3A_983 = arith.constant 0.000000e+00 : f32
    %max3A_984 = vector.broadcast %max3A_983 : f32 to vector<128x128xf32>
    %max3A_985 = arith.maximumf %add3A_982, %max3A_984 : vector<128x128xf32>
    %min3A_986 = vector.broadcast %get3A_1 : f32 to vector<128x128xf32>
    %min3A_987 = arith.minimumf %max3A_985, %min3A_986 : vector<128x128xf32>
    %mul3A_988 = arith.constant 5.000000e-01 : f32
    %mul3A_989 = vector.broadcast %mul3A_988 : f32 to vector<128x128xf32>
    %mul3A_990 = arith.mulf %mul3A_989, %mul3A_960 : vector<128x128xf32>
    %add3A_991 = arith.addf %add3A_952, %mul3A_990 : vector<128x128xf32>
    %max3A_992 = arith.constant 0.000000e+00 : f32
    %max3A_993 = vector.broadcast %max3A_992 : f32 to vector<128x128xf32>
    %max3A_994 = arith.maximumf %add3A_991, %max3A_993 : vector<128x128xf32>
    %min3A_995 = vector.broadcast %get3A_4 : f32 to vector<128x128xf32>
    %min3A_996 = arith.minimumf %max3A_994, %min3A_995 : vector<128x128xf32>
    %sub3A_997 = arith.subf %min3A_987, %min3A_969 : vector<128x128xf32>
    %sub3A_998 = arith.subf %min3A_996, %min3A_978 : vector<128x128xf32>
    %mul3A_999 = arith.mulf %sub3A_997, %sub3A_998 : vector<128x128xf32>
    %lt3A_1000 = vector.broadcast %get3A_7 : f32 to vector<128x128xf32>
    %lt3A_1001 = arith.cmpf olt, %mul3A_999, %lt3A_1000 : vector<128x128xf32>
    %gt3A_1002 = vector.broadcast %get3A_10 : f32 to vector<128x128xf32>
    %gt3A_1003 = arith.cmpf ogt, %mul3A_999, %gt3A_1002 : vector<128x128xf32>
    %or3A_1004 = arith.ori %lt3A_1001, %gt3A_1003 : vector<128x128xi1>
    %jit3A_1005 = arith.constant -1.000000e+00 : f32
    %broadcast_in_dim3A_1006 = vector.broadcast %jit3A_1005 : f32 to vector<128x128xf32>
    %select_n3A_1007 = arith.select %or3A_1004, %broadcast_in_dim3A_1006, %get3A_938 : vector<128x128xi1>, vector<128x128xf32>
    %swap3A_1008 = arith.constant 0 : index
    %swap3A_1009 = arith.constant 896 : index
    %swap3A_1010 = arith.constant 0 : index
    %swap3A_1011 = vector.load %arg4[%swap3A_1008, %swap3A_1009, %swap3A_1010] : memref<1x1152x128xf32, #tpu.memory_space<vmem>>, vector<1x128x128xf32>
    %swap3A_1012 = vector.shape_cast %swap3A_1011 : vector<1x128x128xf32> to vector<128x128xf32>
    %swap3A_1013 = vector.shape_cast %select_n3A_1007 : vector<128x128xf32> to vector<1x128x128xf32>
    tpu.vector_store %arg4[%swap3A_1008, %swap3A_1009, %swap3A_1010], %swap3A_1013 {strides = array<i32>} : memref<1x1152x128xf32, #tpu.memory_space<vmem>>, vector<1x128x128xf32>,
    %swap3A_1014 = arith.constant 0 : index
    %swap3A_1015 = arith.constant 896 : index
    %swap3A_1016 = arith.constant 0 : index
    %swap3A_1017 = vector.load %arg5[%swap3A_1014, %swap3A_1015, %swap3A_1016] : memref<1x1152x128xf32, #tpu.memory_space<vmem>>, vector<1x128x128xf32>
    %swap3A_1018 = vector.shape_cast %swap3A_1017 : vector<1x128x128xf32> to vector<128x128xf32>
    %swap3A_1019 = vector.shape_cast %min3A_969 : vector<128x128xf32> to vector<1x128x128xf32>
    tpu.vector_store %arg5[%swap3A_1014, %swap3A_1015, %swap3A_1016], %swap3A_1019 {strides = array<i32>} : memref<1x1152x128xf32, #tpu.memory_space<vmem>>, vector<1x128x128xf32>,
    %swap3A_1020 = arith.constant 0 : index
    %swap3A_1021 = arith.constant 896 : index
    %swap3A_1022 = arith.constant 0 : index
    %swap3A_1023 = vector.load %arg6[%swap3A_1020, %swap3A_1021, %swap3A_1022] : memref<1x1152x128xf32, #tpu.memory_space<vmem>>, vector<1x128x128xf32>
    %swap3A_1024 = vector.shape_cast %swap3A_1023 : vector<1x128x128xf32> to vector<128x128xf32>
    %swap3A_1025 = vector.shape_cast %min3A_978 : vector<128x128xf32> to vector<1x128x128xf32>
    tpu.vector_store %arg6[%swap3A_1020, %swap3A_1021, %swap3A_1022], %swap3A_1025 {strides = array<i32>} : memref<1x1152x128xf32, #tpu.memory_space<vmem>>, vector<1x128x128xf32>,
    %swap3A_1026 = arith.constant 0 : index
    %swap3A_1027 = arith.constant 896 : index
    %swap3A_1028 = arith.constant 0 : index
    %swap3A_1029 = vector.load %arg7[%swap3A_1026, %swap3A_1027, %swap3A_1028] : memref<1x1152x128xf32, #tpu.memory_space<vmem>>, vector<1x128x128xf32>
    %swap3A_1030 = vector.shape_cast %swap3A_1029 : vector<1x128x128xf32> to vector<128x128xf32>
    %swap3A_1031 = vector.shape_cast %min3A_987 : vector<128x128xf32> to vector<1x128x128xf32>
    tpu.vector_store %arg7[%swap3A_1026, %swap3A_1027, %swap3A_1028], %swap3A_1031 {strides = array<i32>} : memref<1x1152x128xf32, #tpu.memory_space<vmem>>, vector<1x128x128xf32>,
    %swap3A_1032 = arith.constant 0 : index
    %swap3A_1033 = arith.constant 896 : index
    %swap3A_1034 = arith.constant 0 : index
    %swap3A_1035 = vector.load %arg8[%swap3A_1032, %swap3A_1033, %swap3A_1034] : memref<1x1152x128xf32, #tpu.memory_space<vmem>>, vector<1x128x128xf32>
    %swap3A_1036 = vector.shape_cast %swap3A_1035 : vector<1x128x128xf32> to vector<128x128xf32>
    %swap3A_1037 = vector.shape_cast %min3A_996 : vector<128x128xf32> to vector<1x128x128xf32>
    tpu.vector_store %arg8[%swap3A_1032, %swap3A_1033, %swap3A_1034], %swap3A_1037 {strides = array<i32>} : memref<1x1152x128xf32, #tpu.memory_space<vmem>>, vector<1x128x128xf32>,
    %get3A_1038 = arith.constant 0 : index
    %get3A_1039 = arith.constant 32 : index
    %get3A_1040 = arith.constant 0 : index
    %get3A_1041 = arith.constant 0 : index
    %get3A_1042 = vector.load %arg3[%get3A_1038, %get3A_1039, %get3A_1040, %get3A_1041] : memref<1x36x128x128xf32, #tpu.memory_space<vmem>>, vector<1x1x128x128xf32>
    %get3A_1043 = vector.shape_cast %get3A_1042 : vector<1x1x128x128xf32> to vector<128x128xf32>
    %get3A_1044 = arith.constant 0 : index
    %get3A_1045 = arith.constant 33 : index
    %get3A_1046 = arith.constant 0 : index
    %get3A_1047 = arith.constant 0 : index
    %get3A_1048 = vector.load %arg3[%get3A_1044, %get3A_1045, %get3A_1046, %get3A_1047] : memref<1x36x128x128xf32, #tpu.memory_space<vmem>>, vector<1x1x128x128xf32>
    %get3A_1049 = vector.shape_cast %get3A_1048 : vector<1x1x128x128xf32> to vector<128x128xf32>
    %get3A_1050 = arith.constant 0 : index
    %get3A_1051 = arith.constant 34 : index
    %get3A_1052 = arith.constant 0 : index
    %get3A_1053 = arith.constant 0 : index
    %get3A_1054 = vector.load %arg3[%get3A_1050, %get3A_1051, %get3A_1052, %get3A_1053] : memref<1x36x128x128xf32, #tpu.memory_space<vmem>>, vector<1x1x128x128xf32>
    %get3A_1055 = vector.shape_cast %get3A_1054 : vector<1x1x128x128xf32> to vector<128x128xf32>
    %get3A_1056 = arith.constant 0 : index
    %get3A_1057 = arith.constant 35 : index
    %get3A_1058 = arith.constant 0 : index
    %get3A_1059 = arith.constant 0 : index
    %get3A_1060 = vector.load %arg3[%get3A_1056, %get3A_1057, %get3A_1058, %get3A_1059] : memref<1x36x128x128xf32, #tpu.memory_space<vmem>>, vector<1x1x128x128xf32>
    %get3A_1061 = vector.shape_cast %get3A_1060 : vector<1x1x128x128xf32> to vector<128x128xf32>
    %get3A_1062 = arith.constant 0 : index
    %get3A_1063 = arith.constant 17 : index
    %get3A_1064 = arith.constant 0 : index
    %get3A_1065 = arith.constant 0 : index
    %get3A_1066 = vector.load %arg2[%get3A_1062, %get3A_1063, %get3A_1064, %get3A_1065] : memref<1x18x128x128xf32, #tpu.memory_space<vmem>>, vector<1x1x128x128xf32>
    %get3A_1067 = vector.shape_cast %get3A_1066 : vector<1x1x128x128xf32> to vector<128x128xf32>
    %mul3A_1068 = arith.constant 3.520000e+02 : f32
    %mul3A_1069 = vector.broadcast %mul3A_1068 : f32 to vector<128x128xf32>
    %mul3A_1070 = arith.mulf %get3A_1043, %mul3A_1069 : vector<128x128xf32>
    %add3A_1071 = arith.constant 8.000000e+00 : f32
    %add3A_1072 = vector.broadcast %add3A_1071 : f32 to vector<128x128xf32>
    %add3A_1073 = arith.addf %mul3A_17, %add3A_1072 : vector<128x128xf32>
    %add3A_1074 = arith.addf %mul3A_1070, %add3A_1073 : vector<128x128xf32>
    %mul3A_1075 = arith.constant 7.040000e+02 : f32
    %mul3A_1076 = vector.broadcast %mul3A_1075 : f32 to vector<128x128xf32>
    %mul3A_1077 = arith.mulf %get3A_1049, %mul3A_1076 : vector<128x128xf32>
    %add3A_1078 = arith.constant 8.000000e+00 : f32
    %add3A_1079 = vector.broadcast %add3A_1078 : f32 to vector<128x128xf32>
    %add3A_1080 = arith.addf %mul3A_12, %add3A_1079 : vector<128x128xf32>
    %add3A_1081 = arith.addf %mul3A_1077, %add3A_1080 : vector<128x128xf32>
    %exp3A_1082 = math.exp %get3A_1055 : vector<128x128xf32>
    %mul3A_1083 = arith.constant 3.520000e+02 : f32
    %mul3A_1084 = vector.broadcast %mul3A_1083 : f32 to vector<128x128xf32>
    %mul3A_1085 = arith.mulf %exp3A_1082, %mul3A_1084 : vector<128x128xf32>
    %exp3A_1086 = math.exp %get3A_1061 : vector<128x128xf32>
    %mul3A_1087 = arith.constant 7.040000e+02 : f32
    %mul3A_1088 = vector.broadcast %mul3A_1087 : f32 to vector<128x128xf32>
    %mul3A_1089 = arith.mulf %exp3A_1086, %mul3A_1088 : vector<128x128xf32>
    %mul3A_1090 = arith.constant 5.000000e-01 : f32
    %mul3A_1091 = vector.broadcast %mul3A_1090 : f32 to vector<128x128xf32>
    %mul3A_1092 = arith.mulf %mul3A_1091, %mul3A_1085 : vector<128x128xf32>
    %sub3A_1093 = arith.subf %add3A_1074, %mul3A_1092 : vector<128x128xf32>
    %max3A_1094 = arith.constant 0.000000e+00 : f32
    %max3A_1095 = vector.broadcast %max3A_1094 : f32 to vector<128x128xf32>
    %max3A_1096 = arith.maximumf %sub3A_1093, %max3A_1095 : vector<128x128xf32>
    %min3A_1097 = vector.broadcast %get3A_1 : f32 to vector<128x128xf32>
    %min3A_1098 = arith.minimumf %max3A_1096, %min3A_1097 : vector<128x128xf32>
    %mul3A_1099 = arith.constant 5.000000e-01 : f32
    %mul3A_1100 = vector.broadcast %mul3A_1099 : f32 to vector<128x128xf32>
    %mul3A_1101 = arith.mulf %mul3A_1100, %mul3A_1089 : vector<128x128xf32>
    %sub3A_1102 = arith.subf %add3A_1081, %mul3A_1101 : vector<128x128xf32>
    %max3A_1103 = arith.constant 0.000000e+00 : f32
    %max3A_1104 = vector.broadcast %max3A_1103 : f32 to vector<128x128xf32>
    %max3A_1105 = arith.maximumf %sub3A_1102, %max3A_1104 : vector<128x128xf32>
    %min3A_1106 = vector.broadcast %get3A_4 : f32 to vector<128x128xf32>
    %min3A_1107 = arith.minimumf %max3A_1105, %min3A_1106 : vector<128x128xf32>
    %mul3A_1108 = arith.constant 5.000000e-01 : f32
    %mul3A_1109 = vector.broadcast %mul3A_1108 : f32 to vector<128x128xf32>
    %mul3A_1110 = arith.mulf %mul3A_1109, %mul3A_1085 : vector<128x128xf32>
    %add3A_1111 = arith.addf %add3A_1074, %mul3A_1110 : vector<128x128xf32>
    %max3A_1112 = arith.constant 0.000000e+00 : f32
    %max3A_1113 = vector.broadcast %max3A_1112 : f32 to vector<128x128xf32>
    %max3A_1114 = arith.maximumf %add3A_1111, %max3A_1113 : vector<128x128xf32>
    %min3A_1115 = vector.broadcast %get3A_1 : f32 to vector<128x128xf32>
    %min3A_1116 = arith.minimumf %max3A_1114, %min3A_1115 : vector<128x128xf32>
    %mul3A_1117 = arith.constant 5.000000e-01 : f32
    %mul3A_1118 = vector.broadcast %mul3A_1117 : f32 to vector<128x128xf32>
    %mul3A_1119 = arith.mulf %mul3A_1118, %mul3A_1089 : vector<128x128xf32>
    %add3A_1120 = arith.addf %add3A_1081, %mul3A_1119 : vector<128x128xf32>
    %max3A_1121 = arith.constant 0.000000e+00 : f32
    %max3A_1122 = vector.broadcast %max3A_1121 : f32 to vector<128x128xf32>
    %max3A_1123 = arith.maximumf %add3A_1120, %max3A_1122 : vector<128x128xf32>
    %min3A_1124 = vector.broadcast %get3A_4 : f32 to vector<128x128xf32>
    %min3A_1125 = arith.minimumf %max3A_1123, %min3A_1124 : vector<128x128xf32>
    %sub3A_1126 = arith.subf %min3A_1116, %min3A_1098 : vector<128x128xf32>
    %sub3A_1127 = arith.subf %min3A_1125, %min3A_1107 : vector<128x128xf32>
    %mul3A_1128 = arith.mulf %sub3A_1126, %sub3A_1127 : vector<128x128xf32>
    %lt3A_1129 = vector.broadcast %get3A_7 : f32 to vector<128x128xf32>
    %lt3A_1130 = arith.cmpf olt, %mul3A_1128, %lt3A_1129 : vector<128x128xf32>
    %gt3A_1131 = vector.broadcast %get3A_10 : f32 to vector<128x128xf32>
    %gt3A_1132 = arith.cmpf ogt, %mul3A_1128, %gt3A_1131 : vector<128x128xf32>
    %or3A_1133 = arith.ori %lt3A_1130, %gt3A_1132 : vector<128x128xi1>
    %jit3A_1134 = arith.constant -1.000000e+00 : f32
    %broadcast_in_dim3A_1135 = vector.broadcast %jit3A_1134 : f32 to vector<128x128xf32>
    %select_n3A_1136 = arith.select %or3A_1133, %broadcast_in_dim3A_1135, %get3A_1067 : vector<128x128xi1>, vector<128x128xf32>
    %swap3A_1137 = arith.constant 0 : index
    %swap3A_1138 = arith.constant 1024 : index
    %swap3A_1139 = arith.constant 0 : index
    %swap3A_1140 = vector.load %arg4[%swap3A_1137, %swap3A_1138, %swap3A_1139] : memref<1x1152x128xf32, #tpu.memory_space<vmem>>, vector<1x128x128xf32>
    %swap3A_1141 = vector.shape_cast %swap3A_1140 : vector<1x128x128xf32> to vector<128x128xf32>
    %swap3A_1142 = vector.shape_cast %select_n3A_1136 : vector<128x128xf32> to vector<1x128x128xf32>
    tpu.vector_store %arg4[%swap3A_1137, %swap3A_1138, %swap3A_1139], %swap3A_1142 {strides = array<i32>} : memref<1x1152x128xf32, #tpu.memory_space<vmem>>, vector<1x128x128xf32>,
    %swap3A_1143 = arith.constant 0 : index
    %swap3A_1144 = arith.constant 1024 : index
    %swap3A_1145 = arith.constant 0 : index
    %swap3A_1146 = vector.load %arg5[%swap3A_1143, %swap3A_1144, %swap3A_1145] : memref<1x1152x128xf32, #tpu.memory_space<vmem>>, vector<1x128x128xf32>
    %swap3A_1147 = vector.shape_cast %swap3A_1146 : vector<1x128x128xf32> to vector<128x128xf32>
    %swap3A_1148 = vector.shape_cast %min3A_1098 : vector<128x128xf32> to vector<1x128x128xf32>
    tpu.vector_store %arg5[%swap3A_1143, %swap3A_1144, %swap3A_1145], %swap3A_1148 {strides = array<i32>} : memref<1x1152x128xf32, #tpu.memory_space<vmem>>, vector<1x128x128xf32>,
    %swap3A_1149 = arith.constant 0 : index
    %swap3A_1150 = arith.constant 1024 : index
    %swap3A_1151 = arith.constant 0 : index
    %swap3A_1152 = vector.load %arg6[%swap3A_1149, %swap3A_1150, %swap3A_1151] : memref<1x1152x128xf32, #tpu.memory_space<vmem>>, vector<1x128x128xf32>
    %swap3A_1153 = vector.shape_cast %swap3A_1152 : vector<1x128x128xf32> to vector<128x128xf32>
    %swap3A_1154 = vector.shape_cast %min3A_1107 : vector<128x128xf32> to vector<1x128x128xf32>
    tpu.vector_store %arg6[%swap3A_1149, %swap3A_1150, %swap3A_1151], %swap3A_1154 {strides = array<i32>} : memref<1x1152x128xf32, #tpu.memory_space<vmem>>, vector<1x128x128xf32>,
    %swap3A_1155 = arith.constant 0 : index
    %swap3A_1156 = arith.constant 1024 : index
    %swap3A_1157 = arith.constant 0 : index
    %swap3A_1158 = vector.load %arg7[%swap3A_1155, %swap3A_1156, %swap3A_1157] : memref<1x1152x128xf32, #tpu.memory_space<vmem>>, vector<1x128x128xf32>
    %swap3A_1159 = vector.shape_cast %swap3A_1158 : vector<1x128x128xf32> to vector<128x128xf32>
    %swap3A_1160 = vector.shape_cast %min3A_1116 : vector<128x128xf32> to vector<1x128x128xf32>
    tpu.vector_store %arg7[%swap3A_1155, %swap3A_1156, %swap3A_1157], %swap3A_1160 {strides = array<i32>} : memref<1x1152x128xf32, #tpu.memory_space<vmem>>, vector<1x128x128xf32>,
    %swap3A_1161 = arith.constant 0 : index
    %swap3A_1162 = arith.constant 1024 : index
    %swap3A_1163 = arith.constant 0 : index
    %swap3A_1164 = vector.load %arg8[%swap3A_1161, %swap3A_1162, %swap3A_1163] : memref<1x1152x128xf32, #tpu.memory_space<vmem>>, vector<1x128x128xf32>
    %swap3A_1165 = vector.shape_cast %swap3A_1164 : vector<1x128x128xf32> to vector<128x128xf32>
    %swap3A_1166 = vector.shape_cast %min3A_1125 : vector<128x128xf32> to vector<1x128x128xf32>
    tpu.vector_store %arg8[%swap3A_1161, %swap3A_1162, %swap3A_1163], %swap3A_1166 {strides = array<i32>} : memref<1x1152x128xf32, #tpu.memory_space<vmem>>, vector<1x128x128xf32>,
    %iota3A_1167 = tpu.iota {dimensions = array<i32: 0>} : vector<1152x128xi32>
    %iota3A_1168 = tpu.iota {dimensions = array<i32: 1>} : vector<1152x128xi32>
    %jit3A_1169 = arith.constant 128 : i32
    %div3A = vector.broadcast %jit3A_1169 : i32 to vector<1152x128xi32>
    %div3A_1170 = arith.divsi %iota3A_1167, %div3A : vector<1152x128xi32>
    %sign3A = arith.constant 0 : i32
    %sign3A_1171 = vector.broadcast %sign3A : i32 to vector<1152x128xi32>
    %sign3A_1172 = arith.cmpi sgt, %iota3A_1167, %sign3A_1171 : vector<1152x128xi32>
    %sign3A_1173 = arith.extui %sign3A_1172 : vector<1152x128xi1> to vector<1152x128xi32>
    %sign3A_1174 = arith.constant 0 : i32
    %sign3A_1175 = vector.broadcast %sign3A_1174 : i32 to vector<1152x128xi32>
    %sign3A_1176 = arith.cmpi slt, %iota3A_1167, %sign3A_1175 : vector<1152x128xi32>
    %sign3A_1177 = arith.extui %sign3A_1176 : vector<1152x128xi1> to vector<1152x128xi32>
    %sign3A_1178 = arith.subi %sign3A_1173, %sign3A_1177 : vector<1152x128xi32>
    %sign3A_1179 = arith.constant 0 : i32
    %sign3A_1180 = arith.cmpi sgt, %jit3A_1169, %sign3A_1179 : i32
    %sign3A_1181 = arith.extui %sign3A_1180 : i1 to i32
    %sign3A_1182 = arith.constant 0 : i32
    %sign3A_1183 = arith.cmpi slt, %jit3A_1169, %sign3A_1182 : i32
    %sign3A_1184 = arith.extui %sign3A_1183 : i1 to i32
    %sign3A_1185 = arith.subi %sign3A_1181, %sign3A_1184 : i32
    %ne3A = vector.broadcast %sign3A_1185 : i32 to vector<1152x128xi32>
    %ne3A_1186 = arith.cmpi ne, %sign3A_1178, %ne3A : vector<1152x128xi32>
    %rem3A = vector.broadcast %jit3A_1169 : i32 to vector<1152x128xi32>
    %rem3A_1187 = arith.remsi %iota3A_1167, %rem3A : vector<1152x128xi32>
    %ne3A_1188 = arith.constant 0 : i32
    %ne3A_1189 = vector.broadcast %ne3A_1188 : i32 to vector<1152x128xi32>
    %ne3A_1190 = arith.cmpi ne, %rem3A_1187, %ne3A_1189 : vector<1152x128xi32>
    %and3A = arith.andi %ne3A_1186, %ne3A_1190 : vector<1152x128xi1>
    %sub3A_1191 = arith.constant 1 : i32
    %sub3A_1192 = vector.broadcast %sub3A_1191 : i32 to vector<1152x128xi32>
    %sub3A_1193 = arith.subi %div3A_1170, %sub3A_1192 : vector<1152x128xi32>
    %select_n3A_1194 = arith.select %and3A, %sub3A_1193, %div3A_1170 : vector<1152x128xi1>, vector<1152x128xi32>
    %jit3A_1195 = arith.constant 128 : i32
    %eq3A = arith.constant 0 : i32
    %eq3A_1196 = arith.cmpi eq, %jit3A_1195, %eq3A : i32
    %jit3A_1197 = arith.constant 1 : i32
    %select_n3A_1198 = arith.select %eq3A_1196, %jit3A_1197, %jit3A_1195 : i32
    %rem3A_1199 = vector.broadcast %select_n3A_1198 : i32 to vector<1152x128xi32>
    %rem3A_1200 = arith.remsi %iota3A_1167, %rem3A_1199 : vector<1152x128xi32>
    %ne3A_1201 = arith.constant 0 : i32
    %ne3A_1202 = vector.broadcast %ne3A_1201 : i32 to vector<1152x128xi32>
    %ne3A_1203 = arith.cmpi ne, %rem3A_1200, %ne3A_1202 : vector<1152x128xi32>
    %lt3A_1204 = arith.constant 0 : i32
    %lt3A_1205 = vector.broadcast %lt3A_1204 : i32 to vector<1152x128xi32>
    %lt3A_1206 = arith.cmpi slt, %rem3A_1200, %lt3A_1205 : vector<1152x128xi32>
    %lt3A_1207 = arith.constant 0 : i32
    %lt3A_1208 = arith.cmpi slt, %select_n3A_1198, %lt3A_1207 : i32
    %ne3A_1209 = vector.broadcast %lt3A_1208 : i1 to vector<1152x128xi1>
    %ne3A_1210 = vector.broadcast %ne3A_1209 : vector<1152x128xi1> to vector<1152x128xi1>
    %ne3A_1211 = arith.xori %lt3A_1206, %ne3A_1210 : vector<1152x128xi1>
    %and3A_1212 = arith.andi %ne3A_1211, %ne3A_1203 : vector<1152x128xi1>
    %add3A_1213 = vector.broadcast %select_n3A_1198 : i32 to vector<1152x128xi32>
    %add3A_1214 = arith.addi %rem3A_1200, %add3A_1213 : vector<1152x128xi32>
    %select_n3A_1215 = arith.select %and3A_1212, %add3A_1214, %rem3A_1200 : vector<1152x128xi1>, vector<1152x128xi32>
    %mul3A_1216 = arith.constant 128 : i32
    %mul3A_1217 = vector.broadcast %mul3A_1216 : i32 to vector<1152x128xi32>
    %mul3A_1218 = arith.muli %select_n3A_1215, %mul3A_1217 : vector<1152x128xi32>
    %add3A_1219 = arith.addi %mul3A_1218, %iota3A_1168 : vector<1152x128xi32>
    %mul3A_1220 = arith.constant 9 : i32
    %mul3A_1221 = vector.broadcast %mul3A_1220 : i32 to vector<1152x128xi32>
    %mul3A_1222 = arith.muli %add3A_1219, %mul3A_1221 : vector<1152x128xi32>
    %add3A_1223 = arith.addi %mul3A_1222, %select_n3A_1194 : vector<1152x128xi32>
    %get3A_1224 = arith.constant 0 : index
    %get3A_1225 = arith.constant 0 : index
    %get3A_1226 = arith.constant 0 : index
    %get3A_1227 = vector.load %arg4[%get3A_1224, %get3A_1225, %get3A_1226] : memref<1x1152x128xf32, #tpu.memory_space<vmem>>, vector<1x1152x128xf32>
    %get3A_1228 = vector.shape_cast %get3A_1227 : vector<1x1152x128xf32> to vector<1152x128xf32>
    %reduce_min3A = vector.shape_cast %get3A_1228 : vector<1152x128xf32> to vector<1x1152x128xf32>
    %reduce_min3A_1229 = arith.constant dense<0x7F800000> : vector<1xf32>
    %reduce_min3A_1230 = vector.multi_reduction <minimumf>, %reduce_min3A, %reduce_min3A_1229 [1, 2] : vector<1x1152x128xf32> to vector<1xf32>
    %reduce_min3A_1231 = vector.shape_cast %reduce_min3A_1230 : vector<1xf32> to vector<1x1x1xf32>
    %reduce_min3A_1232 = vector.extract %reduce_min3A_1231[0, 0, 0] : f32 from vector<1x1x1xf32>
    %reduce_max3A = vector.shape_cast %get3A_1228 : vector<1152x128xf32> to vector<1x1152x128xf32>
    %reduce_max3A_1233 = arith.constant dense<0xFF800000> : vector<1xf32>
    %reduce_max3A_1234 = vector.multi_reduction <maximumf>, %reduce_max3A, %reduce_max3A_1233 [1, 2] : vector<1x1152x128xf32> to vector<1xf32>
    %reduce_max3A_1235 = vector.shape_cast %reduce_max3A_1234 : vector<1xf32> to vector<1x1x1xf32>
    %reduce_max3A_1236 = vector.extract %reduce_max3A_1235[0, 0, 0] : f32 from vector<1x1x1xf32>
    %add3A_1237 = arith.constant 1.000000e+00 : f32
    %add3A_1238 = arith.addf %reduce_max3A_1236, %add3A_1237 : f32
    %scan3A = arith.constant 0 : i32
    %scan3A_1239 = arith.constant 60 : i32
    %scan3A_1240 = arith.addi %scan3A, %scan3A_1239 : i32
    %scan3A_1241 = arith.constant 1 : i32
    %scan3A_1242:2 = scf.for %scan3A_1285 = %scan3A to %scan3A_1240 step %scan3A_1241 iter_args(%scan3A_1286 = %reduce_min3A_1232, %scan3A_1287 = %add3A_1238) -> (f32, f32)  : i32 {
      %add3A_1288 = arith.addf %scan3A_1286, %scan3A_1287 : f32
      %mul3A_1289 = arith.constant 5.000000e-01 : f32
      %mul3A_1290 = arith.mulf %mul3A_1289, %add3A_1288 : f32
      %ge3A = vector.broadcast %mul3A_1290 : f32 to vector<1152x128xf32>
      %ge3A_1291 = arith.cmpf oge, %get3A_1228, %ge3A : vector<1152x128xf32>
      %convert_element_type3A_1292 = arith.extui %ge3A_1291 : vector<1152x128xi1> to vector<1152x128xi32>
      %reduce_sum3A_1293 = vector.shape_cast %convert_element_type3A_1292 : vector<1152x128xi32> to vector<1x1152x128xi32>
      %reduce_sum3A_1294 = arith.constant dense<0> : vector<1xi32>
      %reduce_sum3A_1295 = vector.multi_reduction <add>, %reduce_sum3A_1293, %reduce_sum3A_1294 [1, 2] : vector<1x1152x128xi32> to vector<1xi32>
      %reduce_sum3A_1296 = vector.shape_cast %reduce_sum3A_1295 : vector<1xi32> to vector<1x1x1xi32>
      %reduce_sum3A_1297 = vector.extract %reduce_sum3A_1296[0, 0, 0] : i32 from vector<1x1x1xi32>
      %ge3A_1298 = arith.constant 6000 : i32
      %ge3A_1299 = arith.cmpi sge, %reduce_sum3A_1297, %ge3A_1298 : i32
      %select_n3A_1300 = arith.select %ge3A_1299, %mul3A_1290, %scan3A_1286 : f32
      %select_n3A_1301 = arith.select %ge3A_1299, %scan3A_1287, %mul3A_1290 : f32
      scf.yield %select_n3A_1300, %select_n3A_1301 : f32, f32
    }
    %gt3A_1243 = vector.broadcast %scan3A_1242#0 : f32 to vector<1152x128xf32>
    %gt3A_1244 = arith.cmpf ogt, %get3A_1228, %gt3A_1243 : vector<1152x128xf32>
    %convert_element_type3A_1245 = arith.extui %gt3A_1244 : vector<1152x128xi1> to vector<1152x128xi32>
    %reduce_sum3A = vector.shape_cast %convert_element_type3A_1245 : vector<1152x128xi32> to vector<1x1152x128xi32>
    %reduce_sum3A_1246 = arith.constant dense<0> : vector<1xi32>
    %reduce_sum3A_1247 = vector.multi_reduction <add>, %reduce_sum3A, %reduce_sum3A_1246 [1, 2] : vector<1x1152x128xi32> to vector<1xi32>
    %reduce_sum3A_1248 = vector.shape_cast %reduce_sum3A_1247 : vector<1xi32> to vector<1x1x1xi32>
    %reduce_sum3A_1249 = vector.extract %reduce_sum3A_1248[0, 0, 0] : i32 from vector<1x1x1xi32>
    %sub3A_1250 = arith.constant 6000 : i32
    %sub3A_1251 = arith.subi %sub3A_1250, %reduce_sum3A_1249 : i32
    %eq3A_1252 = vector.broadcast %scan3A_1242#0 : f32 to vector<1152x128xf32>
    %eq3A_1253 = arith.cmpf oeq, %get3A_1228, %eq3A_1252 : vector<1152x128xf32>
    %scan3A_1254 = arith.constant -1 : i32
    %scan3A_1255 = arith.constant 147455 : i32
    %scan3A_1256 = arith.constant 0 : i32
    %scan3A_1257 = arith.constant 18 : i32
    %scan3A_1258 = arith.addi %scan3A_1256, %scan3A_1257 : i32
    %scan3A_1259 = arith.constant 1 : i32
    %scan3A_1260:2 = scf.for %scan3A_1285 = %scan3A_1256 to %scan3A_1258 step %scan3A_1259 iter_args(%scan3A_1286 = %scan3A_1254, %scan3A_1287 = %scan3A_1255) -> (i32, i32)  : i32 {
      %add3A_1288 = arith.addi %scan3A_1286, %scan3A_1287 : i32
      %jit3A_1289 = arith.constant 2 : i32
      %div3A_1290 = arith.divsi %add3A_1288, %jit3A_1289 : i32
      %sign3A_1291 = arith.constant 0 : i32
      %sign3A_1292 = arith.cmpi sgt, %add3A_1288, %sign3A_1291 : i32
      %sign3A_1293 = arith.extui %sign3A_1292 : i1 to i32
      %sign3A_1294 = arith.constant 0 : i32
      %sign3A_1295 = arith.cmpi slt, %add3A_1288, %sign3A_1294 : i32
      %sign3A_1296 = arith.extui %sign3A_1295 : i1 to i32
      %sign3A_1297 = arith.subi %sign3A_1293, %sign3A_1296 : i32
      %sign3A_1298 = arith.constant 0 : i32
      %sign3A_1299 = arith.cmpi sgt, %jit3A_1289, %sign3A_1298 : i32
      %sign3A_1300 = arith.extui %sign3A_1299 : i1 to i32
      %sign3A_1301 = arith.constant 0 : i32
      %sign3A_1302 = arith.cmpi slt, %jit3A_1289, %sign3A_1301 : i32
      %sign3A_1303 = arith.extui %sign3A_1302 : i1 to i32
      %sign3A_1304 = arith.subi %sign3A_1300, %sign3A_1303 : i32
      %ne3A_1305 = arith.cmpi ne, %sign3A_1297, %sign3A_1304 : i32
      %rem3A_1306 = arith.remsi %add3A_1288, %jit3A_1289 : i32
      %ne3A_1307 = arith.constant 0 : i32
      %ne3A_1308 = arith.cmpi ne, %rem3A_1306, %ne3A_1307 : i32
      %and3A_1309 = arith.andi %ne3A_1305, %ne3A_1308 : i1
      %sub3A_1310 = arith.constant 1 : i32
      %sub3A_1311 = arith.subi %div3A_1290, %sub3A_1310 : i32
      %select_n3A_1312 = arith.select %and3A_1309, %sub3A_1311, %div3A_1290 : i32
      %le3A_1313 = vector.broadcast %select_n3A_1312 : i32 to vector<1152x128xi32>
      %le3A_1314 = arith.cmpi sle, %add3A_1223, %le3A_1313 : vector<1152x128xi32>
      %and3A_1315 = arith.andi %eq3A_1253, %le3A_1314 : vector<1152x128xi1>
      %convert_element_type3A_1316 = arith.extui %and3A_1315 : vector<1152x128xi1> to vector<1152x128xi32>
      %reduce_sum3A_1317 = vector.shape_cast %convert_element_type3A_1316 : vector<1152x128xi32> to vector<1x1152x128xi32>
      %reduce_sum3A_1318 = arith.constant dense<0> : vector<1xi32>
      %reduce_sum3A_1319 = vector.multi_reduction <add>, %reduce_sum3A_1317, %reduce_sum3A_1318 [1, 2] : vector<1x1152x128xi32> to vector<1xi32>
      %reduce_sum3A_1320 = vector.shape_cast %reduce_sum3A_1319 : vector<1xi32> to vector<1x1x1xi32>
      %reduce_sum3A_1321 = vector.extract %reduce_sum3A_1320[0, 0, 0] : i32 from vector<1x1x1xi32>
      %ge3A = arith.cmpi sge, %reduce_sum3A_1321, %sub3A_1251 : i32
      %select_n3A_1322 = arith.select %ge3A, %scan3A_1286, %select_n3A_1312 : i32
      %select_n3A_1323 = arith.select %ge3A, %select_n3A_1312, %scan3A_1287 : i32
      scf.yield %select_n3A_1322, %select_n3A_1323 : i32, i32
    }
    %gt3A_1261 = vector.broadcast %scan3A_1242#0 : f32 to vector<1152x128xf32>
    %gt3A_1262 = arith.cmpf ogt, %get3A_1228, %gt3A_1261 : vector<1152x128xf32>
    %le3A = vector.broadcast %scan3A_1260#1 : i32 to vector<1152x128xi32>
    %le3A_1263 = arith.cmpi sle, %add3A_1223, %le3A : vector<1152x128xi32>
    %and3A_1264 = arith.andi %eq3A_1253, %le3A_1263 : vector<1152x128xi1>
    %or3A_1265 = arith.ori %gt3A_1262, %and3A_1264 : vector<1152x128xi1>
    %jit3A_1266 = arith.constant 0xFF800000 : f32
    %broadcast_in_dim3A_1267 = vector.broadcast %jit3A_1266 : f32 to vector<1152x128xf32>
    %select_n3A_1268 = arith.select %or3A_1265, %get3A_1228, %broadcast_in_dim3A_1267 : vector<1152x128xi1>, vector<1152x128xf32>
    %swap3A_1269 = arith.constant 0 : index
    %swap3A_1270 = arith.constant 0 : index
    %swap3A_1271 = arith.constant 0 : index
    %swap3A_1272 = vector.load %arg4[%swap3A_1269, %swap3A_1270, %swap3A_1271] : memref<1x1152x128xf32, #tpu.memory_space<vmem>>, vector<1x1152x128xf32>
    %swap3A_1273 = vector.shape_cast %swap3A_1272 : vector<1x1152x128xf32> to vector<1152x128xf32>
    %swap3A_1274 = vector.shape_cast %select_n3A_1268 : vector<1152x128xf32> to vector<1x1152x128xf32>
    tpu.vector_store %arg4[%swap3A_1269, %swap3A_1270, %swap3A_1271], %swap3A_1274 {strides = array<i32>} : memref<1x1152x128xf32, #tpu.memory_space<vmem>>, vector<1x1152x128xf32>,
    %convert_element_type3A_1275 = arith.sitofp %add3A_1223 : vector<1152x128xi32> to vector<1152x128xf32>
    %jit3A_1276 = arith.constant 0x7F800000 : f32
    %broadcast_in_dim3A_1277 = vector.broadcast %jit3A_1276 : f32 to vector<1152x128xf32>
    %select_n3A_1278 = arith.select %or3A_1265, %convert_element_type3A_1275, %broadcast_in_dim3A_1277 : vector<1152x128xi1>, vector<1152x128xf32>
    %swap3A_1279 = arith.constant 0 : index
    %swap3A_1280 = arith.constant 0 : index
    %swap3A_1281 = arith.constant 0 : index
    %swap3A_1282 = vector.load %arg9[%swap3A_1279, %swap3A_1280, %swap3A_1281] : memref<1x1152x128xf32, #tpu.memory_space<vmem>>, vector<1x1152x128xf32>
    %swap3A_1283 = vector.shape_cast %swap3A_1282 : vector<1x1152x128xf32> to vector<1152x128xf32>
    %swap3A_1284 = vector.shape_cast %select_n3A_1278 : vector<1152x128xf32> to vector<1x1152x128xf32>
    tpu.vector_store %arg9[%swap3A_1279, %swap3A_1280, %swap3A_1281], %swap3A_1284 {strides = array<i32>} : memref<1x1152x128xf32, #tpu.memory_space<vmem>>, vector<1x1152x128xf32>,
    return
  }
  func.func @transform_0(%arg0: i32) -> (i32, i32) {
    %c0_i32 = arith.constant 0 : i32
    %c0_i32_0 = arith.constant 0 : i32
    %c0_i32_1 = arith.constant 0 : i32
    return %c0_i32, %c0_i32_0 : i32, i32
  }
  func.func @transform_1(%arg0: i32) -> (i32, i32, i32, i32) {
    %c0_i32 = arith.constant 0 : i32
    %c0_i32_0 = arith.constant 0 : i32
    %c0_i32_1 = arith.constant 0 : i32
    %c0_i32_2 = arith.constant 0 : i32
    return %arg0, %c0_i32, %c0_i32_0, %c0_i32_1 : i32, i32, i32, i32
  }
  func.func @transform_2(%arg0: i32) -> (i32, i32, i32, i32) {
    %c0_i32 = arith.constant 0 : i32
    %c0_i32_0 = arith.constant 0 : i32
    %c0_i32_1 = arith.constant 0 : i32
    %c0_i32_2 = arith.constant 0 : i32
    return %arg0, %c0_i32, %c0_i32_0, %c0_i32_1 : i32, i32, i32, i32
  }
  func.func @transform_3(%arg0: i32) -> (i32, i32, i32) {
    %c0_i32 = arith.constant 0 : i32
    %c0_i32_0 = arith.constant 0 : i32
    %c0_i32_1 = arith.constant 0 : i32
    return %arg0, %c0_i32, %c0_i32_0 : i32, i32, i32
  }
  func.func @transform_4(%arg0: i32) -> (i32, i32, i32) {
    %c0_i32 = arith.constant 0 : i32
    %c0_i32_0 = arith.constant 0 : i32
    %c0_i32_1 = arith.constant 0 : i32
    return %arg0, %c0_i32, %c0_i32_0 : i32, i32, i32
  }
  func.func @transform_5(%arg0: i32) -> (i32, i32, i32) {
    %c0_i32 = arith.constant 0 : i32
    %c0_i32_0 = arith.constant 0 : i32
    %c0_i32_1 = arith.constant 0 : i32
    return %arg0, %c0_i32, %c0_i32_0 : i32, i32, i32
  }
  func.func @transform_6(%arg0: i32) -> (i32, i32, i32) {
    %c0_i32 = arith.constant 0 : i32
    %c0_i32_0 = arith.constant 0 : i32
    %c0_i32_1 = arith.constant 0 : i32
    return %arg0, %c0_i32, %c0_i32_0 : i32, i32, i32
  }
  func.func @transform_7(%arg0: i32) -> (i32, i32, i32) {
    %c0_i32 = arith.constant 0 : i32
    %c0_i32_0 = arith.constant 0 : i32
    %c0_i32_1 = arith.constant 0 : i32
    return %arg0, %c0_i32, %c0_i32_0 : i32, i32, i32
  }
  func.func @transform_8(%arg0: i32) -> (i32, i32, i32) {
    %c0_i32 = arith.constant 0 : i32
    %c0_i32_0 = arith.constant 0 : i32
    %c0_i32_1 = arith.constant 0 : i32
    return %arg0, %c0_i32, %c0_i32_0 : i32, i32, i32
  }
}

</mosaic_0001>

<sc_bundles>
// kernel: kernel.5.cloned.1.call-start
scs
__scs_entry_jumppad:
0x0: {  	(pc) =	sbr.rel $0x88, $3  }
0x1: {  	(tag) =	ssettag $0x0;
	lr =	simm.s32 $0x1  }
0x2: {  	[smem:$0x3F9D] =	sst lr;
	_ =	strace $0xD0000000  }
0x3: {  	_ = 	snop  }
0x4: {  	_ = 	snop  }
0x5: {  	_ = 	snop  }
0x6: {  	_ = 	snop  }
0x7: {  	_ = 	snop  }
__scs_overlays_trampoline_lowered:
0x8: {  	[smem:$0x3FAC] =	sst s0  }
0x9: {  	[smem:$0x3FAD] =	sst s1  }
0xa: {  	[smem:$0x3FAE] =	sst s2  }
0xb: {  	[smem:$0x3FAF] =	sst s3  }
0xc: {  	[smem:$0x3FB0] =	sst s4  }
0xd: {  	[smem:$0x3FB1] =	sst s5  }
0xe: {  	[smem:$0x3FB2] =	sst s6  }
0xf: {  	[smem:$0x3FB3] =	sst s7  }
0x10: {  	[smem:$0x3FB4] =	sst s8  }
0x11: {  	[smem:$0x3FB5] =	sst s9;
	s0 =	simm.s32 @!p0 $0x0  }
0x12: {  	s1 =	sld [smem:$0x3F9B];
	s0 =	simm.s32 @p0 $0x1  }
0x13: {  	[smem:$0x3FB6] =	sst s0;
	s0 =	simm.s32 @!p1 $0x0  }
0x14: {  	s2 =	sld [smem:$0x3F9A];
	s0 =	simm.s32 @p1 $0x1  }
0x15: {  	[smem:$0x3FB7] =	sst s0;
	s0 =	simm.s32 @!p2 $0x0  }
0x16: {  	s3 =	sld [smem:$0x3FDB];
	s0 =	simm.s32 @p2 $0x1  }
0x17: {  	s4 =	simm.s32 $0x1BF5;
	[smem:$0x3FB9] =	sst s0  }
0x18: {  	s0 =	sld [smem:$0x3F9C];
	_ =	swait.ge [sflag:s4], $0x0  }
0x19: {  	s7 =	sld [smem:$0x3F9D]  }
0x1a: {  	s8 =	sadd.s32 $0xFFFFE003, lr  }
0x1b: {  	s9 =	sadd.s32 $0xFFFFFEF7, lr;
	s5 =	simm.s32 $0xFFFFFFFF;
	p2 =	slt.u32 s8, $0xFFFFF086  }
0x1c: {  	p1 =	slt.u32 s9, $0xF7A;
	s5 =	simm.s32 @!p2 $0x0  }
0x1d: {  	s5 =	simm.s32 @p1 $0x1;
	p0 =	seq.s32 s7, s2  }
0x1e: {  	s7 =	smul.u32 @!p0 $0xF7A, s2;
	p2 =	seq.s32 @!p0 s5, $0x0  }
0x1f: {  	s9 =	smul.u32 $0xF7A, s1;
	s8 =	simm.s32 @!p0 $0x1BF5;
	p2 =	por !p2, p0  }
0x20: {  	[sflag:s8] =	ssyncset.s32 @!p0 $0xFFFFF086;
	s6 =	sadd.s32 @!p0 s3, s7;
	s7 =	simm.s32 @!p0 $0x108  }
0x21: {  	s3 =	sadd.s32 s3, s9;
	s6 =	sadd.s32 @!p0 $0x88, s6;
	s7 =	simm.s32 @p2 $0x1082  }
0x22: {  	[simem:s7], [sflag:s8] =	dma.local @!p0 [hbm:s6], $0xF7A  }
0x23: {  	s9 =	sor.u32 $0xD0000000, s2;
	s6 =	simm.s32 $0x108;
	_ =	swait.ge @!p0 [sflag:s8], $0x0  }
0x24: {  	s3 =	sadd.s32 $0x88, s3;
	s6 =	simm.s32 @!p1 $0x1082;
	[sflag:s4] =	ssyncset.s32 $0xFFFFF086  }
0x25: {  	[simem:s6], [sflag:s4] =	dma.local [hbm:s3], $0xF7A  }
0x26: {  	[smem:$0x3F9D] =	sst s1;
	(tag) =	ssettag s2;
	_ =	strace s9  }
0x27: {  	s1 =	sld [smem:$0x3FAD]  }
0x28: {  	s2 =	sld [smem:$0x3FAE]  }
0x29: {  	s4 =	sld [smem:$0x3FB0]  }
0x2a: {  	p0 =	seq.s32 s5, $0x0;
	s5 =	sld [smem:$0x3FB1]  }
0x2b: {  	s6 =	sld [smem:$0x3FB2]  }
0x2c: {  	s7 =	sld [smem:$0x3FB3]  }
0x2d: {  	s3 =	simm.s32 $0x108;
	s8 =	sld [smem:$0x3FB4]  }
0x2e: {  	s3 =	simm.s32 @!p0 $0x1082;
	s9 =	sld [smem:$0x3FB5]  }
0x2f: {  	lr =	sadd.s32 s0, s3;
	s0 =	sld [smem:$0x3FAC]  }
0x30: {  	s3 =	sld [smem:$0x3FAF]  }
0x31: {  	[smem:$0x3FB8] =	sst s10  }
0x32: {  	s10 =	sld [smem:$0x3FB6];
	_ =	sdelay $0x3  }
0x33: {  	p0 =	seq.s32 s10, $0x1;
	s10 =	sld [smem:$0x3FB8];
	_ =	sdelay $0x3  }
0x34: {  	[smem:$0x3FB8] =	sst s10  }
0x35: {  	s10 =	sld [smem:$0x3FB7];
	_ =	sdelay $0x3  }
0x36: {  	p1 =	seq.s32 s10, $0x1;
	s10 =	sld [smem:$0x3FB8];
	_ =	sdelay $0x3  }
0x37: {  	[smem:$0x3FB8] =	sst s10  }
0x38: {  	s10 =	sld [smem:$0x3FB9]  }
0x39: {  	_ = 	snop;
	(pc) =	sbr.ind lr, $3  }
0x3a: {  	_ = 	snop  }
0x3b: {  	_ = 	snop  }
0x3c: {  	p2 =	seq.s32 s10, $0x1;
	s10 =	sld [smem:$0x3FB8]  }
0x3d: {  	_ =	shalt  }
0x3e: {  	_ =	shalt  }
0x3f: {  	_ =	shalt  }
0x40: {  	_ =	shalt  }
0x41: {  	_ =	shalt  }
0x42: {  	_ =	shalt  }
0x43: {  	_ =	shalt  }
0x44: {  	_ =	shalt  }
0x45: {  	_ =	shalt  }
0x46: {  	_ =	shalt  }
0x47: {  	_ =	shalt  }
0x48: {  	_ =	shalt  }
0x49: {  	_ =	shalt  }
0x4a: {  	_ =	shalt  }
0x4b: {  	_ =	shalt  }
0x4c: {  	_ =	shalt  }
0x4d: {  	_ =	shalt  }
0x4e: {  	_ =	shalt  }
0x4f: {  	_ =	shalt  }
0x50: {  	_ =	shalt  }
0x51: {  	_ =	shalt  }
0x52: {  	_ =	shalt  }
0x53: {  	_ =	shalt  }
0x54: {  	_ =	shalt  }
0x55: {  	_ =	shalt  }
0x56: {  	_ =	shalt  }
0x57: {  	_ =	shalt  }
0x58: {  	_ =	shalt  }
0x59: {  	_ =	shalt  }
0x5a: {  	_ =	shalt  }
0x5b: {  	_ =	shalt  }
0x5c: {  	_ =	shalt  }
0x5d: {  	_ =	shalt  }
0x5e: {  	_ =	shalt  }
0x5f: {  	_ =	shalt  }
0x60: {  	_ =	shalt  }
0x61: {  	_ =	shalt  }
0x62: {  	_ =	shalt  }
0x63: {  	_ =	shalt  }
0x64: {  	_ =	shalt  }
0x65: {  	_ =	shalt  }
0x66: {  	_ =	shalt  }
0x67: {  	_ =	shalt  }
0x68: {  	_ =	shalt  }
0x69: {  	_ =	shalt  }
0x6a: {  	_ =	shalt  }
0x6b: {  	_ =	shalt  }
0x6c: {  	_ =	shalt  }
0x6d: {  	_ =	shalt  }
0x6e: {  	_ =	shalt  }
0x6f: {  	_ =	shalt  }
0x70: {  	_ =	shalt  }
0x71: {  	_ =	shalt  }
0x72: {  	_ =	shalt  }
0x73: {  	_ =	shalt  }
0x74: {  	_ =	shalt  }
0x75: {  	_ =	shalt  }
0x76: {  	_ =	shalt  }
0x77: {  	_ =	shalt  }
0x78: {  	_ =	shalt  }
0x79: {  	_ =	shalt  }
0x7a: {  	_ =	shalt  }
0x7b: {  	_ =	shalt  }
0x7c: {  	_ =	shalt  }
0x7d: {  	_ =	shalt  }
0x7e: {  	_ =	shalt  }
0x7f: {  	_ =	shalt  }
0x80: {  	_ =	shalt  }
0x81: {  	_ =	shalt  }
0x82: {  	_ =	shalt  }
0x83: {  	_ =	shalt  }
0x84: {  	_ =	shalt  }
0x85: {  	_ =	shalt  }
0x86: {  	_ =	shalt  }
0x87: {  	_ =	shalt  }
.Lfunc_end0:
.L_simem_size_0:
called_computation_lowered:
.L_overlay_start_0:
0x88: {  	s2 =	sld [smem:$0x3FD9]  }
0x89: {  	s3 =	sld [smem:$0x3FFE];
	_ =	sdelay $0x1  }
0x8a: {  	s1 =	srdreg.scid  }
0x8b: {  	s0 =	sand.u32 $0x1, s1  }
0x8c: {  	s16 =	sshll.u32 s0, $0xA;
	s2 =	sadd.s32 s3, s2  }
0x8d: {  	s2 =	sadd.s32 s2, s16  }
0x8e: {  	[smem:$0x3FC4] =	sst s2  }
0x8f: {  	_ = 	snop  }
0x90: {  	(tm) =	ssettm $0x1  }
0x91: {  	s17 =	sld [smem:$0x3FFB];
	_ =	sdelay $0x3  }
0x92: {  	_ =	strace s17  }
0x93: {  	s2 =	sld [smem:$0x3FFC];
	_ =	sdelay $0x3  }
0x94: {  	_ =	strace s2  }
0x95: {  	s2 =	sld [smem:$0x3FFD];
	_ =	sdelay $0x3  }
0x96: {  	_ =	strace s2  }
0x97: {  	_ =	strace $0x8FFFFFFF  }
0x98: {  	s18 =	sld [smem:$0x3FDB];
	_ =	sdelay $0x1  }
0x99: {  	s19 =	simm.s32 $_scs_section_size  }
0x9a: {  	s4 =	simm.s32 $_size__tile_overlayer_lowered;
	s5 =	simm.s32 $_tile_overlayer_lowered  }
0x9b: {  	s22 =	simm.s32 $0x1BFF;
	s21 =	sshll.u32 s5, $0x1;
	s2 =	sadd.s32 s19, s18  }
0x9c: {  	s6 =	simm.s32 $0x0;
	s20 =	sshll.u32 s4, $0x1;
	s4 =	sadd.s32 s21, s2  }
0x9d: {  	[timem:s6], [sflag:s22] =	dma.local [hbm:s4], s20  }
0x9e: {  	_ =	swait.ge [sflag:s22], s20  }
0x9f: {  	s3 =	ssub.s32 $0x0, s20;
	[sflag:s22] =	ssyncset.done $0x0  }
0xa0: {  	[sflag:s22] =	ssyncadd.s32 s3;
	_ =	sdelay $0x1  }
0xa1: {  	s23 =	simm.s32 $0x1B8B  }
0xa2: {  	_ =	swait.ge [sflag:s23], $0x1  }
0xa3: {  	[sflag:s23] =	ssyncset.done $0x0  }
0xa4: {  	s25 =	simm.s32 $0x1B8E;
	s24 =	sld [smem:$0x3FFE];
	[sflag:s23] =	ssyncadd.s32 $0xFFFFFFFF  }
0xa5: {  	s26 =	simm.s32 $execute0_lowered;
	[smem:$0x3FD2] =	sst s25  }
0xa6: {  	s4 =	sshll.u32 s26, $0x1;
	_ =	strace $0x80000046;
	[dreg:$0x1] =	wrdreg $0xFFFFFFFF  }
0xa7: {  	s28 =	simm.s32 $_size_execute0_lowered;
	s2 =	sadd.s32 s2, s4;
	[dreg:$0x0] =	wrdreg $0x0  }
0xa8: {  	s4 =	sshll.u32 s28, $0x1;
	[dreg:$0x2] =	wrdreg s2  }
0xa9: {  	[dreg:$0x3] =	wrdreg s4  }
0xaa: {  	[dreg:$0x4] =	wrdreg $0xC0  }
0xab: {  	_ =	task [dreg:s6], $0x5FFFF  }
0xac: {  	[dreg:$0x1] =	wrdreg $0xFFFFFFFF  }
0xad: {  	[dreg:$0x0] =	wrdreg $0x60  }
0xae: {  	[dreg:$0x2] =	wrdreg s24  }
0xaf: {  	[dreg:$0x3] =	wrdreg $0x9  }
0xb0: {  	_ =	task.clear_ibuf [dreg:s6], $0x4FFFF;
	_ =	strace $0x90000046  }
0xb1: {  	s29 =	simm.s32 $0x9;
	_ =	strace $0x80000048  }
0xb2: {  	_ =	swait.ge [sflag:s29], $0x1  }
0xb3: {  	[sflag:s29] =	ssyncadd.s32 $0xFFFFFFFF  }
0xb4: {  	_ =	strace $0x90000048  }
0xb5: {  	_ =	sfence  }
0xb6: {  	s30 =	sld [smem:$0x0];
	_ =	sdelay $0x2  }
0xb7: {  	s31 =	sshll.u32 s1, $0xD;
	s1 =	sshrl.u32 s1, $0x2  }
0xb8: {  	s3 =	sand.u32 $0x4000, s31;
	s1 =	sadd.s32 s1, s30  }
0xb9: {  	s0 =	sor.u32 s3, s0;
	s1 =	sshll.u32 s1, $0x11  }
0xba: {  	s0 =	sor.u32 s1, s0  }
0xbb: {  	s0 =	sadd.s32 $0x8F2B, s0  }
0xbc: {  	[sflag:s0] =	ssyncadd.remote.s32 $0x1  }
0xbd: {  	_ =	sfence.sel $0xFFFF  }
0xbe: {  	[dreg:$0x0] =	wrdreg $0xFFFFFFFF;
	(pc) =	sbr.abs _section_cstart, $3  }
0xbf: {  	[dreg:$0x1] =	wrdreg $0xFFFFFFFF  }
0xc0: {  	_ =	task.clear_ibuf [dreg:s6], $0x2FFFF;
	_ =	strace $0x9FFFFFFF  }
0xc1: {  	(tm) =	ssettm $0x7FFFFFFF  }
tec
execute0_lowered:
.L_overlay_start_1:
0x0: {  	(tag) =	ssettag $0x1  }
0x1: {  	s0 =	rddreg [dreg:$0x0]  }
0x2: {  	s1 =	simm.s32 $0x0;
	s8 =	srdreg.scid;
	s10 =	stileid.u32  }
0x3: {  	s29 =	simm.s32 $0x80;
	s30 =	simm.s32 $0x100;
	s31 =	simm.s32 $0x1  }
0x4: {  	[smem:$0x7FF] =	sst s1;
	s8 =	sand.u32 $0x1, s8;
	s10 =	sshll.u32 s10, $0x1  }
0x5: {  	s22 =	sadd.s32 $0x1000, s0;
	s12 =	ssub.s32 $0x2, s8;
	s8 =	sor.u32 s8, s10  }
0x6: {  	s2 =	sadd.s32 $0xA000, s0;
	s3 =	sadd.s32 $0x13000, s0;
	s14 =	smul.u32 $0x480, s8  }
0x7: {  	s4 =	sadd.s32 $0x1C000, s0;
	s5 =	sadd.s32 $0x25000, s0;
	s6 =	sadd.s32 $0x2E000, s0  }
0x8: {  	s7 =	sadd.s32 $0x37000, s0;
	s9 =	sadd.s32 $0x37C00, s0;
	s23 =	sadd.s32 s22, s14  }
0x9: {  	s11 =	sadd.s32 $0x38800, s0;
	s24 =	sadd.s32 s2, s14;
	[dreg:$0x2] =	wrdreg s23  }
0xa: {  	s20 =	sadd.s32 $0x3A000, s0;
	s25 =	sadd.s32 s3, s14;
	[dreg:$0x3] =	wrdreg s24  }
0xb: {  	s10 =	sadd.s32 $0x39400, s0;
	s26 =	sadd.s32 s4, s14;
	[dreg:$0x4] =	wrdreg s25  }
0xc: {  	s8 =	smul.u32 $0x60, s8;
	s15 =	sadd.s32 s5, s14;
	[dreg:$0x5] =	wrdreg s26  }
0xd: {  	s0 =	sadd.s32 $0x3AC00, s0;
	s16 =	sadd.s32 s6, s14;
	[dreg:$0x6] =	wrdreg s15  }
0xe: {  	s13 =	sshrl.u32 s12, $0x1;
	s17 =	sadd.s32 s7, s8;
	[dreg:$0x7] =	wrdreg s16  }
0xf: {  	s12 =	ssub.s32 s12, s13;
	s19 =	sadd.s32 s9, s8;
	[dreg:$0x8] =	wrdreg s17  }
0x10: {  	s18 =	sor.u32 $0x10, s14;
	s21 =	sadd.s32 s11, s8;
	[dreg:$0x9] =	wrdreg s19  }
0x11: {  	s28 =	smax.u32 s12, $0x1;
	[dreg:$0xa] =	wrdreg s21;
	s1 =	sadd.s32 s22, s18  }
0x12: {  	s22 =	sadd.s32 s2, s18;
	s23 =	sadd.s32 s3, s18;
	s24 =	sadd.s32 s4, s18  }
0x13: {  	s25 =	sadd.s32 s5, s18;
	s16 =	sadd.s32 s6, s18;
	s17 =	sadd.s32 s10, s8  }
0x14: {  	s18 =	sadd.s32 s20, s8;
	s19 =	sadd.s32 s0, s8;
	[dreg:$0xb] =	wrdreg s1  }
0x15: {  	s26 =	sor.u32 $0x10, s8;
	s2 =	simm.s32 $0x4800;
	[dreg:$0xc] =	wrdreg s22  }
0x16: {  	s3 =	simm.s32 $0x5A00;
	s4 =	simm.s32 $0x6C00;
	[dreg:$0xd] =	wrdreg s23  }
0x17: {  	s5 =	simm.s32 $0x6E00;
	s6 =	simm.s32 $0x7000;
	[dreg:$0xe] =	wrdreg s24  }
0x18: {  	s8 =	simm.s32 $0x7400;
	[dreg:$0xf] =	wrdreg s25;
	s21 =	sadd.s32 s7, s26  }
0x19: {  	s22 =	sadd.s32 s9, s26;
	s23 =	sadd.s32 s11, s26;
	s24 =	sadd.s32 s10, s26  }
0x1a: {  	s25 =	sadd.s32 s20, s26;
	s26 =	sadd.s32 s0, s26;
	s20 =	simm.s32 $0x1200  }
0x1b: {  	v0 =	vimm.f32 $-Inf;
	v1 =	vimm.f32 $0.0e+00;
	v4 =	vlaneseq.u32;
	s1 =	simm.s32 $0x2400;
	s0 =	simm.s32 $0x3600;
	s7 =	simm.s32 $0x7200  }
0x1c: {  	v2 =	vimm.f32 $+Inf;
	v3 =	vimm.s32 $0x0;
	v4 =	vor.u32 $0x190, v4;
	s9 =	simm.s32 $0x7600;
	s10 =	simm.s32 $0x0;
	_ =	strace $0x80000047  }
.LBB2_1:
0x1d: {  	s11 =	simm.s32 $0x0;
	s12 =	rddreg [dreg:$0x2]  }
0x1e: {  	[tilespmem:s11], [sflag:$0x1] =	stream.strided.gather [hbm4b:s12+s29], $0x1200, s30, s29, $0x38;
	[tilespmem:$0x7800] =	vst v63  }
0x1f: {  	_ =	swait.ge [sflag:s31], $0x1200  }
0x20: {  	[sflag:s31] =	ssyncset.done $0x0  }
0x21: {  	s15 =	rddreg [dreg:$0x3];
	[sflag:s31] =	ssyncadd.s32 $0xFFFFEE00  }
0x22: {  	[tilespmem:s20], [sflag:$0x1] =	stream.strided.gather [hbm4b:s15+s29], $0x1200, s30, s29, $0x38;
	[tilespmem:$0x7800] =	vst v63  }
0x23: {  	_ =	swait.ge [sflag:s31], $0x1200  }
0x24: {  	[sflag:s31] =	ssyncset.done $0x0  }
0x25: {  	s12 =	rddreg [dreg:$0x4];
	[sflag:s31] =	ssyncadd.s32 $0xFFFFEE00  }
0x26: {  	[tilespmem:s1], [sflag:$0x1] =	stream.strided.gather [hbm4b:s12+s29], $0x1200, s30, s29, $0x38;
	[tilespmem:$0x7800] =	vst v63  }
0x27: {  	_ =	swait.ge [sflag:s31], $0x1200  }
0x28: {  	[sflag:s31] =	ssyncset.done $0x0  }
0x29: {  	s13 =	rddreg [dreg:$0x5];
	[sflag:s31] =	ssyncadd.s32 $0xFFFFEE00  }
0x2a: {  	[tilespmem:s0], [sflag:$0x1] =	stream.strided.gather [hbm4b:s13+s29], $0x1200, s30, s29, $0x38;
	[tilespmem:$0x7800] =	vst v63  }
0x2b: {  	_ =	swait.ge [sflag:s31], $0x1200  }
0x2c: {  	[sflag:s31] =	ssyncset.done $0x0  }
0x2d: {  	s14 =	rddreg [dreg:$0x6];
	[sflag:s31] =	ssyncadd.s32 $0xFFFFEE00  }
0x2e: {  	[tilespmem:s2], [sflag:$0x1] =	stream.strided.gather [hbm4b:s14+s29], $0x1200, s30, s29, $0x38;
	[tilespmem:$0x7800] =	vst v63  }
0x2f: {  	_ =	swait.ge [sflag:s31], $0x1200  }
0x30: {  	[sflag:s31] =	ssyncset.done $0x0  }
0x31: {  	s15 =	rddreg [dreg:$0x7];
	[sflag:s31] =	ssyncadd.s32 $0xFFFFEE00  }
0x32: {  	[tilespmem:s3], [sflag:$0x1] =	stream.strided.gather [hbm4b:s15+s29], $0x1200, s30, s29, $0x38;
	[tilespmem:$0x7800] =	vst v63  }
0x33: {  	_ =	swait.ge [sflag:s31], $0x1200  }
0x34: {  	[sflag:s31] =	ssyncset.done $0x0  }
0x35: {  	s11 =	simm.s32 $0x0;
	[sflag:s31] =	ssyncadd.s32 $0xFFFFEE00  }
0x36: {  	[tilespmem:s11+$0x7600] =	vst v2  }
0x37: {  	[tilespmem:s11+$0x6C00] =	vst v0  }
0x38: {  	[tilespmem:s11+$0x6E00] =	vst v1  }
0x39: {  	[tilespmem:s11+$0x7000] =	vst v1  }
0x3a: {  	s12 =	simm.s32 $0x40;
	[tilespmem:s11+$0x7200] =	vst v1  }
.LBB2_2:
0x3b: {  	p0 =	sne.s32 s12, $0x640;
	[tilespmem:s11+$0x7400] =	vst v1;
	s11 =	sshra.s32 s12, $0x2;
	s12 =	sadd.s32 $0x40, s12  }
.Ltmp0:
0x3c: {  	[tilespmem:s11+$0x7600] =	vst v2;
	(pc) =	sbr.rel @p0 .LBB2_2-.Ltmp0, $4  }
0x3d: {  	[tilespmem:s11+$0x6C00] =	vst v0  }
0x3e: {  	[tilespmem:s11+$0x6E00] =	vst v1  }
0x3f: {  	[tilespmem:s11+$0x7000] =	vst v1  }
0x40: {  	[tilespmem:s11+$0x7200] =	vst v1  }
0x41: {  	[tilespmem:s11+$0x7400] =	vst v1;
	s14 =	simm.s32 $0x0  }
0x42: {  	v6 =	vld [tilespmem:s14+$0x0];
	_ =	sdelay $0x4  }
0x43: {  	vm0 =	vgt.f32 v6, $-1.000000020e+30  }
0x44: {  	v5 =	vsel vm0, $0x1, v3  }
0x45: {  	(xrf0) =	vadd.scan.msk.s32 $0xffff, v5;
	_ =	sdelay $0x1  }
0x46: {  	s13 =	simm.s32 $0x0  }
0x47: {  	v5 =	vmov s13  }
0x48: {  	v5 =	vadd.s32 $0xFFFFFFFF, v5  }
0x49: {  	v5 =	vbroadcast v5, $0x0  }
0x4a: {  	v7, _, _ =	vpop (xrf0)  }
0x4b: {  	v5 =	vadd.s32 v7, v5  }
0x4c: {  	v5 =	vsel vm0, v5, v4  }
0x4d: {  	v7 =	vxor.u32 $0x80000000, v7  }
0x4e: {  	(xrf0) =	vmax.scan.msk.u32 $0xffff, v7;
	_ =	sdelay $0x2  }
0x4f: {  	[tilespmem:v5+s4+$0x0] =	vst.idx.msk $0xffff, v6  }
0x50: {  	v6 =	vld [tilespmem:s14+$0x1200];
	_ =	sdelay $0x1  }
0x51: {  	v7, _, _ =	vpop (xrf0)  }
0x52: {  	(v2sf) =	vpush v7, $0xF;
	_ =	sdelay $0x1  }
0x53: {  	[tilespmem:v5+s5+$0x0] =	vst.idx.msk $0xffff, v6  }
0x54: {  	v6 =	vld [tilespmem:s14+$0x2400];
	_ =	sdelay $0x4  }
0x55: {  	[tilespmem:v5+s6+$0x0] =	vst.idx.msk $0xffff, v6  }
0x56: {  	v6 =	vld [tilespmem:s14+$0x3600];
	_ =	sdelay $0x4  }
0x57: {  	[tilespmem:v5+s7+$0x0] =	vst.idx.msk $0xffff, v6  }
0x58: {  	s15 =	spop (v2sf);
	v6 =	vld [tilespmem:s14+$0x4800]  }
0x59: {  	s11 =	sadd.s32 $0x0, s15  }
0x5a: {  	s11 =	sadd.s32 $0x80000000, s11  }
0x5b: {  	p0 =	slt.s32 s11, $0x180  }
0x5c: {  	s11 =	simm.s32 @!p0 $0x180  }
0x5d: {  	v7 =	vmov s11;
	[tilespmem:v5+s8+$0x0] =	vst.idx.msk $0xffff, v6  }
0x5e: {  	s12 =	simm.s32 $0x40;
	s13 =	simm.s32 $0x80;
	v6 =	vadd.s32 $0xFFFFFFFF, v7;
	v7 =	vld [tilespmem:s14+$0x5A00]  }
.LBB2_4:
0x5f: {  	_ =	sdelay $0x2  }
0x60: {  	p0 =	sne.s32 s13, $0x47C0  }
0x61: {  	s14 =	sshra.s32 s12, $0x2;
	s12 =	smov.u32 s13;
	s13 =	sadd.s32 $0x40, s13;
	[tilespmem:v5+s9+$0x0] =	vst.idx.msk $0xffff, v7  }
0x62: {  	v7 =	vld [tilespmem:s14+$0x0];
	_ =	sdelay $0x4  }
0x63: {  	vm0 =	vgt.f32 v7, $-1.000000020e+30  }
0x64: {  	v5 =	vsel vm0, $0x1, v3  }
0x65: {  	(xrf0) =	vadd.scan.msk.s32 $0xffff, v5;
	_ =	sdelay $0x4  }
0x66: {  	v5 =	vbroadcast v6, $0x0  }
0x67: {  	v6, _, _ =	vpop (xrf0)  }
0x68: {  	v5 =	vadd.s32 v6, v5;
	v6 =	vxor.u32 $0x80000000, v6  }
0x69: {  	v5 =	vsel vm0, v5, v4;
	(xrf0) =	vmax.scan.msk.u32 $0xffff, v6;
	_ =	sdelay $0x4  }
0x6a: {  	[tilespmem:v5+s4+$0x0] =	vst.idx.msk $0xffff, v7  }
0x6b: {  	v6 =	vld [tilespmem:s14+$0x1200];
	v7, _, _ =	vpop (xrf0)  }
0x6c: {  	(v2sf) =	vpush v7, $0xF;
	_ =	sdelay $0x3  }
0x6d: {  	[tilespmem:v5+s5+$0x0] =	vst.idx.msk $0xffff, v6  }
0x6e: {  	v6 =	vld [tilespmem:s14+$0x2400];
	_ =	sdelay $0x4  }
0x6f: {  	[tilespmem:v5+s6+$0x0] =	vst.idx.msk $0xffff, v6  }
0x70: {  	v6 =	vld [tilespmem:s14+$0x3600];
	_ =	sdelay $0x3  }
0x71: {  	s15 =	spop (v2sf)  }
0x72: {  	[tilespmem:v5+s7+$0x0] =	vst.idx.msk $0xffff, v6;
	s11 =	sadd.s32 s15, s11  }
0x73: {  	v7 =	vld [tilespmem:s14+$0x4800];
	s11 =	sadd.s32 $0x80000000, s11  }
0x74: {  	p1 =	slt.s32 s11, $0x180  }
.Ltmp1:
0x75: {  	s11 =	simm.s32 @!p1 $0x180;
	(pc) =	sbr.rel @p0 .LBB2_4-.Ltmp1, $4  }
0x76: {  	v6 =	vmov s11  }
0x77: {  	v6 =	vadd.s32 $0xFFFFFFFF, v6  }
0x78: {  	[tilespmem:v5+s8+$0x0] =	vst.idx.msk $0xffff, v7  }
0x79: {  	v7 =	vld [tilespmem:s14+$0x5A00]  }
0x7a: {  	_ =	sdelay $0x3  }
0x7b: {  	s11 =	sshra.s32 s12, $0x2;
	[tilespmem:v5+s9+$0x0] =	vst.idx.msk $0xffff, v7  }
0x7c: {  	v5 =	vld [tilespmem:s11+$0x0];
	_ =	sdelay $0x4  }
0x7d: {  	vm0 =	vgt.f32 v5, $-1.000000020e+30  }
0x7e: {  	v7 =	vsel vm0, $0x1, v3  }
0x7f: {  	(xrf0) =	vadd.scan.msk.s32 $0xffff, v7;
	_ =	sdelay $0x4  }
0x80: {  	v6 =	vbroadcast v6, $0x0  }
0x81: {  	v7, _, _ =	vpop (xrf0)  }
0x82: {  	v6 =	vadd.s32 v7, v6  }
0x83: {  	v6 =	vsel vm0, v6, v4;
	_ =	sdelay $0x4  }
0x84: {  	[tilespmem:v6+s4+$0x0] =	vst.idx.msk $0xffff, v5  }
0x85: {  	v5 =	vld [tilespmem:s11+$0x1200];
	_ =	sdelay $0x4  }
0x86: {  	[tilespmem:v6+s5+$0x0] =	vst.idx.msk $0xffff, v5  }
0x87: {  	v5 =	vxor.u32 $0x80000000, v7;
	v7 =	vld [tilespmem:s11+$0x2400]  }
0x88: {  	(xrf0) =	vmax.scan.msk.u32 $0xffff, v5;
	_ =	sdelay $0x3  }
0x89: {  	[tilespmem:v6+s6+$0x0] =	vst.idx.msk $0xffff, v7  }
0x8a: {  	v5 =	vld [tilespmem:s11+$0x3600]  }
0x8b: {  	v7, _, _ =	vpop (xrf0)  }
0x8c: {  	(v2sf) =	vpush v7, $0xF;
	_ =	sdelay $0x2  }
0x8d: {  	[tilespmem:v6+s7+$0x0] =	vst.idx.msk $0xffff, v5  }
0x8e: {  	v5 =	vld [tilespmem:s11+$0x4800];
	_ =	sdelay $0x4  }
0x8f: {  	[tilespmem:v6+s8+$0x0] =	vst.idx.msk $0xffff, v5  }
0x90: {  	v5 =	vld [tilespmem:s11+$0x5A00];
	_ =	sdelay $0x4  }
0x91: {  	s11 =	rddreg [dreg:$0x8];
	s15 =	spop (v2sf);
	[tilespmem:v6+s9+$0x0] =	vst.idx.msk $0xffff, v5  }
0x92: {  	[hbm4b:s11+s29] =	stream.strided.scatter [tilespmem:s4], [sflag:$0x1], $0x180, s30, s29, $0x38;
	[tilespmem:$0x7800] =	vst v63  }
0x93: {  	_ =	swait.ge [sflag:s31], $0x180  }
0x94: {  	[sflag:s31] =	ssyncset.done $0x0  }
0x95: {  	s12 =	rddreg [dreg:$0x9];
	[sflag:s31] =	ssyncadd.s32 $0xFFFFFE80  }
0x96: {  	[hbm4b:s12+s29] =	stream.strided.scatter [tilespmem:s5], [sflag:$0x1], $0x180, s30, s29, $0x38;
	[tilespmem:$0x7800] =	vst v63  }
0x97: {  	_ =	swait.ge [sflag:s31], $0x180  }
0x98: {  	[sflag:s31] =	ssyncset.done $0x0  }
0x99: {  	s13 =	rddreg [dreg:$0xa];
	[sflag:s31] =	ssyncadd.s32 $0xFFFFFE80  }
0x9a: {  	[hbm4b:s13+s29] =	stream.strided.scatter [tilespmem:s6], [sflag:$0x1], $0x180, s30, s29, $0x38;
	[tilespmem:$0x7800] =	vst v63  }
0x9b: {  	_ =	swait.ge [sflag:s31], $0x180  }
0x9c: {  	[sflag:s31] =	ssyncset.done $0x0  }
0x9d: {  	[sflag:s31] =	ssyncadd.s32 $0xFFFFFE80  }
0x9e: {  	[hbm4b:s17+s29] =	stream.strided.scatter [tilespmem:s7], [sflag:$0x1], $0x180, s30, s29, $0x38;
	[tilespmem:$0x7800] =	vst v63  }
0x9f: {  	_ =	swait.ge [sflag:s31], $0x180  }
0xa0: {  	[sflag:s31] =	ssyncset.done $0x0  }
0xa1: {  	[sflag:s31] =	ssyncadd.s32 $0xFFFFFE80  }
0xa2: {  	[hbm4b:s18+s29] =	stream.strided.scatter [tilespmem:s8], [sflag:$0x1], $0x180, s30, s29, $0x38;
	[tilespmem:$0x7800] =	vst v63  }
0xa3: {  	_ =	swait.ge [sflag:s31], $0x180  }
0xa4: {  	[sflag:s31] =	ssyncset.done $0x0  }
0xa5: {  	[sflag:s31] =	ssyncadd.s32 $0xFFFFFE80  }
0xa6: {  	[hbm4b:s19+s29] =	stream.strided.scatter [tilespmem:s9], [sflag:$0x1], $0x180, s30, s29, $0x38;
	[tilespmem:$0x7800] =	vst v63  }
0xa7: {  	_ =	swait.ge [sflag:s31], $0x180  }
0xa8: {  	[sflag:s31] =	ssyncset.done $0x0  }
0xa9: {  	s11 =	simm.s32 $0x0;
	s14 =	rddreg [dreg:$0xb];
	[sflag:s31] =	ssyncadd.s32 $0xFFFFFE80  }
0xaa: {  	[tilespmem:s11], [sflag:$0x1] =	stream.strided.gather [hbm4b:s14+s29], $0x1200, s30, s29, $0x38;
	[tilespmem:$0x7800] =	vst v63  }
0xab: {  	_ =	swait.ge [sflag:s31], $0x1200  }
0xac: {  	[sflag:s31] =	ssyncset.done $0x0  }
0xad: {  	s15 =	rddreg [dreg:$0xc];
	[sflag:s31] =	ssyncadd.s32 $0xFFFFEE00  }
0xae: {  	[tilespmem:s20], [sflag:$0x1] =	stream.strided.gather [hbm4b:s15+s29], $0x1200, s30, s29, $0x38;
	[tilespmem:$0x7800] =	vst v63  }
0xaf: {  	_ =	swait.ge [sflag:s31], $0x1200  }
0xb0: {  	[sflag:s31] =	ssyncset.done $0x0  }
0xb1: {  	s13 =	rddreg [dreg:$0xd];
	[sflag:s31] =	ssyncadd.s32 $0xFFFFEE00  }
0xb2: {  	[tilespmem:s1], [sflag:$0x1] =	stream.strided.gather [hbm4b:s13+s29], $0x1200, s30, s29, $0x38;
	[tilespmem:$0x7800] =	vst v63  }
0xb3: {  	_ =	swait.ge [sflag:s31], $0x1200  }
0xb4: {  	[sflag:s31] =	ssyncset.done $0x0  }
0xb5: {  	s14 =	rddreg [dreg:$0xe];
	[sflag:s31] =	ssyncadd.s32 $0xFFFFEE00  }
0xb6: {  	[tilespmem:s0], [sflag:$0x1] =	stream.strided.gather [hbm4b:s14+s29], $0x1200, s30, s29, $0x38;
	[tilespmem:$0x7800] =	vst v63  }
0xb7: {  	_ =	swait.ge [sflag:s31], $0x1200  }
0xb8: {  	[sflag:s31] =	ssyncset.done $0x0  }
0xb9: {  	s15 =	rddreg [dreg:$0xf];
	[sflag:s31] =	ssyncadd.s32 $0xFFFFEE00  }
0xba: {  	[tilespmem:s2], [sflag:$0x1] =	stream.strided.gather [hbm4b:s15+s29], $0x1200, s30, s29, $0x38;
	[tilespmem:$0x7800] =	vst v63  }
0xbb: {  	_ =	swait.ge [sflag:s31], $0x1200  }
0xbc: {  	[sflag:s31] =	ssyncset.done $0x0  }
0xbd: {  	[sflag:s31] =	ssyncadd.s32 $0xFFFFEE00  }
0xbe: {  	[tilespmem:s3], [sflag:$0x1] =	stream.strided.gather [hbm4b:s16+s29], $0x1200, s30, s29, $0x38;
	[tilespmem:$0x7800] =	vst v63  }
0xbf: {  	_ =	swait.ge [sflag:s31], $0x1200  }
0xc0: {  	[sflag:s31] =	ssyncset.done $0x0  }
0xc1: {  	s12 =	simm.s32 $0x0;
	[sflag:s31] =	ssyncadd.s32 $0xFFFFEE00  }
0xc2: {  	[tilespmem:s12+$0x7600] =	vst v2  }
0xc3: {  	[tilespmem:s12+$0x6C00] =	vst v0  }
0xc4: {  	[tilespmem:s12+$0x6E00] =	vst v1  }
0xc5: {  	[tilespmem:s12+$0x7000] =	vst v1  }
0xc6: {  	s13 =	simm.s32 $0x40;
	[tilespmem:s12+$0x7200] =	vst v1  }
.LBB2_6:
0xc7: {  	p0 =	sne.s32 s13, $0x640;
	[tilespmem:s12+$0x7400] =	vst v1;
	s12 =	sshra.s32 s13, $0x2;
	s13 =	sadd.s32 $0x40, s13  }
.Ltmp2:
0xc8: {  	[tilespmem:s12+$0x7600] =	vst v2;
	(pc) =	sbr.rel @p0 .LBB2_6-.Ltmp2, $4  }
0xc9: {  	[tilespmem:s12+$0x6C00] =	vst v0  }
0xca: {  	[tilespmem:s12+$0x6E00] =	vst v1  }
0xcb: {  	[tilespmem:s12+$0x7000] =	vst v1  }
0xcc: {  	[tilespmem:s12+$0x7200] =	vst v1  }
0xcd: {  	[tilespmem:s12+$0x7400] =	vst v1;
	s14 =	simm.s32 $0x0  }
0xce: {  	v6 =	vld [tilespmem:s14+$0x0];
	_ =	sdelay $0x4  }
0xcf: {  	vm0 =	vgt.f32 v6, $-1.000000020e+30  }
0xd0: {  	v5 =	vsel vm0, $0x1, v3  }
0xd1: {  	(xrf0) =	vadd.scan.msk.s32 $0xffff, v5;
	_ =	sdelay $0x2  }
0xd2: {  	v5 =	vmov s11  }
0xd3: {  	v5 =	vadd.s32 $0xFFFFFFFF, v5  }
0xd4: {  	v5 =	vbroadcast v5, $0x0  }
0xd5: {  	v7, _, _ =	vpop (xrf0)  }
0xd6: {  	v5 =	vadd.s32 v7, v5  }
0xd7: {  	v5 =	vsel vm0, v5, v4  }
0xd8: {  	v7 =	vxor.u32 $0x80000000, v7  }
0xd9: {  	(xrf0) =	vmax.scan.msk.u32 $0xffff, v7;
	_ =	sdelay $0x2  }
0xda: {  	[tilespmem:v5+s4+$0x0] =	vst.idx.msk $0xffff, v6  }
0xdb: {  	v6 =	vld [tilespmem:s14+$0x1200];
	_ =	sdelay $0x1  }
0xdc: {  	v7, _, _ =	vpop (xrf0)  }
0xdd: {  	(v2sf) =	vpush v7, $0xF;
	_ =	sdelay $0x1  }
0xde: {  	[tilespmem:v5+s5+$0x0] =	vst.idx.msk $0xffff, v6  }
0xdf: {  	v6 =	vld [tilespmem:s14+$0x2400];
	_ =	sdelay $0x4  }
0xe0: {  	[tilespmem:v5+s6+$0x0] =	vst.idx.msk $0xffff, v6  }
0xe1: {  	v6 =	vld [tilespmem:s14+$0x3600];
	_ =	sdelay $0x4  }
0xe2: {  	[tilespmem:v5+s7+$0x0] =	vst.idx.msk $0xffff, v6  }
0xe3: {  	s15 =	spop (v2sf);
	v6 =	vld [tilespmem:s14+$0x4800]  }
0xe4: {  	s11 =	sadd.s32 $0x0, s15  }
0xe5: {  	s11 =	sadd.s32 $0x80000000, s11  }
0xe6: {  	p0 =	slt.s32 s11, $0x180  }
0xe7: {  	s11 =	simm.s32 @!p0 $0x180  }
0xe8: {  	v7 =	vmov s11;
	[tilespmem:v5+s8+$0x0] =	vst.idx.msk $0xffff, v6  }
0xe9: {  	s12 =	simm.s32 $0x40;
	s13 =	simm.s32 $0x80;
	v6 =	vadd.s32 $0xFFFFFFFF, v7;
	v7 =	vld [tilespmem:s14+$0x5A00]  }
.LBB2_8:
0xea: {  	_ =	sdelay $0x2  }
0xeb: {  	p0 =	sne.s32 s13, $0x47C0  }
0xec: {  	s14 =	sshra.s32 s12, $0x2;
	s12 =	smov.u32 s13;
	s13 =	sadd.s32 $0x40, s13;
	[tilespmem:v5+s9+$0x0] =	vst.idx.msk $0xffff, v7  }
0xed: {  	v7 =	vld [tilespmem:s14+$0x0];
	_ =	sdelay $0x4  }
0xee: {  	vm0 =	vgt.f32 v7, $-1.000000020e+30  }
0xef: {  	v5 =	vsel vm0, $0x1, v3  }
0xf0: {  	(xrf0) =	vadd.scan.msk.s32 $0xffff, v5;
	_ =	sdelay $0x4  }
0xf1: {  	v5 =	vbroadcast v6, $0x0  }
0xf2: {  	v6, _, _ =	vpop (xrf0)  }
0xf3: {  	v5 =	vadd.s32 v6, v5;
	v6 =	vxor.u32 $0x80000000, v6  }
0xf4: {  	v5 =	vsel vm0, v5, v4;
	(xrf0) =	vmax.scan.msk.u32 $0xffff, v6;
	_ =	sdelay $0x4  }
0xf5: {  	[tilespmem:v5+s4+$0x0] =	vst.idx.msk $0xffff, v7  }
0xf6: {  	v6 =	vld [tilespmem:s14+$0x1200];
	v7, _, _ =	vpop (xrf0)  }
0xf7: {  	(v2sf) =	vpush v7, $0xF;
	_ =	sdelay $0x3  }
0xf8: {  	[tilespmem:v5+s5+$0x0] =	vst.idx.msk $0xffff, v6  }
0xf9: {  	v6 =	vld [tilespmem:s14+$0x2400];
	_ =	sdelay $0x4  }
0xfa: {  	[tilespmem:v5+s6+$0x0] =	vst.idx.msk $0xffff, v6  }
0xfb: {  	v6 =	vld [tilespmem:s14+$0x3600];
	_ =	sdelay $0x3  }
0xfc: {  	s15 =	spop (v2sf)  }
0xfd: {  	[tilespmem:v5+s7+$0x0] =	vst.idx.msk $0xffff, v6;
	s11 =	sadd.s32 s15, s11  }
0xfe: {  	v7 =	vld [tilespmem:s14+$0x4800];
	s11 =	sadd.s32 $0x80000000, s11  }
0xff: {  	p1 =	slt.s32 s11, $0x180  }
.Ltmp3:
0x100: {  	s11 =	simm.s32 @!p1 $0x180;
	(pc) =	sbr.rel @p0 .LBB2_8-.Ltmp3, $4  }
0x101: {  	v6 =	vmov s11  }
0x102: {  	v6 =	vadd.s32 $0xFFFFFFFF, v6  }
0x103: {  	[tilespmem:v5+s8+$0x0] =	vst.idx.msk $0xffff, v7  }
0x104: {  	v7 =	vld [tilespmem:s14+$0x5A00]  }
0x105: {  	_ =	sdelay $0x3  }
0x106: {  	s11 =	sshra.s32 s12, $0x2;
	[tilespmem:v5+s9+$0x0] =	vst.idx.msk $0xffff, v7  }
0x107: {  	v5 =	vld [tilespmem:s11+$0x0];
	_ =	sdelay $0x4  }
0x108: {  	vm0 =	vgt.f32 v5, $-1.000000020e+30  }
0x109: {  	v7 =	vsel vm0, $0x1, v3  }
0x10a: {  	(xrf0) =	vadd.scan.msk.s32 $0xffff, v7;
	_ =	sdelay $0x4  }
0x10b: {  	v6 =	vbroadcast v6, $0x0  }
0x10c: {  	v7, _, _ =	vpop (xrf0)  }
0x10d: {  	v6 =	vadd.s32 v7, v6  }
0x10e: {  	v6 =	vsel vm0, v6, v4;
	_ =	sdelay $0x4  }
0x10f: {  	[tilespmem:v6+s4+$0x0] =	vst.idx.msk $0xffff, v5  }
0x110: {  	v5 =	vld [tilespmem:s11+$0x1200];
	_ =	sdelay $0x4  }
0x111: {  	[tilespmem:v6+s5+$0x0] =	vst.idx.msk $0xffff, v5  }
0x112: {  	v5 =	vxor.u32 $0x80000000, v7;
	v7 =	vld [tilespmem:s11+$0x2400]  }
0x113: {  	(xrf0) =	vmax.scan.msk.u32 $0xffff, v5;
	_ =	sdelay $0x3  }
0x114: {  	[tilespmem:v6+s6+$0x0] =	vst.idx.msk $0xffff, v7  }
0x115: {  	v5 =	vld [tilespmem:s11+$0x3600]  }
0x116: {  	v7, _, _ =	vpop (xrf0)  }
0x117: {  	(v2sf) =	vpush v7, $0xF;
	_ =	sdelay $0x2  }
0x118: {  	[tilespmem:v6+s7+$0x0] =	vst.idx.msk $0xffff, v5  }
0x119: {  	v5 =	vld [tilespmem:s11+$0x4800];
	_ =	sdelay $0x4  }
0x11a: {  	[tilespmem:v6+s8+$0x0] =	vst.idx.msk $0xffff, v5  }
0x11b: {  	v5 =	vld [tilespmem:s11+$0x5A00];
	_ =	sdelay $0x4  }
0x11c: {  	s15 =	spop (v2sf);
	[tilespmem:v6+s9+$0x0] =	vst.idx.msk $0xffff, v5  }
0x11d: {  	[hbm4b:s21+s29] =	stream.strided.scatter [tilespmem:s4], [sflag:$0x1], $0x180, s30, s29, $0x38;
	[tilespmem:$0x7800] =	vst v63  }
0x11e: {  	_ =	swait.ge [sflag:s31], $0x180  }
0x11f: {  	[sflag:s31] =	ssyncset.done $0x0  }
0x120: {  	[sflag:s31] =	ssyncadd.s32 $0xFFFFFE80  }
0x121: {  	[hbm4b:s22+s29] =	stream.strided.scatter [tilespmem:s5], [sflag:$0x1], $0x180, s30, s29, $0x38;
	[tilespmem:$0x7800] =	vst v63  }
0x122: {  	_ =	swait.ge [sflag:s31], $0x180  }
0x123: {  	[sflag:s31] =	ssyncset.done $0x0  }
0x124: {  	[sflag:s31] =	ssyncadd.s32 $0xFFFFFE80  }
0x125: {  	[hbm4b:s23+s29] =	stream.strided.scatter [tilespmem:s6], [sflag:$0x1], $0x180, s30, s29, $0x38;
	[tilespmem:$0x7800] =	vst v63  }
0x126: {  	_ =	swait.ge [sflag:s31], $0x180  }
0x127: {  	[sflag:s31] =	ssyncset.done $0x0  }
0x128: {  	[sflag:s31] =	ssyncadd.s32 $0xFFFFFE80  }
0x129: {  	[hbm4b:s24+s29] =	stream.strided.scatter [tilespmem:s7], [sflag:$0x1], $0x180, s30, s29, $0x38;
	[tilespmem:$0x7800] =	vst v63  }
0x12a: {  	_ =	swait.ge [sflag:s31], $0x180  }
0x12b: {  	[sflag:s31] =	ssyncset.done $0x0  }
0x12c: {  	[sflag:s31] =	ssyncadd.s32 $0xFFFFFE80  }
0x12d: {  	[hbm4b:s25+s29] =	stream.strided.scatter [tilespmem:s8], [sflag:$0x1], $0x180, s30, s29, $0x38;
	[tilespmem:$0x7800] =	vst v63  }
0x12e: {  	s10 =	sadd.s32 $0x1, s10;
	_ =	swait.ge [sflag:s31], $0x180  }
0x12f: {  	p0 =	sne.s32 s10, s28;
	[sflag:s31] =	ssyncset.done $0x0  }
.Ltmp4:
0x130: {  	[sflag:s31] =	ssyncadd.s32 $0xFFFFFE80;
	(pc) =	sbr.rel @p0 .LBB2_1-.Ltmp4, $4  }
0x131: {  	[hbm4b:s26+s29] =	stream.strided.scatter [tilespmem:s9], [sflag:$0x1], $0x180, s30, s29, $0x38;
	[tilespmem:$0x7800] =	vst v63  }
0x132: {  	_ =	swait.ge [sflag:s31], $0x180  }
0x133: {  	[sflag:s31] =	ssyncset.done $0x0  }
0x134: {  	[sflag:s31] =	ssyncadd.s32 $0xFFFFFE80  }
0x135: {  	_ =	sfence.sel $0x180000  }
0x136: {  	[bflag:$0x0] =	sbarrier.arrive $0xFFFF  }
0x137: {  	_ =	strace $0x90000047  }
0x138: {  	s0 =	stileid.u32;
	[bflag:$0x2] =	sbarrier.arrive $0xFFFF  }
0x139: {  	p0 =	sne.s32 s0, $0x0;
	s0 =	rddreg [dreg:$0x1]  }
0x13a: {  	s0 =	sadd.s32 @!p0 $0x100000, s0  }
0x13b: {  	[sflag:s0] =	ssyncadd.tile.s32 @!p0 $0x1;
	_ =	shalt  }
.Lfunc_end2:
_tile_overlayer_lowered:
.L_overlay_start_2:
0x13c: {  	(tag) =	ssettag $0x2  }
0x13d: {  	s0 =	rddreg [dreg:$0x0];
	s2 =	stileid.u32  }
0x13e: {  	s1 =	rddreg [dreg:$0x1];
	p0 =	sne.s32 s2, $0x0  }
0x13f: {  	s3 =	rddreg [dreg:$0x2];
	[bflag:$0x3] =	sbarrier.arrive $0xFFFF;
	s2 =	simm.s32 @!p0 $0x1C01  }
0x140: {  	[timem:s3], [sflag:s2] =	dma.local @!p0 [hbm:s0], s1  }
0x141: {  	s0 =	simm.s32 @!p0 $0x1  }
0x142: {  	_ =	swait.ge @!p0 [sflag:s0], s1  }
0x143: {  	s1 =	ssub.s32 @!p0 $0x0, s1;
	[sflag:s0] =	ssyncset.done @!p0 $0x0  }
0x144: {  	[sflag:s0] =	ssyncadd.s32 @!p0 s1  }
0x145: {  	[bflag:$0x3] =	sbarrier.arrive $0xFFFF  }
0x146: {  	_ =	shalt  }

</sc_bundles>
